<compile_context>
chip_gen: v7x
topology: tpu7x:2x2x1
jax: 0.10.2.dev20260603
libtpu: 0.0.44.dev20260713+nightly
codegen_flags: <defaults>
</compile_context>

<pallas_src>
import functools

import jax
import jax.numpy as jnp
from jax import lax
from jax.experimental import pallas as pl
from jax.experimental.pallas import tpu as pltpu
from jax.experimental.pallas import tpu_sc as plsc

_N_SHARED = 2
_N_EXPERTS = 8
_TOP_K = 2
_D = 1024
_F = 4096
_T = 2048

_TILE = 256
_NPAD_R = _T * _TOP_K + _N_EXPERTS * _TILE
_NPAD = _NPAD_R + _N_SHARED * _T
_NTILES = _NPAD // _TILE
_NEG = -1e30


def _gating_body(x_ref, gw_ref, gb_ref, w_ref, e_ref):
    x = x_ref[...]
    logits = jnp.dot(x, gw_ref[...], preferred_element_type=jnp.float32)
    logits = logits + gb_ref[...]
    col = lax.broadcasted_iota(jnp.int32, logits.shape, 1)
    m1 = jnp.max(logits, axis=1, keepdims=True)
    a1 = jnp.argmax(logits, axis=1).astype(jnp.int32)
    masked = jnp.where(col == a1[:, None], _NEG, logits)
    m2 = jnp.max(masked, axis=1, keepdims=True)
    a2 = jnp.argmax(masked, axis=1).astype(jnp.int32)
    z = jnp.sum(jnp.exp(logits - m1), axis=1, keepdims=True)
    lse = m1 + jnp.log(z)
    w_ref[...] = jnp.concatenate([jnp.exp(m1 - lse), jnp.exp(m2 - lse)], axis=1)
    e_ref[...] = jnp.stack([a1, a2], axis=1)


def _gating(x, gate_W, gate_b):
    gw = jnp.zeros((_D, 128), jnp.float32).at[:, :_N_EXPERTS].set(gate_W)
    gb = jnp.full((1, 128), _NEG, jnp.float32).at[0, :_N_EXPERTS].set(gate_b)
    return pl.pallas_call(
        _gating_body,
        grid=(_T // 256,),
        in_specs=[
            pl.BlockSpec((256, _D), lambda i: (i, 0)),
            pl.BlockSpec((_D, 128), lambda i: (0, 0)),
            pl.BlockSpec((1, 128), lambda i: (0, 0)),
        ],
        out_specs=[
            pl.BlockSpec((256, _TOP_K), lambda i: (i, 0)),
            pl.BlockSpec((256, _TOP_K), lambda i: (i, 0)),
        ],
        out_shape=[
            jax.ShapeDtypeStruct((_T, _TOP_K), jnp.float32),
            jax.ShapeDtypeStruct((_T, _TOP_K), jnp.int32),
        ],
    )(x, gw, gb)


@functools.lru_cache(maxsize=None)
def _make_sc_gather(n_rows_table, n_rows_out):
    nw = 32
    per_w = n_rows_out // nw
    ch = 32
    n_ch = per_w // ch
    mesh = plsc.VectorSubcoreMesh(core_axis_name="c", subcore_axis_name="s")

    @functools.partial(
        pl.kernel,
        mesh=mesh,
        out_type=jax.ShapeDtypeStruct((n_rows_out, _D), jnp.float32),
        scratch_types=[
            pltpu.VMEM((n_ch, ch), jnp.int32),
            pltpu.VMEM((2, ch, _D), jnp.float32),
            pltpu.SemaphoreType.DMA,
            pltpu.SemaphoreType.DMA,
        ],
    )
    def k(table_hbm, idx_hbm, out_hbm, idx_v, rows_v, sem0, sem1):
        wid = lax.axis_index("s") * 2 + lax.axis_index("c")
        base = wid * per_w
        pltpu.sync_copy(idx_hbm.at[wid], idx_v)
        sems = (sem0, sem1)
        cps = [None] * n_ch
        cps[0] = pltpu.async_copy(table_hbm.at[idx_v.at[0]], rows_v.at[0], sems[0])
        for ci in range(n_ch):
            if ci + 1 < n_ch:
                cps[ci + 1] = pltpu.async_copy(
                    table_hbm.at[idx_v.at[ci + 1]], rows_v.at[(ci + 1) % 2],
                    sems[(ci + 1) % 2])
            cps[ci].wait()
            pltpu.sync_copy(rows_v.at[ci % 2], out_hbm.at[pl.ds(base + ci * ch, ch)])

    def run(table, idx):
        idx3 = idx.reshape(nw, n_ch, ch)
        return k(table, idx3)

    return run


def _gather_x(table, idx):
    return _make_sc_gather(_T, _NPAD_R)(table, idx)


def _gather_y(table, idx):
    return _make_sc_gather(_NPAD, _T * _TOP_K)(table, idx)


_N_RTILES = _NPAD_R // _TILE


_FBLK = 1024
_NF = _F // _FBLK


def _ffn_body(eid_ref, xs_ref, xd_ref, w1_ref, b1_ref, w2_ref, b2_ref,
              wp_ref, y_ref):
    i = pl.program_id(0)
    f = pl.program_id(1)
    is_shared = eid_ref[i] >= _N_EXPERTS
    x = jnp.where(is_shared, xd_ref[...], xs_ref[...]).astype(jnp.bfloat16)
    h = jnp.dot(x, w1_ref[0], preferred_element_type=jnp.float32) + b1_ref[0]
    h = jax.nn.gelu(h)
    part = jnp.dot(h.astype(jnp.bfloat16), w2_ref[0],
                   preferred_element_type=jnp.float32)

    @pl.when(f == 0)
    def _():
        y_ref[...] = part

    @pl.when(f > 0)
    def _():
        y_ref[...] += part

    @pl.when(f == _NF - 1)
    def _():
        y_ref[...] = (y_ref[...] + b2_ref[0]) * wp_ref[...]


def _grouped_ffn(x_sorted, x, W1, b1, W2, b2, w_pad, eids):
    grid_spec = pltpu.PrefetchScalarGridSpec(
        num_scalar_prefetch=1,
        grid=(_NTILES, _NF),
        in_specs=[
            pl.BlockSpec((_TILE, _D),
                         lambda i, f, eid: (jnp.where(i < _N_RTILES, i, 0), 0)),
            pl.BlockSpec((_TILE, _D),
                         lambda i, f, eid: (jnp.where(i < _N_RTILES, 0,
                                                      (i - _N_RTILES) % (_T // _TILE)), 0)),
            pl.BlockSpec((1, _D, _FBLK), lambda i, f, eid: (eid[i], 0, f)),
            pl.BlockSpec((1, 1, _FBLK), lambda i, f, eid: (eid[i], 0, f)),
            pl.BlockSpec((1, _FBLK, _D), lambda i, f, eid: (eid[i], f, 0)),
            pl.BlockSpec((1, 1, _D), lambda i, f, eid: (eid[i], 0, 0)),
            pl.BlockSpec((_TILE, 1), lambda i, f, eid: (i, 0)),
        ],
        out_specs=pl.BlockSpec((_TILE, _D), lambda i, f, eid: (i, 0)),
    )
    return pl.pallas_call(
        _ffn_body,
        grid_spec=grid_spec,
        out_shape=jax.ShapeDtypeStruct((_NPAD, _D), jnp.float32),
    )(eids, x_sorted, x, W1, b1, W2, b2, w_pad)


def _combine_body(z0_ref, z1_ref, s0_ref, s1_ref, o_ref):
    o_ref[...] = z0_ref[...] + z1_ref[...] + s0_ref[...] + s1_ref[...]


def _combine(z, y):
    nt = _T // _TILE
    r = _NPAD_R // _TILE
    return pl.pallas_call(
        _combine_body,
        grid=(nt,),
        in_specs=[
            pl.BlockSpec((_TILE, _D), lambda i: (i, 0)),
            pl.BlockSpec((_TILE, _D), lambda i: (nt + i, 0)),
            pl.BlockSpec((_TILE, _D), lambda i: (r + i, 0)),
            pl.BlockSpec((_TILE, _D), lambda i: (r + nt + i, 0)),
        ],
        out_specs=pl.BlockSpec((_TILE, _D), lambda i: (i, 0)),
        out_shape=jax.ShapeDtypeStruct((_T, _D), jnp.float32),
    )(z, z, y, y)


def kernel(x, shared_W1, shared_b1, shared_W2, shared_b2,
           routed_W1, routed_b1, routed_W2, routed_b2, gate_W, gate_b):
    i32 = jnp.int32

    w, e = _gating(x, gate_W, gate_b)

    e_flat = e.reshape(-1)
    counts = jnp.bincount(e_flat, length=_N_EXPERTS).astype(i32)
    padded = ((counts + _TILE - 1) // _TILE) * _TILE
    poff = jnp.concatenate([jnp.zeros(1, i32), jnp.cumsum(padded)[:-1].astype(i32)])
    ustart = jnp.concatenate([jnp.zeros(1, i32), jnp.cumsum(counts)[:-1].astype(i32)])
    order = jnp.argsort(e_flat, stable=True).astype(i32)
    e_sorted = e_flat[order]
    ranks = jnp.arange(_T * _TOP_K, dtype=i32) - ustart[e_sorted]
    dest_sorted = poff[e_sorted] + ranks
    dest = jnp.zeros(_T * _TOP_K, i32).at[order].set(dest_sorted)

    row_ids = (jnp.arange(_NPAD_R, dtype=i32) % _T).at[dest].set(
        jnp.arange(_T * _TOP_K, dtype=i32) // _TOP_K)

    w_pad = jnp.zeros(_NPAD_R, jnp.float32).at[dest].set(w.reshape(-1))
    w_pad = jnp.concatenate([w_pad, jnp.ones(_N_SHARED * _T, jnp.float32)])
    w_pad = w_pad.reshape(_NPAD, 1)

    ends = jnp.cumsum(padded).astype(i32)
    routed_tiles = jnp.arange(_NPAD_R // _TILE, dtype=i32) * _TILE
    tile_e = jnp.clip(jnp.searchsorted(ends, routed_tiles, side="right"),
                      0, _N_EXPERTS - 1).astype(i32)
    shared_tiles = jnp.repeat(
        jnp.arange(_N_EXPERTS, _N_EXPERTS + _N_SHARED, dtype=i32), _T // _TILE)
    eids = jnp.concatenate([tile_e, shared_tiles])

    W1 = jnp.concatenate([routed_W1, shared_W1]).astype(jnp.bfloat16)
    W2 = jnp.concatenate([routed_W2, shared_W2]).astype(jnp.bfloat16)
    b1 = jnp.concatenate([routed_b1, shared_b1]).reshape(
        _N_EXPERTS + _N_SHARED, 1, _F)
    b2 = jnp.concatenate([routed_b2, shared_b2]).reshape(
        _N_EXPERTS + _N_SHARED, 1, _D)

    x_sorted = _gather_x(x, row_ids)

    y = _grouped_ffn(x_sorted, x, W1, b1, W2, b2, w_pad, eids)

    idx_z = jnp.concatenate([dest[0::2], dest[1::2]])
    z = _gather_y(y, idx_z)

    return _combine(z, y)

# --- scband reference (transcript-rebuilt; emitter-appended) ---
"""Pipeline reference for scband-mix-of-experts-17386027615047 (READ-ONLY COPY).

The authoritative reference and input builder live on the scoring server;
editing this copy changes nothing except your own understanding.
"""

import jax, jax.numpy as jnp
import numpy as np

N_SHARED = 2
N_EXPERTS = 8
TOP_K = 2
D_MODEL = 1024
D_FF = 4096
N_TOK = 2048


def expert_ffn(x, W1, b1, W2, b2):
    h = jax.nn.gelu(x @ W1 + b1)
    return h @ W2 + b2


def setup_inputs(seed: int = 0) -> dict:
    key = jax.random.key(seed)
    ks = jax.random.split(key, 12)
    s1 = 1.0 / np.sqrt(D_MODEL)
    s2 = 1.0 / np.sqrt(D_FF)
    x = jax.random.normal(ks[0], (N_TOK, D_MODEL), dtype=jnp.float32)
    shared_W1 = jax.random.normal(ks[1], (N_SHARED, D_MODEL, D_FF), dtype=jnp.float32) * s1
    shared_b1 = jnp.zeros((N_SHARED, D_FF), dtype=jnp.float32)
    shared_W2 = jax.random.normal(ks[2], (N_SHARED, D_FF, D_MODEL), dtype=jnp.float32) * s2
    shared_b2 = jnp.zeros((N_SHARED, D_MODEL), dtype=jnp.float32)
    routed_W1 = jax.random.normal(ks[3], (N_EXPERTS, D_MODEL, D_FF), dtype=jnp.float32) * s1
    routed_b1 = jnp.zeros((N_EXPERTS, D_FF), dtype=jnp.float32)
    routed_W2 = jax.random.normal(ks[4], (N_EXPERTS, D_FF, D_MODEL), dtype=jnp.float32) * s2
    routed_b2 = jnp.zeros((N_EXPERTS, D_MODEL), dtype=jnp.float32)
    gate_W = jax.random.normal(ks[5], (D_MODEL, N_EXPERTS), dtype=jnp.float32) * s1
    gate_b = jnp.zeros((N_EXPERTS,), dtype=jnp.float32)
    return {
        "x": x,
        "shared_W1": shared_W1, "shared_b1": shared_b1,
        "shared_W2": shared_W2, "shared_b2": shared_b2,
        "routed_W1": routed_W1, "routed_b1": routed_b1,
        "routed_W2": routed_W2, "routed_b2": routed_b2,
        "gate_W": gate_W, "gate_b": gate_b,
    }


def reference(x, shared_W1, shared_b1, shared_W2, shared_b2,
              routed_W1, routed_b1, routed_W2, routed_b2,
              gate_W, gate_b):
    # shared experts: sum of all shared expert outputs on every token
    shared_outs = jax.vmap(lambda W1, b1, W2, b2: expert_ffn(x, W1, b1, W2, b2))(
        shared_W1, shared_b1, shared_W2, shared_b2)  # [n_shared, T, D]
    shared_out = jnp.sum(shared_outs, axis=0)

    # routing
    routed_logits = x @ gate_W + gate_b                     # [T, E]
    probs = jax.nn.softmax(routed_logits, axis=-1)
    topk_probs, topk_idx = jax.lax.top_k(probs, TOP_K)      # [T, K]

    # combine weights per expert: sum over top-k slots where expert chosen
    onehot = jax.nn.one_hot(topk_idx, N_EXPERTS, dtype=probs.dtype)  # [T, K, E]
    combine = jnp.einsum('tk,tke->te', topk_probs, onehot)           # [T, E]

    # routed expert outputs (dense-equivalent of masked dispatch; same math)
    expert_outs = jax.vmap(lambda W1, b1, W2, b2: expert_ffn(x, W1, b1, W2, b2))(
        routed_W1, routed_b1, routed_W2, routed_b2)          # [E, T, D]
    routed_out = jnp.einsum('te,etd->td', combine, expert_outs)

    return shared_out + routed_out

if __name__ == "__main__":
    import jax
    _d = setup_inputs()
    print(jax.jit(kernel)(*tuple(_d.values())))

</pallas_src>

<mosaic_0001>
#map = affine_map<(d0, d1) -> (0, 0)>
#map1 = affine_map<(d0, d1) -> (0, 0, 0)>
module attributes {stable_mosaic.version = 14 : i64} {
  func.func @k(%arg0: i32, %arg1: i32, %arg2: memref<2048x1024xf32, #tpu.memory_space<hbm>>, %arg3: memref<32x6x32xi32, #tpu.memory_space<hbm>>, %arg4: memref<6144x1024xf32, #tpu.memory_space<hbm>>, %arg5: memref<6x32xi32, #tpu.memory_space<vmem>>, %arg6: memref<2x32x1024xf32, #tpu.memory_space<vmem>>, %arg7: memref<!tpu.dma_semaphore, #tpu.memory_space<semaphore_mem>>, %arg8: memref<!tpu.dma_semaphore, #tpu.memory_space<semaphore_mem>>) attributes {dimension_semantics = [#tpu.dimension_semantics<core_parallel>, #tpu.dimension_semantics<subcore_parallel>], iteration_bounds = array<i64: 2, 16>, scalar_prefetch = 0 : i64, scratch_operands = 4 : i64, tpu.core_type = #tpu.core_type<sc_vector_subcore>, window_params = [{transform_indices = #map}, {transform_indices = #map1}, {transform_indices = #map}]} {
    %mul3A = arith.constant 2 : i32
    %mul3A_0 = arith.muli %arg1, %mul3A : i32
    %add3A = arith.addi %mul3A_0, %arg0 : i32
    %mul3A_1 = arith.constant 192 : i32
    %mul3A_2 = arith.muli %add3A, %mul3A_1 : i32
    "tpu.region"() ({
      %run_scoped3A_162 = tpu.sem_alloc : memref<!tpu.dma_semaphore, #tpu.memory_space<semaphore_mem>>
      %dma_start3A_163 = arith.constant 0 : i32
      %dma_start3A_164 = arith.constant 0 : i32
      %dma_start3A_165 = tpu.memref_slice %arg3[%add3A, %dma_start3A_163, %dma_start3A_164] : memref<32x6x32xi32, #tpu.memory_space<hbm>> -> memref<1x6x32xi32, #tpu.memory_space<hbm>>
      %dma_start3A_166 = tpu.memref_squeeze %dma_start3A_165 : memref<1x6x32xi32, #tpu.memory_space<hbm>> -> memref<6x32xi32, #tpu.memory_space<hbm>>
      %dma_start3A_167 = arith.constant 0 : i32
      %dma_start3A_168 = arith.constant 0 : i32
      %dma_start3A_169 = tpu.memref_slice %arg3[%add3A, %dma_start3A_167, %dma_start3A_168] : memref<32x6x32xi32, #tpu.memory_space<hbm>> -> memref<1x6x32xi32, #tpu.memory_space<hbm>>
      %dma_start3A_170 = tpu.memref_squeeze %dma_start3A_169 : memref<1x6x32xi32, #tpu.memory_space<hbm>> -> memref<6x32xi32, #tpu.memory_space<hbm>>
      tpu.enqueue_dma source(%dma_start3A_170 : memref<6x32xi32, #tpu.memory_space<hbm>>) target(%arg5 : memref<6x32xi32, #tpu.memory_space<vmem>>) target_semaphore(%run_scoped3A_162 : memref<!tpu.dma_semaphore, #tpu.memory_space<semaphore_mem>>)
      %dma_wait3A_171 = arith.constant 0 : i32
      %dma_wait3A_172 = arith.constant 0 : i32
      %dma_wait3A_173 = tpu.memref_slice %arg3[%add3A, %dma_wait3A_171, %dma_wait3A_172] : memref<32x6x32xi32, #tpu.memory_space<hbm>> -> memref<1x6x32xi32, #tpu.memory_space<hbm>>
      %dma_wait3A_174 = tpu.memref_squeeze %dma_wait3A_173 : memref<1x6x32xi32, #tpu.memory_space<hbm>> -> memref<6x32xi32, #tpu.memory_space<hbm>>
      %dma_wait3A_175 = arith.constant 0 : i32
      %dma_wait3A_176 = arith.constant 0 : i32
      %dma_wait3A_177 = tpu.memref_slice %arg3[%add3A, %dma_wait3A_175, %dma_wait3A_176] : memref<32x6x32xi32, #tpu.memory_space<hbm>> -> memref<1x6x32xi32, #tpu.memory_space<hbm>>
      %dma_wait3A_178 = tpu.memref_squeeze %dma_wait3A_177 : memref<1x6x32xi32, #tpu.memory_space<hbm>> -> memref<6x32xi32, #tpu.memory_space<hbm>>
      tpu.wait_dma2 semaphore(%run_scoped3A_162 : memref<!tpu.dma_semaphore, #tpu.memory_space<semaphore_mem>>) src(%dma_wait3A_178 : memref<6x32xi32, #tpu.memory_space<hbm>>) dst(%arg5 : memref<6x32xi32, #tpu.memory_space<vmem>>)
      tpu.yield
    }) : () -> ()
    %dma_start3A = arith.constant 0 : i32
    %dma_start3A_3 = arith.constant 0 : i32
    %dma_start3A_4 = arith.constant 0 : i32
    %dma_start3A_5 = arith.constant 0 : i32
    %dma_start3A_6 = tpu.memref_slice %arg6[%dma_start3A_3, %dma_start3A_4, %dma_start3A_5] : memref<2x32x1024xf32, #tpu.memory_space<vmem>> -> memref<1x32x1024xf32, #tpu.memory_space<vmem>>
    %dma_start3A_7 = tpu.memref_squeeze %dma_start3A_6 : memref<1x32x1024xf32, #tpu.memory_space<vmem>> -> memref<32x1024xf32, #tpu.memory_space<vmem>>
    %dma_start3A_8 = arith.constant 0 : i32
    %dma_start3A_9 = tpu.memref_slice %arg5[%dma_start3A, %dma_start3A_8] : memref<6x32xi32, #tpu.memory_space<vmem>> -> memref<1x32xi32, #tpu.memory_space<vmem>>
    %dma_start3A_10 = tpu.memref_squeeze %dma_start3A_9 : memref<1x32xi32, #tpu.memory_space<vmem>> -> memref<32xi32, #tpu.memory_space<vmem>>
    %dma_start3A_11 = arith.constant 0 : i32
    %dma_start3A_12 = arith.constant 0 : i32
    %dma_start3A_13 = tpu.memref_slice %arg2[%dma_start3A_11, %dma_start3A_12] : memref<2048x1024xf32, #tpu.memory_space<hbm>> -> memref<2048x1024xf32, #tpu.memory_space<hbm>>
    tpu.enqueue_indirect_dma source(%dma_start3A_13 : memref<2048x1024xf32, #tpu.memory_space<hbm>>) target(%dma_start3A_7 : memref<32x1024xf32, #tpu.memory_space<vmem>>) offsets(%dma_start3A_10 : memref<32xi32, #tpu.memory_space<vmem>>) semaphore(%arg7 : memref<!tpu.dma_semaphore, #tpu.memory_space<semaphore_mem>>)
    %dma_start3A_14 = arith.constant 1 : i32
    %dma_start3A_15 = arith.constant 1 : i32
    %dma_start3A_16 = arith.constant 0 : i32
    %dma_start3A_17 = arith.constant 0 : i32
    %dma_start3A_18 = tpu.memref_slice %arg6[%dma_start3A_15, %dma_start3A_16, %dma_start3A_17] : memref<2x32x1024xf32, #tpu.memory_space<vmem>> -> memref<1x32x1024xf32, #tpu.memory_space<vmem>>
    %dma_start3A_19 = tpu.memref_squeeze %dma_start3A_18 : memref<1x32x1024xf32, #tpu.memory_space<vmem>> -> memref<32x1024xf32, #tpu.memory_space<vmem>>
    %dma_start3A_20 = arith.constant 0 : i32
    %dma_start3A_21 = tpu.memref_slice %arg5[%dma_start3A_14, %dma_start3A_20] : memref<6x32xi32, #tpu.memory_space<vmem>> -> memref<1x32xi32, #tpu.memory_space<vmem>>
    %dma_start3A_22 = tpu.memref_squeeze %dma_start3A_21 : memref<1x32xi32, #tpu.memory_space<vmem>> -> memref<32xi32, #tpu.memory_space<vmem>>
    %dma_start3A_23 = arith.constant 0 : i32
    %dma_start3A_24 = arith.constant 0 : i32
    %dma_start3A_25 = tpu.memref_slice %arg2[%dma_start3A_23, %dma_start3A_24] : memref<2048x1024xf32, #tpu.memory_space<hbm>> -> memref<2048x1024xf32, #tpu.memory_space<hbm>>
    tpu.enqueue_indirect_dma source(%dma_start3A_25 : memref<2048x1024xf32, #tpu.memory_space<hbm>>) target(%dma_start3A_19 : memref<32x1024xf32, #tpu.memory_space<vmem>>) offsets(%dma_start3A_22 : memref<32xi32, #tpu.memory_space<vmem>>) semaphore(%arg8 : memref<!tpu.dma_semaphore, #tpu.memory_space<semaphore_mem>>)
    %dma_wait3A = arith.constant 0 : i32
    %dma_wait3A_26 = arith.constant 0 : i32
    %dma_wait3A_27 = arith.constant 0 : i32
    %dma_wait3A_28 = arith.constant 0 : i32
    %dma_wait3A_29 = tpu.memref_slice %arg6[%dma_wait3A_26, %dma_wait3A_27, %dma_wait3A_28] : memref<2x32x1024xf32, #tpu.memory_space<vmem>> -> memref<1x32x1024xf32, #tpu.memory_space<vmem>>
    %dma_wait3A_30 = tpu.memref_squeeze %dma_wait3A_29 : memref<1x32x1024xf32, #tpu.memory_space<vmem>> -> memref<32x1024xf32, #tpu.memory_space<vmem>>
    %dma_wait3A_31 = arith.constant 0 : i32
    %dma_wait3A_32 = tpu.memref_slice %arg5[%dma_wait3A, %dma_wait3A_31] : memref<6x32xi32, #tpu.memory_space<vmem>> -> memref<1x32xi32, #tpu.memory_space<vmem>>
    %dma_wait3A_33 = tpu.memref_squeeze %dma_wait3A_32 : memref<1x32xi32, #tpu.memory_space<vmem>> -> memref<32xi32, #tpu.memory_space<vmem>>
    %dma_wait3A_34 = arith.constant 0 : i32
    %dma_wait3A_35 = arith.constant 0 : i32
    %dma_wait3A_36 = tpu.memref_slice %arg2[%dma_wait3A_34, %dma_wait3A_35] : memref<2048x1024xf32, #tpu.memory_space<hbm>> -> memref<2048x1024xf32, #tpu.memory_space<hbm>>
    tpu.wait_indirect_dma semaphore(%arg7 : memref<!tpu.dma_semaphore, #tpu.memory_space<semaphore_mem>>) src(%dma_wait3A_36 : memref<2048x1024xf32, #tpu.memory_space<hbm>>) dst(%dma_wait3A_30 : memref<32x1024xf32, #tpu.memory_space<vmem>>)
    %add3A_37 = arith.constant 0 : i32
    %add3A_38 = arith.addi %mul3A_2, %add3A_37 : i32
    %run_scoped3A = arith.constant 0 : i32
    "tpu.region"() ({
      %run_scoped3A_162 = tpu.sem_alloc : memref<!tpu.dma_semaphore, #tpu.memory_space<semaphore_mem>>
      %dma_start3A_163 = arith.constant 0 : i32
      %dma_start3A_164 = arith.constant 0 : i32
      %dma_start3A_165 = tpu.memref_slice %arg6[%run_scoped3A, %dma_start3A_163, %dma_start3A_164] : memref<2x32x1024xf32, #tpu.memory_space<vmem>> -> memref<1x32x1024xf32, #tpu.memory_space<vmem>>
      %dma_start3A_166 = tpu.memref_squeeze %dma_start3A_165 : memref<1x32x1024xf32, #tpu.memory_space<vmem>> -> memref<32x1024xf32, #tpu.memory_space<vmem>>
      %dma_start3A_167 = arith.constant 0 : i32
      %dma_start3A_168 = tpu.memref_slice %arg4[%add3A_38, %dma_start3A_167] : memref<6144x1024xf32, #tpu.memory_space<hbm>> -> memref<32x1024xf32, #tpu.memory_space<hbm>>
      %dma_start3A_169 = arith.constant 0 : i32
      %dma_start3A_170 = tpu.memref_slice %arg4[%add3A_38, %dma_start3A_169] : memref<6144x1024xf32, #tpu.memory_space<hbm>> -> memref<32x1024xf32, #tpu.memory_space<hbm>>
      %dma_start3A_171 = arith.constant 0 : i32
      %dma_start3A_172 = arith.constant 0 : i32
      %dma_start3A_173 = tpu.memref_slice %arg6[%run_scoped3A, %dma_start3A_171, %dma_start3A_172] : memref<2x32x1024xf32, #tpu.memory_space<vmem>> -> memref<1x32x1024xf32, #tpu.memory_space<vmem>>
      %dma_start3A_174 = tpu.memref_squeeze %dma_start3A_173 : memref<1x32x1024xf32, #tpu.memory_space<vmem>> -> memref<32x1024xf32, #tpu.memory_space<vmem>>
      tpu.enqueue_dma source(%dma_start3A_174 : memref<32x1024xf32, #tpu.memory_space<vmem>>) target(%dma_start3A_170 : memref<32x1024xf32, #tpu.memory_space<hbm>>) target_semaphore(%run_scoped3A_162 : memref<!tpu.dma_semaphore, #tpu.memory_space<semaphore_mem>>)
      %dma_wait3A_175 = arith.constant 0 : i32
      %dma_wait3A_176 = arith.constant 0 : i32
      %dma_wait3A_177 = tpu.memref_slice %arg6[%run_scoped3A, %dma_wait3A_175, %dma_wait3A_176] : memref<2x32x1024xf32, #tpu.memory_space<vmem>> -> memref<1x32x1024xf32, #tpu.memory_space<vmem>>
      %dma_wait3A_178 = tpu.memref_squeeze %dma_wait3A_177 : memref<1x32x1024xf32, #tpu.memory_space<vmem>> -> memref<32x1024xf32, #tpu.memory_space<vmem>>
      %dma_wait3A_179 = arith.constant 0 : i32
      %dma_wait3A_180 = tpu.memref_slice %arg4[%add3A_38, %dma_wait3A_179] : memref<6144x1024xf32, #tpu.memory_space<hbm>> -> memref<32x1024xf32, #tpu.memory_space<hbm>>
      %dma_wait3A_181 = arith.constant 0 : i32
      %dma_wait3A_182 = tpu.memref_slice %arg4[%add3A_38, %dma_wait3A_181] : memref<6144x1024xf32, #tpu.memory_space<hbm>> -> memref<32x1024xf32, #tpu.memory_space<hbm>>
      %dma_wait3A_183 = arith.constant 0 : i32
      %dma_wait3A_184 = arith.constant 0 : i32
      %dma_wait3A_185 = tpu.memref_slice %arg6[%run_scoped3A, %dma_wait3A_183, %dma_wait3A_184] : memref<2x32x1024xf32, #tpu.memory_space<vmem>> -> memref<1x32x1024xf32, #tpu.memory_space<vmem>>
      %dma_wait3A_186 = tpu.memref_squeeze %dma_wait3A_185 : memref<1x32x1024xf32, #tpu.memory_space<vmem>> -> memref<32x1024xf32, #tpu.memory_space<vmem>>
      tpu.wait_dma2 semaphore(%run_scoped3A_162 : memref<!tpu.dma_semaphore, #tpu.memory_space<semaphore_mem>>) src(%dma_wait3A_186 : memref<32x1024xf32, #tpu.memory_space<vmem>>) dst(%dma_wait3A_182 : memref<32x1024xf32, #tpu.memory_space<hbm>>)
      tpu.yield
    }) : () -> ()
    %dma_start3A_39 = arith.constant 2 : i32
    %dma_start3A_40 = arith.constant 0 : i32
    %dma_start3A_41 = arith.constant 0 : i32
    %dma_start3A_42 = arith.constant 0 : i32
    %dma_start3A_43 = tpu.memref_slice %arg6[%dma_start3A_40, %dma_start3A_41, %dma_start3A_42] : memref<2x32x1024xf32, #tpu.memory_space<vmem>> -> memref<1x32x1024xf32, #tpu.memory_space<vmem>>
    %dma_start3A_44 = tpu.memref_squeeze %dma_start3A_43 : memref<1x32x1024xf32, #tpu.memory_space<vmem>> -> memref<32x1024xf32, #tpu.memory_space<vmem>>
    %dma_start3A_45 = arith.constant 0 : i32
    %dma_start3A_46 = tpu.memref_slice %arg5[%dma_start3A_39, %dma_start3A_45] : memref<6x32xi32, #tpu.memory_space<vmem>> -> memref<1x32xi32, #tpu.memory_space<vmem>>
    %dma_start3A_47 = tpu.memref_squeeze %dma_start3A_46 : memref<1x32xi32, #tpu.memory_space<vmem>> -> memref<32xi32, #tpu.memory_space<vmem>>
    %dma_start3A_48 = arith.constant 0 : i32
    %dma_start3A_49 = arith.constant 0 : i32
    %dma_start3A_50 = tpu.memref_slice %arg2[%dma_start3A_48, %dma_start3A_49] : memref<2048x1024xf32, #tpu.memory_space<hbm>> -> memref<2048x1024xf32, #tpu.memory_space<hbm>>
    tpu.enqueue_indirect_dma source(%dma_start3A_50 : memref<2048x1024xf32, #tpu.memory_space<hbm>>) target(%dma_start3A_44 : memref<32x1024xf32, #tpu.memory_space<vmem>>) offsets(%dma_start3A_47 : memref<32xi32, #tpu.memory_space<vmem>>) semaphore(%arg7 : memref<!tpu.dma_semaphore, #tpu.memory_space<semaphore_mem>>)
    %dma_wait3A_51 = arith.constant 1 : i32
    %dma_wait3A_52 = arith.constant 1 : i32
    %dma_wait3A_53 = arith.constant 0 : i32
    %dma_wait3A_54 = arith.constant 0 : i32
    %dma_wait3A_55 = tpu.memref_slice %arg6[%dma_wait3A_52, %dma_wait3A_53, %dma_wait3A_54] : memref<2x32x1024xf32, #tpu.memory_space<vmem>> -> memref<1x32x1024xf32, #tpu.memory_space<vmem>>
    %dma_wait3A_56 = tpu.memref_squeeze %dma_wait3A_55 : memref<1x32x1024xf32, #tpu.memory_space<vmem>> -> memref<32x1024xf32, #tpu.memory_space<vmem>>
    %dma_wait3A_57 = arith.constant 0 : i32
    %dma_wait3A_58 = tpu.memref_slice %arg5[%dma_wait3A_51, %dma_wait3A_57] : memref<6x32xi32, #tpu.memory_space<vmem>> -> memref<1x32xi32, #tpu.memory_space<vmem>>
    %dma_wait3A_59 = tpu.memref_squeeze %dma_wait3A_58 : memref<1x32xi32, #tpu.memory_space<vmem>> -> memref<32xi32, #tpu.memory_space<vmem>>
    %dma_wait3A_60 = arith.constant 0 : i32
    %dma_wait3A_61 = arith.constant 0 : i32
    %dma_wait3A_62 = tpu.memref_slice %arg2[%dma_wait3A_60, %dma_wait3A_61] : memref<2048x1024xf32, #tpu.memory_space<hbm>> -> memref<2048x1024xf32, #tpu.memory_space<hbm>>
    tpu.wait_indirect_dma semaphore(%arg8 : memref<!tpu.dma_semaphore, #tpu.memory_space<semaphore_mem>>) src(%dma_wait3A_62 : memref<2048x1024xf32, #tpu.memory_space<hbm>>) dst(%dma_wait3A_56 : memref<32x1024xf32, #tpu.memory_space<vmem>>)
    %add3A_63 = arith.constant 32 : i32
    %add3A_64 = arith.addi %mul3A_2, %add3A_63 : i32
    %run_scoped3A_65 = arith.constant 1 : i32
    "tpu.region"() ({
      %run_scoped3A_162 = tpu.sem_alloc : memref<!tpu.dma_semaphore, #tpu.memory_space<semaphore_mem>>
      %dma_start3A_163 = arith.constant 0 : i32
      %dma_start3A_164 = arith.constant 0 : i32
      %dma_start3A_165 = tpu.memref_slice %arg6[%run_scoped3A_65, %dma_start3A_163, %dma_start3A_164] : memref<2x32x1024xf32, #tpu.memory_space<vmem>> -> memref<1x32x1024xf32, #tpu.memory_space<vmem>>
      %dma_start3A_166 = tpu.memref_squeeze %dma_start3A_165 : memref<1x32x1024xf32, #tpu.memory_space<vmem>> -> memref<32x1024xf32, #tpu.memory_space<vmem>>
      %dma_start3A_167 = arith.constant 0 : i32
      %dma_start3A_168 = tpu.memref_slice %arg4[%add3A_64, %dma_start3A_167] : memref<6144x1024xf32, #tpu.memory_space<hbm>> -> memref<32x1024xf32, #tpu.memory_space<hbm>>
      %dma_start3A_169 = arith.constant 0 : i32
      %dma_start3A_170 = tpu.memref_slice %arg4[%add3A_64, %dma_start3A_169] : memref<6144x1024xf32, #tpu.memory_space<hbm>> -> memref<32x1024xf32, #tpu.memory_space<hbm>>
      %dma_start3A_171 = arith.constant 0 : i32
      %dma_start3A_172 = arith.constant 0 : i32
      %dma_start3A_173 = tpu.memref_slice %arg6[%run_scoped3A_65, %dma_start3A_171, %dma_start3A_172] : memref<2x32x1024xf32, #tpu.memory_space<vmem>> -> memref<1x32x1024xf32, #tpu.memory_space<vmem>>
      %dma_start3A_174 = tpu.memref_squeeze %dma_start3A_173 : memref<1x32x1024xf32, #tpu.memory_space<vmem>> -> memref<32x1024xf32, #tpu.memory_space<vmem>>
      tpu.enqueue_dma source(%dma_start3A_174 : memref<32x1024xf32, #tpu.memory_space<vmem>>) target(%dma_start3A_170 : memref<32x1024xf32, #tpu.memory_space<hbm>>) target_semaphore(%run_scoped3A_162 : memref<!tpu.dma_semaphore, #tpu.memory_space<semaphore_mem>>)
      %dma_wait3A_175 = arith.constant 0 : i32
      %dma_wait3A_176 = arith.constant 0 : i32
      %dma_wait3A_177 = tpu.memref_slice %arg6[%run_scoped3A_65, %dma_wait3A_175, %dma_wait3A_176] : memref<2x32x1024xf32, #tpu.memory_space<vmem>> -> memref<1x32x1024xf32, #tpu.memory_space<vmem>>
      %dma_wait3A_178 = tpu.memref_squeeze %dma_wait3A_177 : memref<1x32x1024xf32, #tpu.memory_space<vmem>> -> memref<32x1024xf32, #tpu.memory_space<vmem>>
      %dma_wait3A_179 = arith.constant 0 : i32
      %dma_wait3A_180 = tpu.memref_slice %arg4[%add3A_64, %dma_wait3A_179] : memref<6144x1024xf32, #tpu.memory_space<hbm>> -> memref<32x1024xf32, #tpu.memory_space<hbm>>
      %dma_wait3A_181 = arith.constant 0 : i32
      %dma_wait3A_182 = tpu.memref_slice %arg4[%add3A_64, %dma_wait3A_181] : memref<6144x1024xf32, #tpu.memory_space<hbm>> -> memref<32x1024xf32, #tpu.memory_space<hbm>>
      %dma_wait3A_183 = arith.constant 0 : i32
      %dma_wait3A_184 = arith.constant 0 : i32
      %dma_wait3A_185 = tpu.memref_slice %arg6[%run_scoped3A_65, %dma_wait3A_183, %dma_wait3A_184] : memref<2x32x1024xf32, #tpu.memory_space<vmem>> -> memref<1x32x1024xf32, #tpu.memory_space<vmem>>
      %dma_wait3A_186 = tpu.memref_squeeze %dma_wait3A_185 : memref<1x32x1024xf32, #tpu.memory_space<vmem>> -> memref<32x1024xf32, #tpu.memory_space<vmem>>
      tpu.wait_dma2 semaphore(%run_scoped3A_162 : memref<!tpu.dma_semaphore, #tpu.memory_space<semaphore_mem>>) src(%dma_wait3A_186 : memref<32x1024xf32, #tpu.memory_space<vmem>>) dst(%dma_wait3A_182 : memref<32x1024xf32, #tpu.memory_space<hbm>>)
      tpu.yield
    }) : () -> ()
    %dma_start3A_66 = arith.constant 3 : i32
    %dma_start3A_67 = arith.constant 1 : i32
    %dma_start3A_68 = arith.constant 0 : i32
    %dma_start3A_69 = arith.constant 0 : i32
    %dma_start3A_70 = tpu.memref_slice %arg6[%dma_start3A_67, %dma_start3A_68, %dma_start3A_69] : memref<2x32x1024xf32, #tpu.memory_space<vmem>> -> memref<1x32x1024xf32, #tpu.memory_space<vmem>>
    %dma_start3A_71 = tpu.memref_squeeze %dma_start3A_70 : memref<1x32x1024xf32, #tpu.memory_space<vmem>> -> memref<32x1024xf32, #tpu.memory_space<vmem>>
    %dma_start3A_72 = arith.constant 0 : i32
    %dma_start3A_73 = tpu.memref_slice %arg5[%dma_start3A_66, %dma_start3A_72] : memref<6x32xi32, #tpu.memory_space<vmem>> -> memref<1x32xi32, #tpu.memory_space<vmem>>
    %dma_start3A_74 = tpu.memref_squeeze %dma_start3A_73 : memref<1x32xi32, #tpu.memory_space<vmem>> -> memref<32xi32, #tpu.memory_space<vmem>>
    %dma_start3A_75 = arith.constant 0 : i32
    %dma_start3A_76 = arith.constant 0 : i32
    %dma_start3A_77 = tpu.memref_slice %arg2[%dma_start3A_75, %dma_start3A_76] : memref<2048x1024xf32, #tpu.memory_space<hbm>> -> memref<2048x1024xf32, #tpu.memory_space<hbm>>
    tpu.enqueue_indirect_dma source(%dma_start3A_77 : memref<2048x1024xf32, #tpu.memory_space<hbm>>) target(%dma_start3A_71 : memref<32x1024xf32, #tpu.memory_space<vmem>>) offsets(%dma_start3A_74 : memref<32xi32, #tpu.memory_space<vmem>>) semaphore(%arg8 : memref<!tpu.dma_semaphore, #tpu.memory_space<semaphore_mem>>)
    %dma_wait3A_78 = arith.constant 2 : i32
    %dma_wait3A_79 = arith.constant 0 : i32
    %dma_wait3A_80 = arith.constant 0 : i32
    %dma_wait3A_81 = arith.constant 0 : i32
    %dma_wait3A_82 = tpu.memref_slice %arg6[%dma_wait3A_79, %dma_wait3A_80, %dma_wait3A_81] : memref<2x32x1024xf32, #tpu.memory_space<vmem>> -> memref<1x32x1024xf32, #tpu.memory_space<vmem>>
    %dma_wait3A_83 = tpu.memref_squeeze %dma_wait3A_82 : memref<1x32x1024xf32, #tpu.memory_space<vmem>> -> memref<32x1024xf32, #tpu.memory_space<vmem>>
    %dma_wait3A_84 = arith.constant 0 : i32
    %dma_wait3A_85 = tpu.memref_slice %arg5[%dma_wait3A_78, %dma_wait3A_84] : memref<6x32xi32, #tpu.memory_space<vmem>> -> memref<1x32xi32, #tpu.memory_space<vmem>>
    %dma_wait3A_86 = tpu.memref_squeeze %dma_wait3A_85 : memref<1x32xi32, #tpu.memory_space<vmem>> -> memref<32xi32, #tpu.memory_space<vmem>>
    %dma_wait3A_87 = arith.constant 0 : i32
    %dma_wait3A_88 = arith.constant 0 : i32
    %dma_wait3A_89 = tpu.memref_slice %arg2[%dma_wait3A_87, %dma_wait3A_88] : memref<2048x1024xf32, #tpu.memory_space<hbm>> -> memref<2048x1024xf32, #tpu.memory_space<hbm>>
    tpu.wait_indirect_dma semaphore(%arg7 : memref<!tpu.dma_semaphore, #tpu.memory_space<semaphore_mem>>) src(%dma_wait3A_89 : memref<2048x1024xf32, #tpu.memory_space<hbm>>) dst(%dma_wait3A_83 : memref<32x1024xf32, #tpu.memory_space<vmem>>)
    %add3A_90 = arith.constant 64 : i32
    %add3A_91 = arith.addi %mul3A_2, %add3A_90 : i32
    %run_scoped3A_92 = arith.constant 0 : i32
    "tpu.region"() ({
      %run_scoped3A_162 = tpu.sem_alloc : memref<!tpu.dma_semaphore, #tpu.memory_space<semaphore_mem>>
      %dma_start3A_163 = arith.constant 0 : i32
      %dma_start3A_164 = arith.constant 0 : i32
      %dma_start3A_165 = tpu.memref_slice %arg6[%run_scoped3A_92, %dma_start3A_163, %dma_start3A_164] : memref<2x32x1024xf32, #tpu.memory_space<vmem>> -> memref<1x32x1024xf32, #tpu.memory_space<vmem>>
      %dma_start3A_166 = tpu.memref_squeeze %dma_start3A_165 : memref<1x32x1024xf32, #tpu.memory_space<vmem>> -> memref<32x1024xf32, #tpu.memory_space<vmem>>
      %dma_start3A_167 = arith.constant 0 : i32
      %dma_start3A_168 = tpu.memref_slice %arg4[%add3A_91, %dma_start3A_167] : memref<6144x1024xf32, #tpu.memory_space<hbm>> -> memref<32x1024xf32, #tpu.memory_space<hbm>>
      %dma_start3A_169 = arith.constant 0 : i32
      %dma_start3A_170 = tpu.memref_slice %arg4[%add3A_91, %dma_start3A_169] : memref<6144x1024xf32, #tpu.memory_space<hbm>> -> memref<32x1024xf32, #tpu.memory_space<hbm>>
      %dma_start3A_171 = arith.constant 0 : i32
      %dma_start3A_172 = arith.constant 0 : i32
      %dma_start3A_173 = tpu.memref_slice %arg6[%run_scoped3A_92, %dma_start3A_171, %dma_start3A_172] : memref<2x32x1024xf32, #tpu.memory_space<vmem>> -> memref<1x32x1024xf32, #tpu.memory_space<vmem>>
      %dma_start3A_174 = tpu.memref_squeeze %dma_start3A_173 : memref<1x32x1024xf32, #tpu.memory_space<vmem>> -> memref<32x1024xf32, #tpu.memory_space<vmem>>
      tpu.enqueue_dma source(%dma_start3A_174 : memref<32x1024xf32, #tpu.memory_space<vmem>>) target(%dma_start3A_170 : memref<32x1024xf32, #tpu.memory_space<hbm>>) target_semaphore(%run_scoped3A_162 : memref<!tpu.dma_semaphore, #tpu.memory_space<semaphore_mem>>)
      %dma_wait3A_175 = arith.constant 0 : i32
      %dma_wait3A_176 = arith.constant 0 : i32
      %dma_wait3A_177 = tpu.memref_slice %arg6[%run_scoped3A_92, %dma_wait3A_175, %dma_wait3A_176] : memref<2x32x1024xf32, #tpu.memory_space<vmem>> -> memref<1x32x1024xf32, #tpu.memory_space<vmem>>
      %dma_wait3A_178 = tpu.memref_squeeze %dma_wait3A_177 : memref<1x32x1024xf32, #tpu.memory_space<vmem>> -> memref<32x1024xf32, #tpu.memory_space<vmem>>
      %dma_wait3A_179 = arith.constant 0 : i32
      %dma_wait3A_180 = tpu.memref_slice %arg4[%add3A_91, %dma_wait3A_179] : memref<6144x1024xf32, #tpu.memory_space<hbm>> -> memref<32x1024xf32, #tpu.memory_space<hbm>>
      %dma_wait3A_181 = arith.constant 0 : i32
      %dma_wait3A_182 = tpu.memref_slice %arg4[%add3A_91, %dma_wait3A_181] : memref<6144x1024xf32, #tpu.memory_space<hbm>> -> memref<32x1024xf32, #tpu.memory_space<hbm>>
      %dma_wait3A_183 = arith.constant 0 : i32
      %dma_wait3A_184 = arith.constant 0 : i32
      %dma_wait3A_185 = tpu.memref_slice %arg6[%run_scoped3A_92, %dma_wait3A_183, %dma_wait3A_184] : memref<2x32x1024xf32, #tpu.memory_space<vmem>> -> memref<1x32x1024xf32, #tpu.memory_space<vmem>>
      %dma_wait3A_186 = tpu.memref_squeeze %dma_wait3A_185 : memref<1x32x1024xf32, #tpu.memory_space<vmem>> -> memref<32x1024xf32, #tpu.memory_space<vmem>>
      tpu.wait_dma2 semaphore(%run_scoped3A_162 : memref<!tpu.dma_semaphore, #tpu.memory_space<semaphore_mem>>) src(%dma_wait3A_186 : memref<32x1024xf32, #tpu.memory_space<vmem>>) dst(%dma_wait3A_182 : memref<32x1024xf32, #tpu.memory_space<hbm>>)
      tpu.yield
    }) : () -> ()
    %dma_start3A_93 = arith.constant 4 : i32
    %dma_start3A_94 = arith.constant 0 : i32
    %dma_start3A_95 = arith.constant 0 : i32
    %dma_start3A_96 = arith.constant 0 : i32
    %dma_start3A_97 = tpu.memref_slice %arg6[%dma_start3A_94, %dma_start3A_95, %dma_start3A_96] : memref<2x32x1024xf32, #tpu.memory_space<vmem>> -> memref<1x32x1024xf32, #tpu.memory_space<vmem>>
    %dma_start3A_98 = tpu.memref_squeeze %dma_start3A_97 : memref<1x32x1024xf32, #tpu.memory_space<vmem>> -> memref<32x1024xf32, #tpu.memory_space<vmem>>
    %dma_start3A_99 = arith.constant 0 : i32
    %dma_start3A_100 = tpu.memref_slice %arg5[%dma_start3A_93, %dma_start3A_99] : memref<6x32xi32, #tpu.memory_space<vmem>> -> memref<1x32xi32, #tpu.memory_space<vmem>>
    %dma_start3A_101 = tpu.memref_squeeze %dma_start3A_100 : memref<1x32xi32, #tpu.memory_space<vmem>> -> memref<32xi32, #tpu.memory_space<vmem>>
    %dma_start3A_102 = arith.constant 0 : i32
    %dma_start3A_103 = arith.constant 0 : i32
    %dma_start3A_104 = tpu.memref_slice %arg2[%dma_start3A_102, %dma_start3A_103] : memref<2048x1024xf32, #tpu.memory_space<hbm>> -> memref<2048x1024xf32, #tpu.memory_space<hbm>>
    tpu.enqueue_indirect_dma source(%dma_start3A_104 : memref<2048x1024xf32, #tpu.memory_space<hbm>>) target(%dma_start3A_98 : memref<32x1024xf32, #tpu.memory_space<vmem>>) offsets(%dma_start3A_101 : memref<32xi32, #tpu.memory_space<vmem>>) semaphore(%arg7 : memref<!tpu.dma_semaphore, #tpu.memory_space<semaphore_mem>>)
    %dma_wait3A_105 = arith.constant 3 : i32
    %dma_wait3A_106 = arith.constant 1 : i32
    %dma_wait3A_107 = arith.constant 0 : i32
    %dma_wait3A_108 = arith.constant 0 : i32
    %dma_wait3A_109 = tpu.memref_slice %arg6[%dma_wait3A_106, %dma_wait3A_107, %dma_wait3A_108] : memref<2x32x1024xf32, #tpu.memory_space<vmem>> -> memref<1x32x1024xf32, #tpu.memory_space<vmem>>
    %dma_wait3A_110 = tpu.memref_squeeze %dma_wait3A_109 : memref<1x32x1024xf32, #tpu.memory_space<vmem>> -> memref<32x1024xf32, #tpu.memory_space<vmem>>
    %dma_wait3A_111 = arith.constant 0 : i32
    %dma_wait3A_112 = tpu.memref_slice %arg5[%dma_wait3A_105, %dma_wait3A_111] : memref<6x32xi32, #tpu.memory_space<vmem>> -> memref<1x32xi32, #tpu.memory_space<vmem>>
    %dma_wait3A_113 = tpu.memref_squeeze %dma_wait3A_112 : memref<1x32xi32, #tpu.memory_space<vmem>> -> memref<32xi32, #tpu.memory_space<vmem>>
    %dma_wait3A_114 = arith.constant 0 : i32
    %dma_wait3A_115 = arith.constant 0 : i32
    %dma_wait3A_116 = tpu.memref_slice %arg2[%dma_wait3A_114, %dma_wait3A_115] : memref<2048x1024xf32, #tpu.memory_space<hbm>> -> memref<2048x1024xf32, #tpu.memory_space<hbm>>
    tpu.wait_indirect_dma semaphore(%arg8 : memref<!tpu.dma_semaphore, #tpu.memory_space<semaphore_mem>>) src(%dma_wait3A_116 : memref<2048x1024xf32, #tpu.memory_space<hbm>>) dst(%dma_wait3A_110 : memref<32x1024xf32, #tpu.memory_space<vmem>>)
    %add3A_117 = arith.constant 96 : i32
    %add3A_118 = arith.addi %mul3A_2, %add3A_117 : i32
    %run_scoped3A_119 = arith.constant 1 : i32
    "tpu.region"() ({
      %run_scoped3A_162 = tpu.sem_alloc : memref<!tpu.dma_semaphore, #tpu.memory_space<semaphore_mem>>
      %dma_start3A_163 = arith.constant 0 : i32
      %dma_start3A_164 = arith.constant 0 : i32
      %dma_start3A_165 = tpu.memref_slice %arg6[%run_scoped3A_119, %dma_start3A_163, %dma_start3A_164] : memref<2x32x1024xf32, #tpu.memory_space<vmem>> -> memref<1x32x1024xf32, #tpu.memory_space<vmem>>
      %dma_start3A_166 = tpu.memref_squeeze %dma_start3A_165 : memref<1x32x1024xf32, #tpu.memory_space<vmem>> -> memref<32x1024xf32, #tpu.memory_space<vmem>>
      %dma_start3A_167 = arith.constant 0 : i32
      %dma_start3A_168 = tpu.memref_slice %arg4[%add3A_118, %dma_start3A_167] : memref<6144x1024xf32, #tpu.memory_space<hbm>> -> memref<32x1024xf32, #tpu.memory_space<hbm>>
      %dma_start3A_169 = arith.constant 0 : i32
      %dma_start3A_170 = tpu.memref_slice %arg4[%add3A_118, %dma_start3A_169] : memref<6144x1024xf32, #tpu.memory_space<hbm>> -> memref<32x1024xf32, #tpu.memory_space<hbm>>
      %dma_start3A_171 = arith.constant 0 : i32
      %dma_start3A_172 = arith.constant 0 : i32
      %dma_start3A_173 = tpu.memref_slice %arg6[%run_scoped3A_119, %dma_start3A_171, %dma_start3A_172] : memref<2x32x1024xf32, #tpu.memory_space<vmem>> -> memref<1x32x1024xf32, #tpu.memory_space<vmem>>
      %dma_start3A_174 = tpu.memref_squeeze %dma_start3A_173 : memref<1x32x1024xf32, #tpu.memory_space<vmem>> -> memref<32x1024xf32, #tpu.memory_space<vmem>>
      tpu.enqueue_dma source(%dma_start3A_174 : memref<32x1024xf32, #tpu.memory_space<vmem>>) target(%dma_start3A_170 : memref<32x1024xf32, #tpu.memory_space<hbm>>) target_semaphore(%run_scoped3A_162 : memref<!tpu.dma_semaphore, #tpu.memory_space<semaphore_mem>>)
      %dma_wait3A_175 = arith.constant 0 : i32
      %dma_wait3A_176 = arith.constant 0 : i32
      %dma_wait3A_177 = tpu.memref_slice %arg6[%run_scoped3A_119, %dma_wait3A_175, %dma_wait3A_176] : memref<2x32x1024xf32, #tpu.memory_space<vmem>> -> memref<1x32x1024xf32, #tpu.memory_space<vmem>>
      %dma_wait3A_178 = tpu.memref_squeeze %dma_wait3A_177 : memref<1x32x1024xf32, #tpu.memory_space<vmem>> -> memref<32x1024xf32, #tpu.memory_space<vmem>>
      %dma_wait3A_179 = arith.constant 0 : i32
      %dma_wait3A_180 = tpu.memref_slice %arg4[%add3A_118, %dma_wait3A_179] : memref<6144x1024xf32, #tpu.memory_space<hbm>> -> memref<32x1024xf32, #tpu.memory_space<hbm>>
      %dma_wait3A_181 = arith.constant 0 : i32
      %dma_wait3A_182 = tpu.memref_slice %arg4[%add3A_118, %dma_wait3A_181] : memref<6144x1024xf32, #tpu.memory_space<hbm>> -> memref<32x1024xf32, #tpu.memory_space<hbm>>
      %dma_wait3A_183 = arith.constant 0 : i32
      %dma_wait3A_184 = arith.constant 0 : i32
      %dma_wait3A_185 = tpu.memref_slice %arg6[%run_scoped3A_119, %dma_wait3A_183, %dma_wait3A_184] : memref<2x32x1024xf32, #tpu.memory_space<vmem>> -> memref<1x32x1024xf32, #tpu.memory_space<vmem>>
      %dma_wait3A_186 = tpu.memref_squeeze %dma_wait3A_185 : memref<1x32x1024xf32, #tpu.memory_space<vmem>> -> memref<32x1024xf32, #tpu.memory_space<vmem>>
      tpu.wait_dma2 semaphore(%run_scoped3A_162 : memref<!tpu.dma_semaphore, #tpu.memory_space<semaphore_mem>>) src(%dma_wait3A_186 : memref<32x1024xf32, #tpu.memory_space<vmem>>) dst(%dma_wait3A_182 : memref<32x1024xf32, #tpu.memory_space<hbm>>)
      tpu.yield
    }) : () -> ()
    %dma_start3A_120 = arith.constant 5 : i32
    %dma_start3A_121 = arith.constant 1 : i32
    %dma_start3A_122 = arith.constant 0 : i32
    %dma_start3A_123 = arith.constant 0 : i32
    %dma_start3A_124 = tpu.memref_slice %arg6[%dma_start3A_121, %dma_start3A_122, %dma_start3A_123] : memref<2x32x1024xf32, #tpu.memory_space<vmem>> -> memref<1x32x1024xf32, #tpu.memory_space<vmem>>
    %dma_start3A_125 = tpu.memref_squeeze %dma_start3A_124 : memref<1x32x1024xf32, #tpu.memory_space<vmem>> -> memref<32x1024xf32, #tpu.memory_space<vmem>>
    %dma_start3A_126 = arith.constant 0 : i32
    %dma_start3A_127 = tpu.memref_slice %arg5[%dma_start3A_120, %dma_start3A_126] : memref<6x32xi32, #tpu.memory_space<vmem>> -> memref<1x32xi32, #tpu.memory_space<vmem>>
    %dma_start3A_128 = tpu.memref_squeeze %dma_start3A_127 : memref<1x32xi32, #tpu.memory_space<vmem>> -> memref<32xi32, #tpu.memory_space<vmem>>
    %dma_start3A_129 = arith.constant 0 : i32
    %dma_start3A_130 = arith.constant 0 : i32
    %dma_start3A_131 = tpu.memref_slice %arg2[%dma_start3A_129, %dma_start3A_130] : memref<2048x1024xf32, #tpu.memory_space<hbm>> -> memref<2048x1024xf32, #tpu.memory_space<hbm>>
    tpu.enqueue_indirect_dma source(%dma_start3A_131 : memref<2048x1024xf32, #tpu.memory_space<hbm>>) target(%dma_start3A_125 : memref<32x1024xf32, #tpu.memory_space<vmem>>) offsets(%dma_start3A_128 : memref<32xi32, #tpu.memory_space<vmem>>) semaphore(%arg8 : memref<!tpu.dma_semaphore, #tpu.memory_space<semaphore_mem>>)
    %dma_wait3A_132 = arith.constant 4 : i32
    %dma_wait3A_133 = arith.constant 0 : i32
    %dma_wait3A_134 = arith.constant 0 : i32
    %dma_wait3A_135 = arith.constant 0 : i32
    %dma_wait3A_136 = tpu.memref_slice %arg6[%dma_wait3A_133, %dma_wait3A_134, %dma_wait3A_135] : memref<2x32x1024xf32, #tpu.memory_space<vmem>> -> memref<1x32x1024xf32, #tpu.memory_space<vmem>>
    %dma_wait3A_137 = tpu.memref_squeeze %dma_wait3A_136 : memref<1x32x1024xf32, #tpu.memory_space<vmem>> -> memref<32x1024xf32, #tpu.memory_space<vmem>>
    %dma_wait3A_138 = arith.constant 0 : i32
    %dma_wait3A_139 = tpu.memref_slice %arg5[%dma_wait3A_132, %dma_wait3A_138] : memref<6x32xi32, #tpu.memory_space<vmem>> -> memref<1x32xi32, #tpu.memory_space<vmem>>
    %dma_wait3A_140 = tpu.memref_squeeze %dma_wait3A_139 : memref<1x32xi32, #tpu.memory_space<vmem>> -> memref<32xi32, #tpu.memory_space<vmem>>
    %dma_wait3A_141 = arith.constant 0 : i32
    %dma_wait3A_142 = arith.constant 0 : i32
    %dma_wait3A_143 = tpu.memref_slice %arg2[%dma_wait3A_141, %dma_wait3A_142] : memref<2048x1024xf32, #tpu.memory_space<hbm>> -> memref<2048x1024xf32, #tpu.memory_space<hbm>>
    tpu.wait_indirect_dma semaphore(%arg7 : memref<!tpu.dma_semaphore, #tpu.memory_space<semaphore_mem>>) src(%dma_wait3A_143 : memref<2048x1024xf32, #tpu.memory_space<hbm>>) dst(%dma_wait3A_137 : memref<32x1024xf32, #tpu.memory_space<vmem>>)
    %add3A_144 = arith.constant 128 : i32
    %add3A_145 = arith.addi %mul3A_2, %add3A_144 : i32
    %run_scoped3A_146 = arith.constant 0 : i32
    "tpu.region"() ({
      %run_scoped3A_162 = tpu.sem_alloc : memref<!tpu.dma_semaphore, #tpu.memory_space<semaphore_mem>>
      %dma_start3A_163 = arith.constant 0 : i32
      %dma_start3A_164 = arith.constant 0 : i32
      %dma_start3A_165 = tpu.memref_slice %arg6[%run_scoped3A_146, %dma_start3A_163, %dma_start3A_164] : memref<2x32x1024xf32, #tpu.memory_space<vmem>> -> memref<1x32x1024xf32, #tpu.memory_space<vmem>>
      %dma_start3A_166 = tpu.memref_squeeze %dma_start3A_165 : memref<1x32x1024xf32, #tpu.memory_space<vmem>> -> memref<32x1024xf32, #tpu.memory_space<vmem>>
      %dma_start3A_167 = arith.constant 0 : i32
      %dma_start3A_168 = tpu.memref_slice %arg4[%add3A_145, %dma_start3A_167] : memref<6144x1024xf32, #tpu.memory_space<hbm>> -> memref<32x1024xf32, #tpu.memory_space<hbm>>
      %dma_start3A_169 = arith.constant 0 : i32
      %dma_start3A_170 = tpu.memref_slice %arg4[%add3A_145, %dma_start3A_169] : memref<6144x1024xf32, #tpu.memory_space<hbm>> -> memref<32x1024xf32, #tpu.memory_space<hbm>>
      %dma_start3A_171 = arith.constant 0 : i32
      %dma_start3A_172 = arith.constant 0 : i32
      %dma_start3A_173 = tpu.memref_slice %arg6[%run_scoped3A_146, %dma_start3A_171, %dma_start3A_172] : memref<2x32x1024xf32, #tpu.memory_space<vmem>> -> memref<1x32x1024xf32, #tpu.memory_space<vmem>>
      %dma_start3A_174 = tpu.memref_squeeze %dma_start3A_173 : memref<1x32x1024xf32, #tpu.memory_space<vmem>> -> memref<32x1024xf32, #tpu.memory_space<vmem>>
      tpu.enqueue_dma source(%dma_start3A_174 : memref<32x1024xf32, #tpu.memory_space<vmem>>) target(%dma_start3A_170 : memref<32x1024xf32, #tpu.memory_space<hbm>>) target_semaphore(%run_scoped3A_162 : memref<!tpu.dma_semaphore, #tpu.memory_space<semaphore_mem>>)
      %dma_wait3A_175 = arith.constant 0 : i32
      %dma_wait3A_176 = arith.constant 0 : i32
      %dma_wait3A_177 = tpu.memref_slice %arg6[%run_scoped3A_146, %dma_wait3A_175, %dma_wait3A_176] : memref<2x32x1024xf32, #tpu.memory_space<vmem>> -> memref<1x32x1024xf32, #tpu.memory_space<vmem>>
      %dma_wait3A_178 = tpu.memref_squeeze %dma_wait3A_177 : memref<1x32x1024xf32, #tpu.memory_space<vmem>> -> memref<32x1024xf32, #tpu.memory_space<vmem>>
      %dma_wait3A_179 = arith.constant 0 : i32
      %dma_wait3A_180 = tpu.memref_slice %arg4[%add3A_145, %dma_wait3A_179] : memref<6144x1024xf32, #tpu.memory_space<hbm>> -> memref<32x1024xf32, #tpu.memory_space<hbm>>
      %dma_wait3A_181 = arith.constant 0 : i32
      %dma_wait3A_182 = tpu.memref_slice %arg4[%add3A_145, %dma_wait3A_181] : memref<6144x1024xf32, #tpu.memory_space<hbm>> -> memref<32x1024xf32, #tpu.memory_space<hbm>>
      %dma_wait3A_183 = arith.constant 0 : i32
      %dma_wait3A_184 = arith.constant 0 : i32
      %dma_wait3A_185 = tpu.memref_slice %arg6[%run_scoped3A_146, %dma_wait3A_183, %dma_wait3A_184] : memref<2x32x1024xf32, #tpu.memory_space<vmem>> -> memref<1x32x1024xf32, #tpu.memory_space<vmem>>
      %dma_wait3A_186 = tpu.memref_squeeze %dma_wait3A_185 : memref<1x32x1024xf32, #tpu.memory_space<vmem>> -> memref<32x1024xf32, #tpu.memory_space<vmem>>
      tpu.wait_dma2 semaphore(%run_scoped3A_162 : memref<!tpu.dma_semaphore, #tpu.memory_space<semaphore_mem>>) src(%dma_wait3A_186 : memref<32x1024xf32, #tpu.memory_space<vmem>>) dst(%dma_wait3A_182 : memref<32x1024xf32, #tpu.memory_space<hbm>>)
      tpu.yield
    }) : () -> ()
    %dma_wait3A_147 = arith.constant 5 : i32
    %dma_wait3A_148 = arith.constant 1 : i32
    %dma_wait3A_149 = arith.constant 0 : i32
    %dma_wait3A_150 = arith.constant 0 : i32
    %dma_wait3A_151 = tpu.memref_slice %arg6[%dma_wait3A_148, %dma_wait3A_149, %dma_wait3A_150] : memref<2x32x1024xf32, #tpu.memory_space<vmem>> -> memref<1x32x1024xf32, #tpu.memory_space<vmem>>
    %dma_wait3A_152 = tpu.memref_squeeze %dma_wait3A_151 : memref<1x32x1024xf32, #tpu.memory_space<vmem>> -> memref<32x1024xf32, #tpu.memory_space<vmem>>
    %dma_wait3A_153 = arith.constant 0 : i32
    %dma_wait3A_154 = tpu.memref_slice %arg5[%dma_wait3A_147, %dma_wait3A_153] : memref<6x32xi32, #tpu.memory_space<vmem>> -> memref<1x32xi32, #tpu.memory_space<vmem>>
    %dma_wait3A_155 = tpu.memref_squeeze %dma_wait3A_154 : memref<1x32xi32, #tpu.memory_space<vmem>> -> memref<32xi32, #tpu.memory_space<vmem>>
    %dma_wait3A_156 = arith.constant 0 : i32
    %dma_wait3A_157 = arith.constant 0 : i32
    %dma_wait3A_158 = tpu.memref_slice %arg2[%dma_wait3A_156, %dma_wait3A_157] : memref<2048x1024xf32, #tpu.memory_space<hbm>> -> memref<2048x1024xf32, #tpu.memory_space<hbm>>
    tpu.wait_indirect_dma semaphore(%arg8 : memref<!tpu.dma_semaphore, #tpu.memory_space<semaphore_mem>>) src(%dma_wait3A_158 : memref<2048x1024xf32, #tpu.memory_space<hbm>>) dst(%dma_wait3A_152 : memref<32x1024xf32, #tpu.memory_space<vmem>>)
    %add3A_159 = arith.constant 160 : i32
    %add3A_160 = arith.addi %mul3A_2, %add3A_159 : i32
    %run_scoped3A_161 = arith.constant 1 : i32
    "tpu.region"() ({
      %run_scoped3A_162 = tpu.sem_alloc : memref<!tpu.dma_semaphore, #tpu.memory_space<semaphore_mem>>
      %dma_start3A_163 = arith.constant 0 : i32
      %dma_start3A_164 = arith.constant 0 : i32
      %dma_start3A_165 = tpu.memref_slice %arg6[%run_scoped3A_161, %dma_start3A_163, %dma_start3A_164] : memref<2x32x1024xf32, #tpu.memory_space<vmem>> -> memref<1x32x1024xf32, #tpu.memory_space<vmem>>
      %dma_start3A_166 = tpu.memref_squeeze %dma_start3A_165 : memref<1x32x1024xf32, #tpu.memory_space<vmem>> -> memref<32x1024xf32, #tpu.memory_space<vmem>>
      %dma_start3A_167 = arith.constant 0 : i32
      %dma_start3A_168 = tpu.memref_slice %arg4[%add3A_160, %dma_start3A_167] : memref<6144x1024xf32, #tpu.memory_space<hbm>> -> memref<32x1024xf32, #tpu.memory_space<hbm>>
      %dma_start3A_169 = arith.constant 0 : i32
      %dma_start3A_170 = tpu.memref_slice %arg4[%add3A_160, %dma_start3A_169] : memref<6144x1024xf32, #tpu.memory_space<hbm>> -> memref<32x1024xf32, #tpu.memory_space<hbm>>
      %dma_start3A_171 = arith.constant 0 : i32
      %dma_start3A_172 = arith.constant 0 : i32
      %dma_start3A_173 = tpu.memref_slice %arg6[%run_scoped3A_161, %dma_start3A_171, %dma_start3A_172] : memref<2x32x1024xf32, #tpu.memory_space<vmem>> -> memref<1x32x1024xf32, #tpu.memory_space<vmem>>
      %dma_start3A_174 = tpu.memref_squeeze %dma_start3A_173 : memref<1x32x1024xf32, #tpu.memory_space<vmem>> -> memref<32x1024xf32, #tpu.memory_space<vmem>>
      tpu.enqueue_dma source(%dma_start3A_174 : memref<32x1024xf32, #tpu.memory_space<vmem>>) target(%dma_start3A_170 : memref<32x1024xf32, #tpu.memory_space<hbm>>) target_semaphore(%run_scoped3A_162 : memref<!tpu.dma_semaphore, #tpu.memory_space<semaphore_mem>>)
      %dma_wait3A_175 = arith.constant 0 : i32
      %dma_wait3A_176 = arith.constant 0 : i32
      %dma_wait3A_177 = tpu.memref_slice %arg6[%run_scoped3A_161, %dma_wait3A_175, %dma_wait3A_176] : memref<2x32x1024xf32, #tpu.memory_space<vmem>> -> memref<1x32x1024xf32, #tpu.memory_space<vmem>>
      %dma_wait3A_178 = tpu.memref_squeeze %dma_wait3A_177 : memref<1x32x1024xf32, #tpu.memory_space<vmem>> -> memref<32x1024xf32, #tpu.memory_space<vmem>>
      %dma_wait3A_179 = arith.constant 0 : i32
      %dma_wait3A_180 = tpu.memref_slice %arg4[%add3A_160, %dma_wait3A_179] : memref<6144x1024xf32, #tpu.memory_space<hbm>> -> memref<32x1024xf32, #tpu.memory_space<hbm>>
      %dma_wait3A_181 = arith.constant 0 : i32
      %dma_wait3A_182 = tpu.memref_slice %arg4[%add3A_160, %dma_wait3A_181] : memref<6144x1024xf32, #tpu.memory_space<hbm>> -> memref<32x1024xf32, #tpu.memory_space<hbm>>
      %dma_wait3A_183 = arith.constant 0 : i32
      %dma_wait3A_184 = arith.constant 0 : i32
      %dma_wait3A_185 = tpu.memref_slice %arg6[%run_scoped3A_161, %dma_wait3A_183, %dma_wait3A_184] : memref<2x32x1024xf32, #tpu.memory_space<vmem>> -> memref<1x32x1024xf32, #tpu.memory_space<vmem>>
      %dma_wait3A_186 = tpu.memref_squeeze %dma_wait3A_185 : memref<1x32x1024xf32, #tpu.memory_space<vmem>> -> memref<32x1024xf32, #tpu.memory_space<vmem>>
      tpu.wait_dma2 semaphore(%run_scoped3A_162 : memref<!tpu.dma_semaphore, #tpu.memory_space<semaphore_mem>>) src(%dma_wait3A_186 : memref<32x1024xf32, #tpu.memory_space<vmem>>) dst(%dma_wait3A_182 : memref<32x1024xf32, #tpu.memory_space<hbm>>)
      tpu.yield
    }) : () -> ()
    return
  }
}

#map = affine_map<(d0, d1) -> (0, 0)>
#map1 = affine_map<(d0, d1) -> (0, 0, 0)>
module attributes {stable_mosaic.version = 14 : i64} {
  func.func @k(%arg0: i32, %arg1: i32, %arg2: memref<10240x1024xf32, #tpu.memory_space<hbm>>, %arg3: memref<32x4x32xi32, #tpu.memory_space<hbm>>, %arg4: memref<4096x1024xf32, #tpu.memory_space<hbm>>, %arg5: memref<4x32xi32, #tpu.memory_space<vmem>>, %arg6: memref<2x32x1024xf32, #tpu.memory_space<vmem>>, %arg7: memref<!tpu.dma_semaphore, #tpu.memory_space<semaphore_mem>>, %arg8: memref<!tpu.dma_semaphore, #tpu.memory_space<semaphore_mem>>) attributes {dimension_semantics = [#tpu.dimension_semantics<core_parallel>, #tpu.dimension_semantics<subcore_parallel>], iteration_bounds = array<i64: 2, 16>, scalar_prefetch = 0 : i64, scratch_operands = 4 : i64, tpu.core_type = #tpu.core_type<sc_vector_subcore>, window_params = [{transform_indices = #map}, {transform_indices = #map1}, {transform_indices = #map}]} {
    %mul3A = arith.constant 2 : i32
    %mul3A_0 = arith.muli %arg1, %mul3A : i32
    %add3A = arith.addi %mul3A_0, %arg0 : i32
    %mul3A_1 = arith.constant 128 : i32
    %mul3A_2 = arith.muli %add3A, %mul3A_1 : i32
    "tpu.region"() ({
      %run_scoped3A_108 = tpu.sem_alloc : memref<!tpu.dma_semaphore, #tpu.memory_space<semaphore_mem>>
      %dma_start3A_109 = arith.constant 0 : i32
      %dma_start3A_110 = arith.constant 0 : i32
      %dma_start3A_111 = tpu.memref_slice %arg3[%add3A, %dma_start3A_109, %dma_start3A_110] : memref<32x4x32xi32, #tpu.memory_space<hbm>> -> memref<1x4x32xi32, #tpu.memory_space<hbm>>
      %dma_start3A_112 = tpu.memref_squeeze %dma_start3A_111 : memref<1x4x32xi32, #tpu.memory_space<hbm>> -> memref<4x32xi32, #tpu.memory_space<hbm>>
      %dma_start3A_113 = arith.constant 0 : i32
      %dma_start3A_114 = arith.constant 0 : i32
      %dma_start3A_115 = tpu.memref_slice %arg3[%add3A, %dma_start3A_113, %dma_start3A_114] : memref<32x4x32xi32, #tpu.memory_space<hbm>> -> memref<1x4x32xi32, #tpu.memory_space<hbm>>
      %dma_start3A_116 = tpu.memref_squeeze %dma_start3A_115 : memref<1x4x32xi32, #tpu.memory_space<hbm>> -> memref<4x32xi32, #tpu.memory_space<hbm>>
      tpu.enqueue_dma source(%dma_start3A_116 : memref<4x32xi32, #tpu.memory_space<hbm>>) target(%arg5 : memref<4x32xi32, #tpu.memory_space<vmem>>) target_semaphore(%run_scoped3A_108 : memref<!tpu.dma_semaphore, #tpu.memory_space<semaphore_mem>>)
      %dma_wait3A_117 = arith.constant 0 : i32
      %dma_wait3A_118 = arith.constant 0 : i32
      %dma_wait3A_119 = tpu.memref_slice %arg3[%add3A, %dma_wait3A_117, %dma_wait3A_118] : memref<32x4x32xi32, #tpu.memory_space<hbm>> -> memref<1x4x32xi32, #tpu.memory_space<hbm>>
      %dma_wait3A_120 = tpu.memref_squeeze %dma_wait3A_119 : memref<1x4x32xi32, #tpu.memory_space<hbm>> -> memref<4x32xi32, #tpu.memory_space<hbm>>
      %dma_wait3A_121 = arith.constant 0 : i32
      %dma_wait3A_122 = arith.constant 0 : i32
      %dma_wait3A_123 = tpu.memref_slice %arg3[%add3A, %dma_wait3A_121, %dma_wait3A_122] : memref<32x4x32xi32, #tpu.memory_space<hbm>> -> memref<1x4x32xi32, #tpu.memory_space<hbm>>
      %dma_wait3A_124 = tpu.memref_squeeze %dma_wait3A_123 : memref<1x4x32xi32, #tpu.memory_space<hbm>> -> memref<4x32xi32, #tpu.memory_space<hbm>>
      tpu.wait_dma2 semaphore(%run_scoped3A_108 : memref<!tpu.dma_semaphore, #tpu.memory_space<semaphore_mem>>) src(%dma_wait3A_124 : memref<4x32xi32, #tpu.memory_space<hbm>>) dst(%arg5 : memref<4x32xi32, #tpu.memory_space<vmem>>)
      tpu.yield
    }) : () -> ()
    %dma_start3A = arith.constant 0 : i32
    %dma_start3A_3 = arith.constant 0 : i32
    %dma_start3A_4 = arith.constant 0 : i32
    %dma_start3A_5 = arith.constant 0 : i32
    %dma_start3A_6 = tpu.memref_slice %arg6[%dma_start3A_3, %dma_start3A_4, %dma_start3A_5] : memref<2x32x1024xf32, #tpu.memory_space<vmem>> -> memref<1x32x1024xf32, #tpu.memory_space<vmem>>
    %dma_start3A_7 = tpu.memref_squeeze %dma_start3A_6 : memref<1x32x1024xf32, #tpu.memory_space<vmem>> -> memref<32x1024xf32, #tpu.memory_space<vmem>>
    %dma_start3A_8 = arith.constant 0 : i32
    %dma_start3A_9 = tpu.memref_slice %arg5[%dma_start3A, %dma_start3A_8] : memref<4x32xi32, #tpu.memory_space<vmem>> -> memref<1x32xi32, #tpu.memory_space<vmem>>
    %dma_start3A_10 = tpu.memref_squeeze %dma_start3A_9 : memref<1x32xi32, #tpu.memory_space<vmem>> -> memref<32xi32, #tpu.memory_space<vmem>>
    %dma_start3A_11 = arith.constant 0 : i32
    %dma_start3A_12 = arith.constant 0 : i32
    %dma_start3A_13 = tpu.memref_slice %arg2[%dma_start3A_11, %dma_start3A_12] : memref<10240x1024xf32, #tpu.memory_space<hbm>> -> memref<10240x1024xf32, #tpu.memory_space<hbm>>
    tpu.enqueue_indirect_dma source(%dma_start3A_13 : memref<10240x1024xf32, #tpu.memory_space<hbm>>) target(%dma_start3A_7 : memref<32x1024xf32, #tpu.memory_space<vmem>>) offsets(%dma_start3A_10 : memref<32xi32, #tpu.memory_space<vmem>>) semaphore(%arg7 : memref<!tpu.dma_semaphore, #tpu.memory_space<semaphore_mem>>)
    %dma_start3A_14 = arith.constant 1 : i32
    %dma_start3A_15 = arith.constant 1 : i32
    %dma_start3A_16 = arith.constant 0 : i32
    %dma_start3A_17 = arith.constant 0 : i32
    %dma_start3A_18 = tpu.memref_slice %arg6[%dma_start3A_15, %dma_start3A_16, %dma_start3A_17] : memref<2x32x1024xf32, #tpu.memory_space<vmem>> -> memref<1x32x1024xf32, #tpu.memory_space<vmem>>
    %dma_start3A_19 = tpu.memref_squeeze %dma_start3A_18 : memref<1x32x1024xf32, #tpu.memory_space<vmem>> -> memref<32x1024xf32, #tpu.memory_space<vmem>>
    %dma_start3A_20 = arith.constant 0 : i32
    %dma_start3A_21 = tpu.memref_slice %arg5[%dma_start3A_14, %dma_start3A_20] : memref<4x32xi32, #tpu.memory_space<vmem>> -> memref<1x32xi32, #tpu.memory_space<vmem>>
    %dma_start3A_22 = tpu.memref_squeeze %dma_start3A_21 : memref<1x32xi32, #tpu.memory_space<vmem>> -> memref<32xi32, #tpu.memory_space<vmem>>
    %dma_start3A_23 = arith.constant 0 : i32
    %dma_start3A_24 = arith.constant 0 : i32
    %dma_start3A_25 = tpu.memref_slice %arg2[%dma_start3A_23, %dma_start3A_24] : memref<10240x1024xf32, #tpu.memory_space<hbm>> -> memref<10240x1024xf32, #tpu.memory_space<hbm>>
    tpu.enqueue_indirect_dma source(%dma_start3A_25 : memref<10240x1024xf32, #tpu.memory_space<hbm>>) target(%dma_start3A_19 : memref<32x1024xf32, #tpu.memory_space<vmem>>) offsets(%dma_start3A_22 : memref<32xi32, #tpu.memory_space<vmem>>) semaphore(%arg8 : memref<!tpu.dma_semaphore, #tpu.memory_space<semaphore_mem>>)
    %dma_wait3A = arith.constant 0 : i32
    %dma_wait3A_26 = arith.constant 0 : i32
    %dma_wait3A_27 = arith.constant 0 : i32
    %dma_wait3A_28 = arith.constant 0 : i32
    %dma_wait3A_29 = tpu.memref_slice %arg6[%dma_wait3A_26, %dma_wait3A_27, %dma_wait3A_28] : memref<2x32x1024xf32, #tpu.memory_space<vmem>> -> memref<1x32x1024xf32, #tpu.memory_space<vmem>>
    %dma_wait3A_30 = tpu.memref_squeeze %dma_wait3A_29 : memref<1x32x1024xf32, #tpu.memory_space<vmem>> -> memref<32x1024xf32, #tpu.memory_space<vmem>>
    %dma_wait3A_31 = arith.constant 0 : i32
    %dma_wait3A_32 = tpu.memref_slice %arg5[%dma_wait3A, %dma_wait3A_31] : memref<4x32xi32, #tpu.memory_space<vmem>> -> memref<1x32xi32, #tpu.memory_space<vmem>>
    %dma_wait3A_33 = tpu.memref_squeeze %dma_wait3A_32 : memref<1x32xi32, #tpu.memory_space<vmem>> -> memref<32xi32, #tpu.memory_space<vmem>>
    %dma_wait3A_34 = arith.constant 0 : i32
    %dma_wait3A_35 = arith.constant 0 : i32
    %dma_wait3A_36 = tpu.memref_slice %arg2[%dma_wait3A_34, %dma_wait3A_35] : memref<10240x1024xf32, #tpu.memory_space<hbm>> -> memref<10240x1024xf32, #tpu.memory_space<hbm>>
    tpu.wait_indirect_dma semaphore(%arg7 : memref<!tpu.dma_semaphore, #tpu.memory_space<semaphore_mem>>) src(%dma_wait3A_36 : memref<10240x1024xf32, #tpu.memory_space<hbm>>) dst(%dma_wait3A_30 : memref<32x1024xf32, #tpu.memory_space<vmem>>)
    %add3A_37 = arith.constant 0 : i32
    %add3A_38 = arith.addi %mul3A_2, %add3A_37 : i32
    %run_scoped3A = arith.constant 0 : i32
    "tpu.region"() ({
      %run_scoped3A_108 = tpu.sem_alloc : memref<!tpu.dma_semaphore, #tpu.memory_space<semaphore_mem>>
      %dma_start3A_109 = arith.constant 0 : i32
      %dma_start3A_110 = arith.constant 0 : i32
      %dma_start3A_111 = tpu.memref_slice %arg6[%run_scoped3A, %dma_start3A_109, %dma_start3A_110] : memref<2x32x1024xf32, #tpu.memory_space<vmem>> -> memref<1x32x1024xf32, #tpu.memory_space<vmem>>
      %dma_start3A_112 = tpu.memref_squeeze %dma_start3A_111 : memref<1x32x1024xf32, #tpu.memory_space<vmem>> -> memref<32x1024xf32, #tpu.memory_space<vmem>>
      %dma_start3A_113 = arith.constant 0 : i32
      %dma_start3A_114 = tpu.memref_slice %arg4[%add3A_38, %dma_start3A_113] : memref<4096x1024xf32, #tpu.memory_space<hbm>> -> memref<32x1024xf32, #tpu.memory_space<hbm>>
      %dma_start3A_115 = arith.constant 0 : i32
      %dma_start3A_116 = tpu.memref_slice %arg4[%add3A_38, %dma_start3A_115] : memref<4096x1024xf32, #tpu.memory_space<hbm>> -> memref<32x1024xf32, #tpu.memory_space<hbm>>
      %dma_start3A_117 = arith.constant 0 : i32
      %dma_start3A_118 = arith.constant 0 : i32
      %dma_start3A_119 = tpu.memref_slice %arg6[%run_scoped3A, %dma_start3A_117, %dma_start3A_118] : memref<2x32x1024xf32, #tpu.memory_space<vmem>> -> memref<1x32x1024xf32, #tpu.memory_space<vmem>>
      %dma_start3A_120 = tpu.memref_squeeze %dma_start3A_119 : memref<1x32x1024xf32, #tpu.memory_space<vmem>> -> memref<32x1024xf32, #tpu.memory_space<vmem>>
      tpu.enqueue_dma source(%dma_start3A_120 : memref<32x1024xf32, #tpu.memory_space<vmem>>) target(%dma_start3A_116 : memref<32x1024xf32, #tpu.memory_space<hbm>>) target_semaphore(%run_scoped3A_108 : memref<!tpu.dma_semaphore, #tpu.memory_space<semaphore_mem>>)
      %dma_wait3A_121 = arith.constant 0 : i32
      %dma_wait3A_122 = arith.constant 0 : i32
      %dma_wait3A_123 = tpu.memref_slice %arg6[%run_scoped3A, %dma_wait3A_121, %dma_wait3A_122] : memref<2x32x1024xf32, #tpu.memory_space<vmem>> -> memref<1x32x1024xf32, #tpu.memory_space<vmem>>
      %dma_wait3A_124 = tpu.memref_squeeze %dma_wait3A_123 : memref<1x32x1024xf32, #tpu.memory_space<vmem>> -> memref<32x1024xf32, #tpu.memory_space<vmem>>
      %dma_wait3A_125 = arith.constant 0 : i32
      %dma_wait3A_126 = tpu.memref_slice %arg4[%add3A_38, %dma_wait3A_125] : memref<4096x1024xf32, #tpu.memory_space<hbm>> -> memref<32x1024xf32, #tpu.memory_space<hbm>>
      %dma_wait3A_127 = arith.constant 0 : i32
      %dma_wait3A_128 = tpu.memref_slice %arg4[%add3A_38, %dma_wait3A_127] : memref<4096x1024xf32, #tpu.memory_space<hbm>> -> memref<32x1024xf32, #tpu.memory_space<hbm>>
      %dma_wait3A_129 = arith.constant 0 : i32
      %dma_wait3A_130 = arith.constant 0 : i32
      %dma_wait3A_131 = tpu.memref_slice %arg6[%run_scoped3A, %dma_wait3A_129, %dma_wait3A_130] : memref<2x32x1024xf32, #tpu.memory_space<vmem>> -> memref<1x32x1024xf32, #tpu.memory_space<vmem>>
      %dma_wait3A_132 = tpu.memref_squeeze %dma_wait3A_131 : memref<1x32x1024xf32, #tpu.memory_space<vmem>> -> memref<32x1024xf32, #tpu.memory_space<vmem>>
      tpu.wait_dma2 semaphore(%run_scoped3A_108 : memref<!tpu.dma_semaphore, #tpu.memory_space<semaphore_mem>>) src(%dma_wait3A_132 : memref<32x1024xf32, #tpu.memory_space<vmem>>) dst(%dma_wait3A_128 : memref<32x1024xf32, #tpu.memory_space<hbm>>)
      tpu.yield
    }) : () -> ()
    %dma_start3A_39 = arith.constant 2 : i32
    %dma_start3A_40 = arith.constant 0 : i32
    %dma_start3A_41 = arith.constant 0 : i32
    %dma_start3A_42 = arith.constant 0 : i32
    %dma_start3A_43 = tpu.memref_slice %arg6[%dma_start3A_40, %dma_start3A_41, %dma_start3A_42] : memref<2x32x1024xf32, #tpu.memory_space<vmem>> -> memref<1x32x1024xf32, #tpu.memory_space<vmem>>
    %dma_start3A_44 = tpu.memref_squeeze %dma_start3A_43 : memref<1x32x1024xf32, #tpu.memory_space<vmem>> -> memref<32x1024xf32, #tpu.memory_space<vmem>>
    %dma_start3A_45 = arith.constant 0 : i32
    %dma_start3A_46 = tpu.memref_slice %arg5[%dma_start3A_39, %dma_start3A_45] : memref<4x32xi32, #tpu.memory_space<vmem>> -> memref<1x32xi32, #tpu.memory_space<vmem>>
    %dma_start3A_47 = tpu.memref_squeeze %dma_start3A_46 : memref<1x32xi32, #tpu.memory_space<vmem>> -> memref<32xi32, #tpu.memory_space<vmem>>
    %dma_start3A_48 = arith.constant 0 : i32
    %dma_start3A_49 = arith.constant 0 : i32
    %dma_start3A_50 = tpu.memref_slice %arg2[%dma_start3A_48, %dma_start3A_49] : memref<10240x1024xf32, #tpu.memory_space<hbm>> -> memref<10240x1024xf32, #tpu.memory_space<hbm>>
    tpu.enqueue_indirect_dma source(%dma_start3A_50 : memref<10240x1024xf32, #tpu.memory_space<hbm>>) target(%dma_start3A_44 : memref<32x1024xf32, #tpu.memory_space<vmem>>) offsets(%dma_start3A_47 : memref<32xi32, #tpu.memory_space<vmem>>) semaphore(%arg7 : memref<!tpu.dma_semaphore, #tpu.memory_space<semaphore_mem>>)
    %dma_wait3A_51 = arith.constant 1 : i32
    %dma_wait3A_52 = arith.constant 1 : i32
    %dma_wait3A_53 = arith.constant 0 : i32
    %dma_wait3A_54 = arith.constant 0 : i32
    %dma_wait3A_55 = tpu.memref_slice %arg6[%dma_wait3A_52, %dma_wait3A_53, %dma_wait3A_54] : memref<2x32x1024xf32, #tpu.memory_space<vmem>> -> memref<1x32x1024xf32, #tpu.memory_space<vmem>>
    %dma_wait3A_56 = tpu.memref_squeeze %dma_wait3A_55 : memref<1x32x1024xf32, #tpu.memory_space<vmem>> -> memref<32x1024xf32, #tpu.memory_space<vmem>>
    %dma_wait3A_57 = arith.constant 0 : i32
    %dma_wait3A_58 = tpu.memref_slice %arg5[%dma_wait3A_51, %dma_wait3A_57] : memref<4x32xi32, #tpu.memory_space<vmem>> -> memref<1x32xi32, #tpu.memory_space<vmem>>
    %dma_wait3A_59 = tpu.memref_squeeze %dma_wait3A_58 : memref<1x32xi32, #tpu.memory_space<vmem>> -> memref<32xi32, #tpu.memory_space<vmem>>
    %dma_wait3A_60 = arith.constant 0 : i32
    %dma_wait3A_61 = arith.constant 0 : i32
    %dma_wait3A_62 = tpu.memref_slice %arg2[%dma_wait3A_60, %dma_wait3A_61] : memref<10240x1024xf32, #tpu.memory_space<hbm>> -> memref<10240x1024xf32, #tpu.memory_space<hbm>>
    tpu.wait_indirect_dma semaphore(%arg8 : memref<!tpu.dma_semaphore, #tpu.memory_space<semaphore_mem>>) src(%dma_wait3A_62 : memref<10240x1024xf32, #tpu.memory_space<hbm>>) dst(%dma_wait3A_56 : memref<32x1024xf32, #tpu.memory_space<vmem>>)
    %add3A_63 = arith.constant 32 : i32
    %add3A_64 = arith.addi %mul3A_2, %add3A_63 : i32
    %run_scoped3A_65 = arith.constant 1 : i32
    "tpu.region"() ({
      %run_scoped3A_108 = tpu.sem_alloc : memref<!tpu.dma_semaphore, #tpu.memory_space<semaphore_mem>>
      %dma_start3A_109 = arith.constant 0 : i32
      %dma_start3A_110 = arith.constant 0 : i32
      %dma_start3A_111 = tpu.memref_slice %arg6[%run_scoped3A_65, %dma_start3A_109, %dma_start3A_110] : memref<2x32x1024xf32, #tpu.memory_space<vmem>> -> memref<1x32x1024xf32, #tpu.memory_space<vmem>>
      %dma_start3A_112 = tpu.memref_squeeze %dma_start3A_111 : memref<1x32x1024xf32, #tpu.memory_space<vmem>> -> memref<32x1024xf32, #tpu.memory_space<vmem>>
      %dma_start3A_113 = arith.constant 0 : i32
      %dma_start3A_114 = tpu.memref_slice %arg4[%add3A_64, %dma_start3A_113] : memref<4096x1024xf32, #tpu.memory_space<hbm>> -> memref<32x1024xf32, #tpu.memory_space<hbm>>
      %dma_start3A_115 = arith.constant 0 : i32
      %dma_start3A_116 = tpu.memref_slice %arg4[%add3A_64, %dma_start3A_115] : memref<4096x1024xf32, #tpu.memory_space<hbm>> -> memref<32x1024xf32, #tpu.memory_space<hbm>>
      %dma_start3A_117 = arith.constant 0 : i32
      %dma_start3A_118 = arith.constant 0 : i32
      %dma_start3A_119 = tpu.memref_slice %arg6[%run_scoped3A_65, %dma_start3A_117, %dma_start3A_118] : memref<2x32x1024xf32, #tpu.memory_space<vmem>> -> memref<1x32x1024xf32, #tpu.memory_space<vmem>>
      %dma_start3A_120 = tpu.memref_squeeze %dma_start3A_119 : memref<1x32x1024xf32, #tpu.memory_space<vmem>> -> memref<32x1024xf32, #tpu.memory_space<vmem>>
      tpu.enqueue_dma source(%dma_start3A_120 : memref<32x1024xf32, #tpu.memory_space<vmem>>) target(%dma_start3A_116 : memref<32x1024xf32, #tpu.memory_space<hbm>>) target_semaphore(%run_scoped3A_108 : memref<!tpu.dma_semaphore, #tpu.memory_space<semaphore_mem>>)
      %dma_wait3A_121 = arith.constant 0 : i32
      %dma_wait3A_122 = arith.constant 0 : i32
      %dma_wait3A_123 = tpu.memref_slice %arg6[%run_scoped3A_65, %dma_wait3A_121, %dma_wait3A_122] : memref<2x32x1024xf32, #tpu.memory_space<vmem>> -> memref<1x32x1024xf32, #tpu.memory_space<vmem>>
      %dma_wait3A_124 = tpu.memref_squeeze %dma_wait3A_123 : memref<1x32x1024xf32, #tpu.memory_space<vmem>> -> memref<32x1024xf32, #tpu.memory_space<vmem>>
      %dma_wait3A_125 = arith.constant 0 : i32
      %dma_wait3A_126 = tpu.memref_slice %arg4[%add3A_64, %dma_wait3A_125] : memref<4096x1024xf32, #tpu.memory_space<hbm>> -> memref<32x1024xf32, #tpu.memory_space<hbm>>
      %dma_wait3A_127 = arith.constant 0 : i32
      %dma_wait3A_128 = tpu.memref_slice %arg4[%add3A_64, %dma_wait3A_127] : memref<4096x1024xf32, #tpu.memory_space<hbm>> -> memref<32x1024xf32, #tpu.memory_space<hbm>>
      %dma_wait3A_129 = arith.constant 0 : i32
      %dma_wait3A_130 = arith.constant 0 : i32
      %dma_wait3A_131 = tpu.memref_slice %arg6[%run_scoped3A_65, %dma_wait3A_129, %dma_wait3A_130] : memref<2x32x1024xf32, #tpu.memory_space<vmem>> -> memref<1x32x1024xf32, #tpu.memory_space<vmem>>
      %dma_wait3A_132 = tpu.memref_squeeze %dma_wait3A_131 : memref<1x32x1024xf32, #tpu.memory_space<vmem>> -> memref<32x1024xf32, #tpu.memory_space<vmem>>
      tpu.wait_dma2 semaphore(%run_scoped3A_108 : memref<!tpu.dma_semaphore, #tpu.memory_space<semaphore_mem>>) src(%dma_wait3A_132 : memref<32x1024xf32, #tpu.memory_space<vmem>>) dst(%dma_wait3A_128 : memref<32x1024xf32, #tpu.memory_space<hbm>>)
      tpu.yield
    }) : () -> ()
    %dma_start3A_66 = arith.constant 3 : i32
    %dma_start3A_67 = arith.constant 1 : i32
    %dma_start3A_68 = arith.constant 0 : i32
    %dma_start3A_69 = arith.constant 0 : i32
    %dma_start3A_70 = tpu.memref_slice %arg6[%dma_start3A_67, %dma_start3A_68, %dma_start3A_69] : memref<2x32x1024xf32, #tpu.memory_space<vmem>> -> memref<1x32x1024xf32, #tpu.memory_space<vmem>>
    %dma_start3A_71 = tpu.memref_squeeze %dma_start3A_70 : memref<1x32x1024xf32, #tpu.memory_space<vmem>> -> memref<32x1024xf32, #tpu.memory_space<vmem>>
    %dma_start3A_72 = arith.constant 0 : i32
    %dma_start3A_73 = tpu.memref_slice %arg5[%dma_start3A_66, %dma_start3A_72] : memref<4x32xi32, #tpu.memory_space<vmem>> -> memref<1x32xi32, #tpu.memory_space<vmem>>
    %dma_start3A_74 = tpu.memref_squeeze %dma_start3A_73 : memref<1x32xi32, #tpu.memory_space<vmem>> -> memref<32xi32, #tpu.memory_space<vmem>>
    %dma_start3A_75 = arith.constant 0 : i32
    %dma_start3A_76 = arith.constant 0 : i32
    %dma_start3A_77 = tpu.memref_slice %arg2[%dma_start3A_75, %dma_start3A_76] : memref<10240x1024xf32, #tpu.memory_space<hbm>> -> memref<10240x1024xf32, #tpu.memory_space<hbm>>
    tpu.enqueue_indirect_dma source(%dma_start3A_77 : memref<10240x1024xf32, #tpu.memory_space<hbm>>) target(%dma_start3A_71 : memref<32x1024xf32, #tpu.memory_space<vmem>>) offsets(%dma_start3A_74 : memref<32xi32, #tpu.memory_space<vmem>>) semaphore(%arg8 : memref<!tpu.dma_semaphore, #tpu.memory_space<semaphore_mem>>)
    %dma_wait3A_78 = arith.constant 2 : i32
    %dma_wait3A_79 = arith.constant 0 : i32
    %dma_wait3A_80 = arith.constant 0 : i32
    %dma_wait3A_81 = arith.constant 0 : i32
    %dma_wait3A_82 = tpu.memref_slice %arg6[%dma_wait3A_79, %dma_wait3A_80, %dma_wait3A_81] : memref<2x32x1024xf32, #tpu.memory_space<vmem>> -> memref<1x32x1024xf32, #tpu.memory_space<vmem>>
    %dma_wait3A_83 = tpu.memref_squeeze %dma_wait3A_82 : memref<1x32x1024xf32, #tpu.memory_space<vmem>> -> memref<32x1024xf32, #tpu.memory_space<vmem>>
    %dma_wait3A_84 = arith.constant 0 : i32
    %dma_wait3A_85 = tpu.memref_slice %arg5[%dma_wait3A_78, %dma_wait3A_84] : memref<4x32xi32, #tpu.memory_space<vmem>> -> memref<1x32xi32, #tpu.memory_space<vmem>>
    %dma_wait3A_86 = tpu.memref_squeeze %dma_wait3A_85 : memref<1x32xi32, #tpu.memory_space<vmem>> -> memref<32xi32, #tpu.memory_space<vmem>>
    %dma_wait3A_87 = arith.constant 0 : i32
    %dma_wait3A_88 = arith.constant 0 : i32
    %dma_wait3A_89 = tpu.memref_slice %arg2[%dma_wait3A_87, %dma_wait3A_88] : memref<10240x1024xf32, #tpu.memory_space<hbm>> -> memref<10240x1024xf32, #tpu.memory_space<hbm>>
    tpu.wait_indirect_dma semaphore(%arg7 : memref<!tpu.dma_semaphore, #tpu.memory_space<semaphore_mem>>) src(%dma_wait3A_89 : memref<10240x1024xf32, #tpu.memory_space<hbm>>) dst(%dma_wait3A_83 : memref<32x1024xf32, #tpu.memory_space<vmem>>)
    %add3A_90 = arith.constant 64 : i32
    %add3A_91 = arith.addi %mul3A_2, %add3A_90 : i32
    %run_scoped3A_92 = arith.constant 0 : i32
    "tpu.region"() ({
      %run_scoped3A_108 = tpu.sem_alloc : memref<!tpu.dma_semaphore, #tpu.memory_space<semaphore_mem>>
      %dma_start3A_109 = arith.constant 0 : i32
      %dma_start3A_110 = arith.constant 0 : i32
      %dma_start3A_111 = tpu.memref_slice %arg6[%run_scoped3A_92, %dma_start3A_109, %dma_start3A_110] : memref<2x32x1024xf32, #tpu.memory_space<vmem>> -> memref<1x32x1024xf32, #tpu.memory_space<vmem>>
      %dma_start3A_112 = tpu.memref_squeeze %dma_start3A_111 : memref<1x32x1024xf32, #tpu.memory_space<vmem>> -> memref<32x1024xf32, #tpu.memory_space<vmem>>
      %dma_start3A_113 = arith.constant 0 : i32
      %dma_start3A_114 = tpu.memref_slice %arg4[%add3A_91, %dma_start3A_113] : memref<4096x1024xf32, #tpu.memory_space<hbm>> -> memref<32x1024xf32, #tpu.memory_space<hbm>>
      %dma_start3A_115 = arith.constant 0 : i32
      %dma_start3A_116 = tpu.memref_slice %arg4[%add3A_91, %dma_start3A_115] : memref<4096x1024xf32, #tpu.memory_space<hbm>> -> memref<32x1024xf32, #tpu.memory_space<hbm>>
      %dma_start3A_117 = arith.constant 0 : i32
      %dma_start3A_118 = arith.constant 0 : i32
      %dma_start3A_119 = tpu.memref_slice %arg6[%run_scoped3A_92, %dma_start3A_117, %dma_start3A_118] : memref<2x32x1024xf32, #tpu.memory_space<vmem>> -> memref<1x32x1024xf32, #tpu.memory_space<vmem>>
      %dma_start3A_120 = tpu.memref_squeeze %dma_start3A_119 : memref<1x32x1024xf32, #tpu.memory_space<vmem>> -> memref<32x1024xf32, #tpu.memory_space<vmem>>
      tpu.enqueue_dma source(%dma_start3A_120 : memref<32x1024xf32, #tpu.memory_space<vmem>>) target(%dma_start3A_116 : memref<32x1024xf32, #tpu.memory_space<hbm>>) target_semaphore(%run_scoped3A_108 : memref<!tpu.dma_semaphore, #tpu.memory_space<semaphore_mem>>)
      %dma_wait3A_121 = arith.constant 0 : i32
      %dma_wait3A_122 = arith.constant 0 : i32
      %dma_wait3A_123 = tpu.memref_slice %arg6[%run_scoped3A_92, %dma_wait3A_121, %dma_wait3A_122] : memref<2x32x1024xf32, #tpu.memory_space<vmem>> -> memref<1x32x1024xf32, #tpu.memory_space<vmem>>
      %dma_wait3A_124 = tpu.memref_squeeze %dma_wait3A_123 : memref<1x32x1024xf32, #tpu.memory_space<vmem>> -> memref<32x1024xf32, #tpu.memory_space<vmem>>
      %dma_wait3A_125 = arith.constant 0 : i32
      %dma_wait3A_126 = tpu.memref_slice %arg4[%add3A_91, %dma_wait3A_125] : memref<4096x1024xf32, #tpu.memory_space<hbm>> -> memref<32x1024xf32, #tpu.memory_space<hbm>>
      %dma_wait3A_127 = arith.constant 0 : i32
      %dma_wait3A_128 = tpu.memref_slice %arg4[%add3A_91, %dma_wait3A_127] : memref<4096x1024xf32, #tpu.memory_space<hbm>> -> memref<32x1024xf32, #tpu.memory_space<hbm>>
      %dma_wait3A_129 = arith.constant 0 : i32
      %dma_wait3A_130 = arith.constant 0 : i32
      %dma_wait3A_131 = tpu.memref_slice %arg6[%run_scoped3A_92, %dma_wait3A_129, %dma_wait3A_130] : memref<2x32x1024xf32, #tpu.memory_space<vmem>> -> memref<1x32x1024xf32, #tpu.memory_space<vmem>>
      %dma_wait3A_132 = tpu.memref_squeeze %dma_wait3A_131 : memref<1x32x1024xf32, #tpu.memory_space<vmem>> -> memref<32x1024xf32, #tpu.memory_space<vmem>>
      tpu.wait_dma2 semaphore(%run_scoped3A_108 : memref<!tpu.dma_semaphore, #tpu.memory_space<semaphore_mem>>) src(%dma_wait3A_132 : memref<32x1024xf32, #tpu.memory_space<vmem>>) dst(%dma_wait3A_128 : memref<32x1024xf32, #tpu.memory_space<hbm>>)
      tpu.yield
    }) : () -> ()
    %dma_wait3A_93 = arith.constant 3 : i32
    %dma_wait3A_94 = arith.constant 1 : i32
    %dma_wait3A_95 = arith.constant 0 : i32
    %dma_wait3A_96 = arith.constant 0 : i32
    %dma_wait3A_97 = tpu.memref_slice %arg6[%dma_wait3A_94, %dma_wait3A_95, %dma_wait3A_96] : memref<2x32x1024xf32, #tpu.memory_space<vmem>> -> memref<1x32x1024xf32, #tpu.memory_space<vmem>>
    %dma_wait3A_98 = tpu.memref_squeeze %dma_wait3A_97 : memref<1x32x1024xf32, #tpu.memory_space<vmem>> -> memref<32x1024xf32, #tpu.memory_space<vmem>>
    %dma_wait3A_99 = arith.constant 0 : i32
    %dma_wait3A_100 = tpu.memref_slice %arg5[%dma_wait3A_93, %dma_wait3A_99] : memref<4x32xi32, #tpu.memory_space<vmem>> -> memref<1x32xi32, #tpu.memory_space<vmem>>
    %dma_wait3A_101 = tpu.memref_squeeze %dma_wait3A_100 : memref<1x32xi32, #tpu.memory_space<vmem>> -> memref<32xi32, #tpu.memory_space<vmem>>
    %dma_wait3A_102 = arith.constant 0 : i32
    %dma_wait3A_103 = arith.constant 0 : i32
    %dma_wait3A_104 = tpu.memref_slice %arg2[%dma_wait3A_102, %dma_wait3A_103] : memref<10240x1024xf32, #tpu.memory_space<hbm>> -> memref<10240x1024xf32, #tpu.memory_space<hbm>>
    tpu.wait_indirect_dma semaphore(%arg8 : memref<!tpu.dma_semaphore, #tpu.memory_space<semaphore_mem>>) src(%dma_wait3A_104 : memref<10240x1024xf32, #tpu.memory_space<hbm>>) dst(%dma_wait3A_98 : memref<32x1024xf32, #tpu.memory_space<vmem>>)
    %add3A_105 = arith.constant 96 : i32
    %add3A_106 = arith.addi %mul3A_2, %add3A_105 : i32
    %run_scoped3A_107 = arith.constant 1 : i32
    "tpu.region"() ({
      %run_scoped3A_108 = tpu.sem_alloc : memref<!tpu.dma_semaphore, #tpu.memory_space<semaphore_mem>>
      %dma_start3A_109 = arith.constant 0 : i32
      %dma_start3A_110 = arith.constant 0 : i32
      %dma_start3A_111 = tpu.memref_slice %arg6[%run_scoped3A_107, %dma_start3A_109, %dma_start3A_110] : memref<2x32x1024xf32, #tpu.memory_space<vmem>> -> memref<1x32x1024xf32, #tpu.memory_space<vmem>>
      %dma_start3A_112 = tpu.memref_squeeze %dma_start3A_111 : memref<1x32x1024xf32, #tpu.memory_space<vmem>> -> memref<32x1024xf32, #tpu.memory_space<vmem>>
      %dma_start3A_113 = arith.constant 0 : i32
      %dma_start3A_114 = tpu.memref_slice %arg4[%add3A_106, %dma_start3A_113] : memref<4096x1024xf32, #tpu.memory_space<hbm>> -> memref<32x1024xf32, #tpu.memory_space<hbm>>
      %dma_start3A_115 = arith.constant 0 : i32
      %dma_start3A_116 = tpu.memref_slice %arg4[%add3A_106, %dma_start3A_115] : memref<4096x1024xf32, #tpu.memory_space<hbm>> -> memref<32x1024xf32, #tpu.memory_space<hbm>>
      %dma_start3A_117 = arith.constant 0 : i32
      %dma_start3A_118 = arith.constant 0 : i32
      %dma_start3A_119 = tpu.memref_slice %arg6[%run_scoped3A_107, %dma_start3A_117, %dma_start3A_118] : memref<2x32x1024xf32, #tpu.memory_space<vmem>> -> memref<1x32x1024xf32, #tpu.memory_space<vmem>>
      %dma_start3A_120 = tpu.memref_squeeze %dma_start3A_119 : memref<1x32x1024xf32, #tpu.memory_space<vmem>> -> memref<32x1024xf32, #tpu.memory_space<vmem>>
      tpu.enqueue_dma source(%dma_start3A_120 : memref<32x1024xf32, #tpu.memory_space<vmem>>) target(%dma_start3A_116 : memref<32x1024xf32, #tpu.memory_space<hbm>>) target_semaphore(%run_scoped3A_108 : memref<!tpu.dma_semaphore, #tpu.memory_space<semaphore_mem>>)
      %dma_wait3A_121 = arith.constant 0 : i32
      %dma_wait3A_122 = arith.constant 0 : i32
      %dma_wait3A_123 = tpu.memref_slice %arg6[%run_scoped3A_107, %dma_wait3A_121, %dma_wait3A_122] : memref<2x32x1024xf32, #tpu.memory_space<vmem>> -> memref<1x32x1024xf32, #tpu.memory_space<vmem>>
      %dma_wait3A_124 = tpu.memref_squeeze %dma_wait3A_123 : memref<1x32x1024xf32, #tpu.memory_space<vmem>> -> memref<32x1024xf32, #tpu.memory_space<vmem>>
      %dma_wait3A_125 = arith.constant 0 : i32
      %dma_wait3A_126 = tpu.memref_slice %arg4[%add3A_106, %dma_wait3A_125] : memref<4096x1024xf32, #tpu.memory_space<hbm>> -> memref<32x1024xf32, #tpu.memory_space<hbm>>
      %dma_wait3A_127 = arith.constant 0 : i32
      %dma_wait3A_128 = tpu.memref_slice %arg4[%add3A_106, %dma_wait3A_127] : memref<4096x1024xf32, #tpu.memory_space<hbm>> -> memref<32x1024xf32, #tpu.memory_space<hbm>>
      %dma_wait3A_129 = arith.constant 0 : i32
      %dma_wait3A_130 = arith.constant 0 : i32
      %dma_wait3A_131 = tpu.memref_slice %arg6[%run_scoped3A_107, %dma_wait3A_129, %dma_wait3A_130] : memref<2x32x1024xf32, #tpu.memory_space<vmem>> -> memref<1x32x1024xf32, #tpu.memory_space<vmem>>
      %dma_wait3A_132 = tpu.memref_squeeze %dma_wait3A_131 : memref<1x32x1024xf32, #tpu.memory_space<vmem>> -> memref<32x1024xf32, #tpu.memory_space<vmem>>
      tpu.wait_dma2 semaphore(%run_scoped3A_108 : memref<!tpu.dma_semaphore, #tpu.memory_space<semaphore_mem>>) src(%dma_wait3A_132 : memref<32x1024xf32, #tpu.memory_space<vmem>>) dst(%dma_wait3A_128 : memref<32x1024xf32, #tpu.memory_space<hbm>>)
      tpu.yield
    }) : () -> ()
    return
  }
}

module attributes {stable_mosaic.version = 14 : i64} {
  func.func @_gating_body(%arg0: i32, %arg1: memref<256x1024xf32, #tpu.memory_space<vmem>>, %arg2: memref<1024x128xf32, #tpu.memory_space<vmem>>, %arg3: memref<1x128xf32, #tpu.memory_space<vmem>>, %arg4: memref<256x2xf32, #tpu.memory_space<vmem>>, %arg5: memref<256x2xi32, #tpu.memory_space<vmem>>) attributes {dimension_semantics = [#tpu.dimension_semantics<arbitrary>], iteration_bounds = array<i64: 8>, scalar_prefetch = 0 : i64, scratch_operands = 0 : i64, tpu.core_type = #tpu.core_type<tc>, window_params = [{transform_indices = @transform_0, window_bounds = array<i64: 256, 1024>}, {pipeline_mode = #tpu.pipeline_mode<synchronous>, transform_indices = @transform_1, window_bounds = array<i64: 1024, 128>}, {pipeline_mode = #tpu.pipeline_mode<synchronous>, transform_indices = @transform_2, window_bounds = array<i64: 1, 128>}, {transform_indices = @transform_3, window_bounds = array<i64: 256, 2>}, {transform_indices = @transform_4, window_bounds = array<i64: 256, 2>}]} {
    %get3A = arith.constant 0 : index
    %get3A_0 = arith.constant 0 : index
    %get3A_1 = vector.load %arg1[%get3A, %get3A_0] : memref<256x1024xf32, #tpu.memory_space<vmem>>, vector<256x1024xf32>
    %get3A_2 = arith.constant 0 : index
    %get3A_3 = arith.constant 0 : index
    %get3A_4 = vector.load %arg2[%get3A_2, %get3A_3] : memref<1024x128xf32, #tpu.memory_space<vmem>>, vector<1024x128xf32>
    %dot_general3A = arith.constant dense<0.000000e+00> : vector<256x128xf32>
    %dot_general3A_5 = tpu.matmul %get3A_1, %get3A_4, %dot_general3A {dimension_numbers = #tpu.dot_dimension_numbers<[1], [0], [0], [1], [0, 0, 1, 1], [], []>, transpose_lhs_hint = false} : vector<256x1024xf32>, vector<1024x128xf32>, vector<256x128xf32> -> vector<256x128xf32>
    %get3A_6 = arith.constant 0 : index
    %get3A_7 = arith.constant 0 : index
    %get3A_8 = vector.load %arg3[%get3A_6, %get3A_7] : memref<1x128xf32, #tpu.memory_space<vmem>>, vector<1x128xf32>
    %add3A = vector.broadcast %get3A_8 : vector<1x128xf32> to vector<256x128xf32>
    %add3A_9 = arith.addf %dot_general3A_5, %add3A : vector<256x128xf32>
    %iota3A = tpu.iota {dimensions = array<i32: 1>} : vector<256x128xi32>
    %reduce_max3A = arith.constant dense<0xFF800000> : vector<256xf32>
    %reduce_max3A_10 = vector.multi_reduction <maximumf>, %add3A_9, %reduce_max3A [1] : vector<256x128xf32> to vector<256xf32>
    %broadcast_in_dim3A = vector.shape_cast %reduce_max3A_10 : vector<256xf32> to vector<256x1xf32>
    %argmax3A = tpu.reduce_index %add3A_9 {axis = 1 : i32, kind = #tpu.reduction_kind<arg_max>} : vector<256x128xf32> -> vector<256xi32>
    %broadcast_in_dim3A_11 = vector.shape_cast %argmax3A : vector<256xi32> to vector<256x1xi32>
    %eq3A = vector.broadcast %broadcast_in_dim3A_11 : vector<256x1xi32> to vector<256x128xi32>
    %eq3A_12 = arith.cmpi eq, %iota3A, %eq3A : vector<256x128xi32>
    %jit3A = arith.constant -1.000000e+30 : f32
    %broadcast_in_dim3A_13 = vector.broadcast %jit3A : f32 to vector<256x128xf32>
    %select_n3A = arith.select %eq3A_12, %broadcast_in_dim3A_13, %add3A_9 : vector<256x128xi1>, vector<256x128xf32>
    %reduce_max3A_14 = arith.constant dense<0xFF800000> : vector<256xf32>
    %reduce_max3A_15 = vector.multi_reduction <maximumf>, %select_n3A, %reduce_max3A_14 [1] : vector<256x128xf32> to vector<256xf32>
    %broadcast_in_dim3A_16 = vector.shape_cast %reduce_max3A_15 : vector<256xf32> to vector<256x1xf32>
    %argmax3A_17 = tpu.reduce_index %select_n3A {axis = 1 : i32, kind = #tpu.reduction_kind<arg_max>} : vector<256x128xf32> -> vector<256xi32>
    %sub3A = vector.broadcast %broadcast_in_dim3A : vector<256x1xf32> to vector<256x128xf32>
    %sub3A_18 = arith.subf %add3A_9, %sub3A : vector<256x128xf32>
    %exp3A = math.exp %sub3A_18 : vector<256x128xf32>
    %reduce_sum3A = arith.constant dense<0.000000e+00> : vector<256xf32>
    %reduce_sum3A_19 = vector.multi_reduction <add>, %exp3A, %reduce_sum3A [1] : vector<256x128xf32> to vector<256xf32>
    %broadcast_in_dim3A_20 = vector.shape_cast %reduce_sum3A_19 : vector<256xf32> to vector<256x1xf32>
    %log3A = math.log %broadcast_in_dim3A_20 : vector<256x1xf32>
    %add3A_21 = arith.addf %broadcast_in_dim3A, %log3A : vector<256x1xf32>
    %sub3A_22 = arith.subf %broadcast_in_dim3A, %add3A_21 : vector<256x1xf32>
    %exp3A_23 = math.exp %sub3A_22 : vector<256x1xf32>
    %sub3A_24 = arith.subf %broadcast_in_dim3A_16, %add3A_21 : vector<256x1xf32>
    %exp3A_25 = math.exp %sub3A_24 : vector<256x1xf32>
    %concatenate3A = tpu.concatenate %exp3A_23, %exp3A_25 in 1 : vector<256x1xf32>, vector<256x1xf32> -> vector<256x2xf32>
    %swap3A = arith.constant 0 : index
    %swap3A_26 = arith.constant 0 : index
    %swap3A_27 = vector.load %arg4[%swap3A, %swap3A_26] : memref<256x2xf32, #tpu.memory_space<vmem>>, vector<256x2xf32>
    tpu.vector_store %arg4[%swap3A, %swap3A_26], %concatenate3A {strides = array<i32>} : memref<256x2xf32, #tpu.memory_space<vmem>>, vector<256x2xf32>,
    %stack3A = vector.shape_cast %argmax3A : vector<256xi32> to vector<256x1xi32>
    %stack3A_28 = vector.shape_cast %argmax3A_17 : vector<256xi32> to vector<256x1xi32>
    %stack3A_29 = tpu.concatenate %stack3A, %stack3A_28 in 1 : vector<256x1xi32>, vector<256x1xi32> -> vector<256x2xi32>
    %swap3A_30 = arith.constant 0 : index
    %swap3A_31 = arith.constant 0 : index
    %swap3A_32 = vector.load %arg5[%swap3A_30, %swap3A_31] : memref<256x2xi32, #tpu.memory_space<vmem>>, vector<256x2xi32>
    tpu.vector_store %arg5[%swap3A_30, %swap3A_31], %stack3A_29 {strides = array<i32>} : memref<256x2xi32, #tpu.memory_space<vmem>>, vector<256x2xi32>,
    return
  }
  func.func @transform_0(%arg0: i32) -> (i32, i32) {
    %c0_i32 = arith.constant 0 : i32
    %c0_i32_0 = arith.constant 0 : i32
    return %arg0, %c0_i32 : i32, i32
  }
  func.func @transform_1(%arg0: i32) -> (i32, i32) {
    %c0_i32 = arith.constant 0 : i32
    %c0_i32_0 = arith.constant 0 : i32
    %c0_i32_1 = arith.constant 0 : i32
    return %c0_i32, %c0_i32_0 : i32, i32
  }
  func.func @transform_2(%arg0: i32) -> (i32, i32) {
    %c0_i32 = arith.constant 0 : i32
    %c0_i32_0 = arith.constant 0 : i32
    %c0_i32_1 = arith.constant 0 : i32
    return %c0_i32, %c0_i32_0 : i32, i32
  }
  func.func @transform_3(%arg0: i32) -> (i32, i32) {
    %c0_i32 = arith.constant 0 : i32
    %c0_i32_0 = arith.constant 0 : i32
    return %arg0, %c0_i32 : i32, i32
  }
  func.func @transform_4(%arg0: i32) -> (i32, i32) {
    %c0_i32 = arith.constant 0 : i32
    %c0_i32_0 = arith.constant 0 : i32
    return %arg0, %c0_i32 : i32, i32
  }
}

module attributes {stable_mosaic.version = 14 : i64} {
  func.func @_ffn_body(%arg0: i32, %arg1: i32, %arg2: memref<40xi32, #tpu.memory_space<smem>>, %arg3: memref<256x1024xf32, #tpu.memory_space<vmem>>, %arg4: memref<256x1024xf32, #tpu.memory_space<vmem>>, %arg5: memref<1x1024x1024xbf16, #tpu.memory_space<vmem>>, %arg6: memref<1x1x1024xf32, #tpu.memory_space<vmem>>, %arg7: memref<1x1024x1024xbf16, #tpu.memory_space<vmem>>, %arg8: memref<1x1x1024xf32, #tpu.memory_space<vmem>>, %arg9: memref<256x1xf32, #tpu.memory_space<vmem>>, %arg10: memref<256x1024xf32, #tpu.memory_space<vmem>>) attributes {dimension_semantics = [#tpu.dimension_semantics<arbitrary>, #tpu.dimension_semantics<arbitrary>], iteration_bounds = array<i64: 40, 4>, scalar_prefetch = 1 : i64, scratch_operands = 0 : i64, tpu.core_type = #tpu.core_type<tc>, window_params = [{transform_indices = @transform_0, window_bounds = array<i64: 256, 1024>}, {transform_indices = @transform_1, window_bounds = array<i64: 256, 1024>}, {transform_indices = @transform_2, window_bounds = array<i64: 1, 1024, 1024>}, {transform_indices = @transform_3, window_bounds = array<i64: 1, 1, 1024>}, {transform_indices = @transform_4, window_bounds = array<i64: 1, 1024, 1024>}, {transform_indices = @transform_5, window_bounds = array<i64: 1, 1, 1024>}, {transform_indices = @transform_6, window_bounds = array<i64: 256, 1>}, {transform_indices = @transform_7, window_bounds = array<i64: 256, 1024>}]} {
    %get3A = arith.index_cast %arg0 : i32 to index
    %get3A_0 = memref.load %arg2[%get3A] : memref<40xi32, #tpu.memory_space<smem>>
    %ge3A = arith.constant 8 : i32
    %ge3A_1 = arith.cmpi sge, %get3A_0, %ge3A : i32
    %get3A_2 = arith.constant 0 : index
    %get3A_3 = arith.constant 0 : index
    %get3A_4 = vector.load %arg4[%get3A_2, %get3A_3] : memref<256x1024xf32, #tpu.memory_space<vmem>>, vector<256x1024xf32>
    %get3A_5 = arith.constant 0 : index
    %get3A_6 = arith.constant 0 : index
    %get3A_7 = vector.load %arg3[%get3A_5, %get3A_6] : memref<256x1024xf32, #tpu.memory_space<vmem>>, vector<256x1024xf32>
    %select_n3A = arith.select %ge3A_1, %get3A_4, %get3A_7 : vector<256x1024xf32>
    %convert_element_type3A = arith.truncf %select_n3A : vector<256x1024xf32> to vector<256x1024xbf16>
    %get3A_8 = arith.constant 0 : index
    %get3A_9 = arith.constant 0 : index
    %get3A_10 = arith.constant 0 : index
    %get3A_11 = vector.load %arg5[%get3A_8, %get3A_9, %get3A_10] : memref<1x1024x1024xbf16, #tpu.memory_space<vmem>>, vector<1x1024x1024xbf16>
    %get3A_12 = vector.shape_cast %get3A_11 : vector<1x1024x1024xbf16> to vector<1024x1024xbf16>
    %dot_general3A = arith.constant dense<0.000000e+00> : vector<256x1024xf32>
    %dot_general3A_13 = tpu.matmul %convert_element_type3A, %get3A_12, %dot_general3A {dimension_numbers = #tpu.dot_dimension_numbers<[1], [0], [0], [1], [0, 0, 1, 1], [], []>, transpose_lhs_hint = false} : vector<256x1024xbf16>, vector<1024x1024xbf16>, vector<256x1024xf32> -> vector<256x1024xf32>
    %get3A_14 = arith.constant 0 : index
    %get3A_15 = arith.constant 0 : index
    %get3A_16 = arith.constant 0 : index
    %get3A_17 = vector.load %arg6[%get3A_14, %get3A_15, %get3A_16] : memref<1x1x1024xf32, #tpu.memory_space<vmem>>, vector<1x1x1024xf32>
    %get3A_18 = vector.shape_cast %get3A_17 : vector<1x1x1024xf32> to vector<1x1024xf32>
    %add3A = vector.broadcast %get3A_18 : vector<1x1024xf32> to vector<256x1024xf32>
    %add3A_19 = arith.addf %dot_general3A_13, %add3A : vector<256x1024xf32>
    %integer_pow3A = arith.mulf %add3A_19, %add3A_19 : vector<256x1024xf32>
    %integer_pow3A_20 = arith.mulf %add3A_19, %integer_pow3A : vector<256x1024xf32>
    %mul3A = arith.constant 4.471500e-02 : f32
    %mul3A_21 = vector.broadcast %mul3A : f32 to vector<256x1024xf32>
    %mul3A_22 = arith.mulf %mul3A_21, %integer_pow3A_20 : vector<256x1024xf32>
    %add3A_23 = arith.addf %add3A_19, %mul3A_22 : vector<256x1024xf32>
    %mul3A_24 = arith.constant 0.797884583 : f32
    %mul3A_25 = vector.broadcast %mul3A_24 : f32 to vector<256x1024xf32>
    %mul3A_26 = arith.mulf %mul3A_25, %add3A_23 : vector<256x1024xf32>
    %tanh3A = math.tanh %mul3A_26 : vector<256x1024xf32>
    %add3A_27 = arith.constant 1.000000e+00 : f32
    %add3A_28 = vector.broadcast %add3A_27 : f32 to vector<256x1024xf32>
    %add3A_29 = arith.addf %add3A_28, %tanh3A : vector<256x1024xf32>
    %mul3A_30 = arith.constant 5.000000e-01 : f32
    %mul3A_31 = vector.broadcast %mul3A_30 : f32 to vector<256x1024xf32>
    %mul3A_32 = arith.mulf %mul3A_31, %add3A_29 : vector<256x1024xf32>
    %mul3A_33 = arith.mulf %add3A_19, %mul3A_32 : vector<256x1024xf32>
    %convert_element_type3A_34 = arith.truncf %mul3A_33 : vector<256x1024xf32> to vector<256x1024xbf16>
    %get3A_35 = arith.constant 0 : index
    %get3A_36 = arith.constant 0 : index
    %get3A_37 = arith.constant 0 : index
    %get3A_38 = vector.load %arg7[%get3A_35, %get3A_36, %get3A_37] : memref<1x1024x1024xbf16, #tpu.memory_space<vmem>>, vector<1x1024x1024xbf16>
    %get3A_39 = vector.shape_cast %get3A_38 : vector<1x1024x1024xbf16> to vector<1024x1024xbf16>
    %dot_general3A_40 = arith.constant dense<0.000000e+00> : vector<256x1024xf32>
    %dot_general3A_41 = tpu.matmul %convert_element_type3A_34, %get3A_39, %dot_general3A_40 {dimension_numbers = #tpu.dot_dimension_numbers<[1], [0], [0], [1], [0, 0, 1, 1], [], []>, transpose_lhs_hint = false} : vector<256x1024xbf16>, vector<1024x1024xbf16>, vector<256x1024xf32> -> vector<256x1024xf32>
    %eq3A = arith.constant 0 : i32
    %eq3A_42 = arith.cmpi eq, %arg1, %eq3A : i32
    %convert_element_type3A_43 = arith.extui %eq3A_42 : i1 to i32
    %cond3A = arith.constant 0 : i32
    %cond3A_44 = arith.cmpi ne, %convert_element_type3A_43, %cond3A : i32
    scf.if %cond3A_44 {
      %swap3A = arith.constant 0 : index
      %swap3A_54 = arith.constant 0 : index
      %swap3A_55 = vector.load %arg10[%swap3A, %swap3A_54] : memref<256x1024xf32, #tpu.memory_space<vmem>>, vector<256x1024xf32>
      tpu.vector_store %arg10[%swap3A, %swap3A_54], %dot_general3A_41 {strides = array<i32>} : memref<256x1024xf32, #tpu.memory_space<vmem>>, vector<256x1024xf32>,
    } else {
    }
    %gt3A = arith.constant 0 : i32
    %gt3A_45 = arith.cmpi sgt, %arg1, %gt3A : i32
    %convert_element_type3A_46 = arith.extui %gt3A_45 : i1 to i32
    %cond3A_47 = arith.constant 0 : i32
    %cond3A_48 = arith.cmpi ne, %convert_element_type3A_46, %cond3A_47 : i32
    scf.if %cond3A_48 {
      %get3A_54 = arith.constant 0 : index
      %get3A_55 = arith.constant 0 : index
      %get3A_56 = vector.load %arg10[%get3A_54, %get3A_55] : memref<256x1024xf32, #tpu.memory_space<vmem>>, vector<256x1024xf32>
      %add3A_57 = arith.addf %get3A_56, %dot_general3A_41 : vector<256x1024xf32>
      %swap3A = arith.constant 0 : index
      %swap3A_58 = arith.constant 0 : index
      %swap3A_59 = vector.load %arg10[%swap3A, %swap3A_58] : memref<256x1024xf32, #tpu.memory_space<vmem>>, vector<256x1024xf32>
      tpu.vector_store %arg10[%swap3A, %swap3A_58], %add3A_57 {strides = array<i32>} : memref<256x1024xf32, #tpu.memory_space<vmem>>, vector<256x1024xf32>,
    } else {
    }
    %eq3A_49 = arith.constant 3 : i32
    %eq3A_50 = arith.cmpi eq, %arg1, %eq3A_49 : i32
    %convert_element_type3A_51 = arith.extui %eq3A_50 : i1 to i32
    %cond3A_52 = arith.constant 0 : i32
    %cond3A_53 = arith.cmpi ne, %convert_element_type3A_51, %cond3A_52 : i32
    scf.if %cond3A_53 {
      %get3A_54 = arith.constant 0 : index
      %get3A_55 = arith.constant 0 : index
      %get3A_56 = vector.load %arg10[%get3A_54, %get3A_55] : memref<256x1024xf32, #tpu.memory_space<vmem>>, vector<256x1024xf32>
      %get3A_57 = arith.constant 0 : index
      %get3A_58 = arith.constant 0 : index
      %get3A_59 = arith.constant 0 : index
      %get3A_60 = vector.load %arg8[%get3A_57, %get3A_58, %get3A_59] : memref<1x1x1024xf32, #tpu.memory_space<vmem>>, vector<1x1x1024xf32>
      %get3A_61 = vector.shape_cast %get3A_60 : vector<1x1x1024xf32> to vector<1x1024xf32>
      %add3A_62 = vector.broadcast %get3A_61 : vector<1x1024xf32> to vector<256x1024xf32>
      %add3A_63 = arith.addf %get3A_56, %add3A_62 : vector<256x1024xf32>
      %get3A_64 = arith.constant 0 : index
      %get3A_65 = arith.constant 0 : index
      %get3A_66 = vector.load %arg9[%get3A_64, %get3A_65] : memref<256x1xf32, #tpu.memory_space<vmem>>, vector<256x1xf32>
      %mul3A_67 = vector.broadcast %get3A_66 : vector<256x1xf32> to vector<256x1024xf32>
      %mul3A_68 = arith.mulf %add3A_63, %mul3A_67 : vector<256x1024xf32>
      %swap3A = arith.constant 0 : index
      %swap3A_69 = arith.constant 0 : index
      %swap3A_70 = vector.load %arg10[%swap3A, %swap3A_69] : memref<256x1024xf32, #tpu.memory_space<vmem>>, vector<256x1024xf32>
      tpu.vector_store %arg10[%swap3A, %swap3A_69], %mul3A_68 {strides = array<i32>} : memref<256x1024xf32, #tpu.memory_space<vmem>>, vector<256x1024xf32>,
    } else {
    }
    return
  }
  func.func @transform_0(%arg0: i32, %arg1: i32, %arg2: memref<40xi32, #tpu.memory_space<smem>>) -> (i32, i32) {
    %lt3A = arith.constant 24 : i32
    %lt3A_0 = arith.cmpi slt, %arg0, %lt3A : i32
    %jit3A = arith.constant 0 : i32
    %select_n3A = arith.select %lt3A_0, %arg0, %jit3A : i32
    %c0_i32 = arith.constant 0 : i32
    %c0_i32_1 = arith.constant 0 : i32
    return %select_n3A, %c0_i32 : i32, i32
  }
  func.func @transform_1(%arg0: i32, %arg1: i32, %arg2: memref<40xi32, #tpu.memory_space<smem>>) -> (i32, i32) {
    %lt3A = arith.constant 24 : i32
    %lt3A_0 = arith.cmpi slt, %arg0, %lt3A : i32
    %sub3A = arith.constant 24 : i32
    %sub3A_1 = arith.subi %arg0, %sub3A : i32
    %jit3A = arith.constant 8 : i32
    %eq3A = arith.constant 0 : i32
    %eq3A_2 = arith.cmpi eq, %jit3A, %eq3A : i32
    %jit3A_3 = arith.constant 1 : i32
    %select_n3A = arith.select %eq3A_2, %jit3A_3, %jit3A : i32
    %rem3A = arith.remsi %sub3A_1, %select_n3A : i32
    %ne3A = arith.constant 0 : i32
    %ne3A_4 = arith.cmpi ne, %rem3A, %ne3A : i32
    %lt3A_5 = arith.constant 0 : i32
    %lt3A_6 = arith.cmpi slt, %rem3A, %lt3A_5 : i32
    %lt3A_7 = arith.constant 0 : i32
    %lt3A_8 = arith.cmpi slt, %select_n3A, %lt3A_7 : i32
    %ne3A_9 = arith.xori %lt3A_6, %lt3A_8 : i1
    %and3A = arith.andi %ne3A_9, %ne3A_4 : i1
    %add3A = arith.addi %rem3A, %select_n3A : i32
    %select_n3A_10 = arith.select %and3A, %add3A, %rem3A : i32
    %jit3A_11 = arith.constant 0 : i32
    %select_n3A_12 = arith.select %lt3A_0, %jit3A_11, %select_n3A_10 : i32
    %c0_i32 = arith.constant 0 : i32
    %c0_i32_13 = arith.constant 0 : i32
    return %select_n3A_12, %c0_i32 : i32, i32
  }
  func.func @transform_2(%arg0: i32, %arg1: i32, %arg2: memref<40xi32, #tpu.memory_space<smem>>) -> (i32, i32, i32) {
    %get3A = arith.index_cast %arg0 : i32 to index
    %get3A_0 = memref.load %arg2[%get3A] : memref<40xi32, #tpu.memory_space<smem>>
    %c0_i32 = arith.constant 0 : i32
    %c0_i32_1 = arith.constant 0 : i32
    return %get3A_0, %c0_i32, %arg1 : i32, i32, i32
  }
  func.func @transform_3(%arg0: i32, %arg1: i32, %arg2: memref<40xi32, #tpu.memory_space<smem>>) -> (i32, i32, i32) {
    %get3A = arith.index_cast %arg0 : i32 to index
    %get3A_0 = memref.load %arg2[%get3A] : memref<40xi32, #tpu.memory_space<smem>>
    %c0_i32 = arith.constant 0 : i32
    %c0_i32_1 = arith.constant 0 : i32
    return %get3A_0, %c0_i32, %arg1 : i32, i32, i32
  }
  func.func @transform_4(%arg0: i32, %arg1: i32, %arg2: memref<40xi32, #tpu.memory_space<smem>>) -> (i32, i32, i32) {
    %get3A = arith.index_cast %arg0 : i32 to index
    %get3A_0 = memref.load %arg2[%get3A] : memref<40xi32, #tpu.memory_space<smem>>
    %c0_i32 = arith.constant 0 : i32
    %c0_i32_1 = arith.constant 0 : i32
    return %get3A_0, %arg1, %c0_i32 : i32, i32, i32
  }
  func.func @transform_5(%arg0: i32, %arg1: i32, %arg2: memref<40xi32, #tpu.memory_space<smem>>) -> (i32, i32, i32) {
    %get3A = arith.index_cast %arg0 : i32 to index
    %get3A_0 = memref.load %arg2[%get3A] : memref<40xi32, #tpu.memory_space<smem>>
    %c0_i32 = arith.constant 0 : i32
    %c0_i32_1 = arith.constant 0 : i32
    %c0_i32_2 = arith.constant 0 : i32
    return %get3A_0, %c0_i32, %c0_i32_1 : i32, i32, i32
  }
  func.func @transform_6(%arg0: i32, %arg1: i32, %arg2: memref<40xi32, #tpu.memory_space<smem>>) -> (i32, i32) {
    %c0_i32 = arith.constant 0 : i32
    %c0_i32_0 = arith.constant 0 : i32
    return %arg0, %c0_i32 : i32, i32
  }
  func.func @transform_7(%arg0: i32, %arg1: i32, %arg2: memref<40xi32, #tpu.memory_space<smem>>) -> (i32, i32) {
    %c0_i32 = arith.constant 0 : i32
    %c0_i32_0 = arith.constant 0 : i32
    return %arg0, %c0_i32 : i32, i32
  }
}

module attributes {stable_mosaic.version = 14 : i64} {
  func.func @_combine_body(%arg0: i32, %arg1: memref<256x1024xf32, #tpu.memory_space<vmem>>, %arg2: memref<256x1024xf32, #tpu.memory_space<vmem>>, %arg3: memref<256x1024xf32, #tpu.memory_space<vmem>>, %arg4: memref<256x1024xf32, #tpu.memory_space<vmem>>, %arg5: memref<256x1024xf32, #tpu.memory_space<vmem>>) attributes {dimension_semantics = [#tpu.dimension_semantics<arbitrary>], iteration_bounds = array<i64: 8>, scalar_prefetch = 0 : i64, scratch_operands = 0 : i64, tpu.core_type = #tpu.core_type<tc>, window_params = [{transform_indices = @transform_0, window_bounds = array<i64: 256, 1024>}, {transform_indices = @transform_1, window_bounds = array<i64: 256, 1024>}, {transform_indices = @transform_2, window_bounds = array<i64: 256, 1024>}, {transform_indices = @transform_3, window_bounds = array<i64: 256, 1024>}, {transform_indices = @transform_4, window_bounds = array<i64: 256, 1024>}]} {
    %get3A = arith.constant 0 : index
    %get3A_0 = arith.constant 0 : index
    %get3A_1 = vector.load %arg1[%get3A, %get3A_0] : memref<256x1024xf32, #tpu.memory_space<vmem>>, vector<256x1024xf32>
    %get3A_2 = arith.constant 0 : index
    %get3A_3 = arith.constant 0 : index
    %get3A_4 = vector.load %arg2[%get3A_2, %get3A_3] : memref<256x1024xf32, #tpu.memory_space<vmem>>, vector<256x1024xf32>
    %add3A = arith.addf %get3A_1, %get3A_4 : vector<256x1024xf32>
    %get3A_5 = arith.constant 0 : index
    %get3A_6 = arith.constant 0 : index
    %get3A_7 = vector.load %arg3[%get3A_5, %get3A_6] : memref<256x1024xf32, #tpu.memory_space<vmem>>, vector<256x1024xf32>
    %add3A_8 = arith.addf %add3A, %get3A_7 : vector<256x1024xf32>
    %get3A_9 = arith.constant 0 : index
    %get3A_10 = arith.constant 0 : index
    %get3A_11 = vector.load %arg4[%get3A_9, %get3A_10] : memref<256x1024xf32, #tpu.memory_space<vmem>>, vector<256x1024xf32>
    %add3A_12 = arith.addf %add3A_8, %get3A_11 : vector<256x1024xf32>
    %swap3A = arith.constant 0 : index
    %swap3A_13 = arith.constant 0 : index
    %swap3A_14 = vector.load %arg5[%swap3A, %swap3A_13] : memref<256x1024xf32, #tpu.memory_space<vmem>>, vector<256x1024xf32>
    tpu.vector_store %arg5[%swap3A, %swap3A_13], %add3A_12 {strides = array<i32>} : memref<256x1024xf32, #tpu.memory_space<vmem>>, vector<256x1024xf32>,
    return
  }
  func.func @transform_0(%arg0: i32) -> (i32, i32) {
    %c0_i32 = arith.constant 0 : i32
    %c0_i32_0 = arith.constant 0 : i32
    return %arg0, %c0_i32 : i32, i32
  }
  func.func @transform_1(%arg0: i32) -> (i32, i32) {
    %add3A = arith.constant 8 : i32
    %add3A_0 = arith.addi %add3A, %arg0 : i32
    %c0_i32 = arith.constant 0 : i32
    %c0_i32_1 = arith.constant 0 : i32
    return %add3A_0, %c0_i32 : i32, i32
  }
  func.func @transform_2(%arg0: i32) -> (i32, i32) {
    %add3A = arith.constant 24 : i32
    %add3A_0 = arith.addi %add3A, %arg0 : i32
    %c0_i32 = arith.constant 0 : i32
    %c0_i32_1 = arith.constant 0 : i32
    return %add3A_0, %c0_i32 : i32, i32
  }
  func.func @transform_3(%arg0: i32) -> (i32, i32) {
    %add3A = arith.constant 32 : i32
    %add3A_0 = arith.addi %add3A, %arg0 : i32
    %c0_i32 = arith.constant 0 : i32
    %c0_i32_1 = arith.constant 0 : i32
    return %add3A_0, %c0_i32 : i32, i32
  }
  func.func @transform_4(%arg0: i32) -> (i32, i32) {
    %c0_i32 = arith.constant 0 : i32
    %c0_i32_0 = arith.constant 0 : i32
    return %arg0, %c0_i32 : i32, i32
  }
}

</mosaic_0001>

<sc_bundles>
// kernel: gather_offload_async_start
scs
__scs_entry_jumppad:
0x0: {  	(pc) =	sbr.rel $0x88, $3  }
0x1: {  	(tag) =	ssettag $0x0;
	lr =	simm.s32 $0x1  }
0x2: {  	[smem:$0x3F96] =	sst lr;
	_ =	strace $0xD0000000  }
0x3: {  	_ = 	snop  }
0x4: {  	_ = 	snop  }
0x5: {  	_ = 	snop  }
0x6: {  	_ = 	snop  }
0x7: {  	_ = 	snop  }
__scs_overlays_trampoline_lowered:
0x8: {  	[smem:$0x3FA5] =	sst s0  }
0x9: {  	[smem:$0x3FA6] =	sst s1  }
0xa: {  	[smem:$0x3FA7] =	sst s2  }
0xb: {  	[smem:$0x3FA8] =	sst s3  }
0xc: {  	[smem:$0x3FA9] =	sst s4  }
0xd: {  	[smem:$0x3FAA] =	sst s5  }
0xe: {  	[smem:$0x3FAB] =	sst s6  }
0xf: {  	[smem:$0x3FAC] =	sst s7  }
0x10: {  	[smem:$0x3FAD] =	sst s8  }
0x11: {  	[smem:$0x3FAE] =	sst s9;
	s0 =	simm.s32 @!p0 $0x0  }
0x12: {  	s1 =	sld [smem:$0x3F94];
	s0 =	simm.s32 @p0 $0x1  }
0x13: {  	[smem:$0x3FAF] =	sst s0;
	s0 =	simm.s32 @!p1 $0x0  }
0x14: {  	s2 =	sld [smem:$0x3F93];
	s0 =	simm.s32 @p1 $0x1  }
0x15: {  	[smem:$0x3FB0] =	sst s0;
	s0 =	simm.s32 @!p2 $0x0  }
0x16: {  	s3 =	sld [smem:$0x3FDB];
	s0 =	simm.s32 @p2 $0x1  }
0x17: {  	s4 =	simm.s32 $0x1BF5;
	[smem:$0x3FB2] =	sst s0  }
0x18: {  	s0 =	sld [smem:$0x3F95];
	_ =	swait.ge [sflag:s4], $0x0  }
0x19: {  	s7 =	sld [smem:$0x3F96]  }
0x1a: {  	s8 =	sadd.s32 $0xFFFFE003, lr  }
0x1b: {  	s9 =	sadd.s32 $0xFFFFFEF7, lr;
	s5 =	simm.s32 $0xFFFFFFFF;
	p2 =	slt.u32 s8, $0xFFFFF086  }
0x1c: {  	p1 =	slt.u32 s9, $0xF7A;
	s5 =	simm.s32 @!p2 $0x0  }
0x1d: {  	s5 =	simm.s32 @p1 $0x1;
	p0 =	seq.s32 s7, s2  }
0x1e: {  	s7 =	smul.u32 @!p0 $0xF7A, s2;
	p2 =	seq.s32 @!p0 s5, $0x0  }
0x1f: {  	s9 =	smul.u32 $0xF7A, s1;
	s8 =	simm.s32 @!p0 $0x1BF5;
	p2 =	por !p2, p0  }
0x20: {  	[sflag:s8] =	ssyncset.s32 @!p0 $0xFFFFF086;
	s6 =	sadd.s32 @!p0 s3, s7;
	s7 =	simm.s32 @!p0 $0x108  }
0x21: {  	s3 =	sadd.s32 s3, s9;
	s6 =	sadd.s32 @!p0 $0x88, s6;
	s7 =	simm.s32 @p2 $0x1082  }
0x22: {  	[simem:s7], [sflag:s8] =	dma.local @!p0 [hbm:s6], $0xF7A  }
0x23: {  	s9 =	sor.u32 $0xD0000000, s2;
	s6 =	simm.s32 $0x108;
	_ =	swait.ge @!p0 [sflag:s8], $0x0  }
0x24: {  	s3 =	sadd.s32 $0x88, s3;
	s6 =	simm.s32 @!p1 $0x1082;
	[sflag:s4] =	ssyncset.s32 $0xFFFFF086  }
0x25: {  	[simem:s6], [sflag:s4] =	dma.local [hbm:s3], $0xF7A  }
0x26: {  	[smem:$0x3F96] =	sst s1;
	(tag) =	ssettag s2;
	_ =	strace s9  }
0x27: {  	s1 =	sld [smem:$0x3FA6]  }
0x28: {  	s2 =	sld [smem:$0x3FA7]  }
0x29: {  	s4 =	sld [smem:$0x3FA9]  }
0x2a: {  	p0 =	seq.s32 s5, $0x0;
	s5 =	sld [smem:$0x3FAA]  }
0x2b: {  	s6 =	sld [smem:$0x3FAB]  }
0x2c: {  	s7 =	sld [smem:$0x3FAC]  }
0x2d: {  	s3 =	simm.s32 $0x108;
	s8 =	sld [smem:$0x3FAD]  }
0x2e: {  	s3 =	simm.s32 @!p0 $0x1082;
	s9 =	sld [smem:$0x3FAE]  }
0x2f: {  	lr =	sadd.s32 s0, s3;
	s0 =	sld [smem:$0x3FA5]  }
0x30: {  	s3 =	sld [smem:$0x3FA8]  }
0x31: {  	[smem:$0x3FB1] =	sst s10  }
0x32: {  	s10 =	sld [smem:$0x3FAF];
	_ =	sdelay $0x3  }
0x33: {  	p0 =	seq.s32 s10, $0x1;
	s10 =	sld [smem:$0x3FB1];
	_ =	sdelay $0x3  }
0x34: {  	[smem:$0x3FB1] =	sst s10  }
0x35: {  	s10 =	sld [smem:$0x3FB0];
	_ =	sdelay $0x3  }
0x36: {  	p1 =	seq.s32 s10, $0x1;
	s10 =	sld [smem:$0x3FB1];
	_ =	sdelay $0x3  }
0x37: {  	[smem:$0x3FB1] =	sst s10  }
0x38: {  	s10 =	sld [smem:$0x3FB2]  }
0x39: {  	_ = 	snop;
	(pc) =	sbr.ind lr, $3  }
0x3a: {  	_ = 	snop  }
0x3b: {  	_ = 	snop  }
0x3c: {  	p2 =	seq.s32 s10, $0x1;
	s10 =	sld [smem:$0x3FB1]  }
0x3d: {  	_ =	shalt  }
0x3e: {  	_ =	shalt  }
0x3f: {  	_ =	shalt  }
0x40: {  	_ =	shalt  }
0x41: {  	_ =	shalt  }
0x42: {  	_ =	shalt  }
0x43: {  	_ =	shalt  }
0x44: {  	_ =	shalt  }
0x45: {  	_ =	shalt  }
0x46: {  	_ =	shalt  }
0x47: {  	_ =	shalt  }
0x48: {  	_ =	shalt  }
0x49: {  	_ =	shalt  }
0x4a: {  	_ =	shalt  }
0x4b: {  	_ =	shalt  }
0x4c: {  	_ =	shalt  }
0x4d: {  	_ =	shalt  }
0x4e: {  	_ =	shalt  }
0x4f: {  	_ =	shalt  }
0x50: {  	_ =	shalt  }
0x51: {  	_ =	shalt  }
0x52: {  	_ =	shalt  }
0x53: {  	_ =	shalt  }
0x54: {  	_ =	shalt  }
0x55: {  	_ =	shalt  }
0x56: {  	_ =	shalt  }
0x57: {  	_ =	shalt  }
0x58: {  	_ =	shalt  }
0x59: {  	_ =	shalt  }
0x5a: {  	_ =	shalt  }
0x5b: {  	_ =	shalt  }
0x5c: {  	_ =	shalt  }
0x5d: {  	_ =	shalt  }
0x5e: {  	_ =	shalt  }
0x5f: {  	_ =	shalt  }
0x60: {  	_ =	shalt  }
0x61: {  	_ =	shalt  }
0x62: {  	_ =	shalt  }
0x63: {  	_ =	shalt  }
0x64: {  	_ =	shalt  }
0x65: {  	_ =	shalt  }
0x66: {  	_ =	shalt  }
0x67: {  	_ =	shalt  }
0x68: {  	_ =	shalt  }
0x69: {  	_ =	shalt  }
0x6a: {  	_ =	shalt  }
0x6b: {  	_ =	shalt  }
0x6c: {  	_ =	shalt  }
0x6d: {  	_ =	shalt  }
0x6e: {  	_ =	shalt  }
0x6f: {  	_ =	shalt  }
0x70: {  	_ =	shalt  }
0x71: {  	_ =	shalt  }
0x72: {  	_ =	shalt  }
0x73: {  	_ =	shalt  }
0x74: {  	_ =	shalt  }
0x75: {  	_ =	shalt  }
0x76: {  	_ =	shalt  }
0x77: {  	_ =	shalt  }
0x78: {  	_ =	shalt  }
0x79: {  	_ =	shalt  }
0x7a: {  	_ =	shalt  }
0x7b: {  	_ =	shalt  }
0x7c: {  	_ =	shalt  }
0x7d: {  	_ =	shalt  }
0x7e: {  	_ =	shalt  }
0x7f: {  	_ =	shalt  }
0x80: {  	_ =	shalt  }
0x81: {  	_ =	shalt  }
0x82: {  	_ =	shalt  }
0x83: {  	_ =	shalt  }
0x84: {  	_ =	shalt  }
0x85: {  	_ =	shalt  }
0x86: {  	_ =	shalt  }
0x87: {  	_ =	shalt  }
.Lfunc_end0:
.L_simem_size_0:
called_computation.1_lowered:
.L_overlay_start_0:
0x88: {  	s2 =	sld [smem:$0x3FD9]  }
0x89: {  	s3 =	sld [smem:$0x3FFE];
	_ =	sdelay $0x1  }
0x8a: {  	s1 =	srdreg.scid  }
0x8b: {  	s0 =	sand.u32 $0x1, s1  }
0x8c: {  	s16 =	sshll.u32 s0, $0xA;
	s2 =	sadd.s32 s3, s2  }
0x8d: {  	s2 =	sadd.s32 s2, s16  }
0x8e: {  	[smem:$0x3FBD] =	sst s2  }
0x8f: {  	_ = 	snop  }
0x90: {  	(tm) =	ssettm $0x1  }
0x91: {  	s17 =	sld [smem:$0x3FFB];
	_ =	sdelay $0x3  }
0x92: {  	_ =	strace s17  }
0x93: {  	s2 =	sld [smem:$0x3FFC];
	_ =	sdelay $0x3  }
0x94: {  	_ =	strace s2  }
0x95: {  	s2 =	sld [smem:$0x3FFD];
	_ =	sdelay $0x3  }
0x96: {  	_ =	strace s2  }
0x97: {  	_ =	strace $0x8FFFFFFF  }
0x98: {  	s18 =	sld [smem:$0x3FDB];
	_ =	sdelay $0x1  }
0x99: {  	s19 =	simm.s32 $_scs_section_size  }
0x9a: {  	s4 =	simm.s32 $_size__tile_overlayer_lowered;
	s5 =	simm.s32 $_tile_overlayer_lowered  }
0x9b: {  	s22 =	simm.s32 $0x1BFF;
	s21 =	sshll.u32 s5, $0x1;
	s2 =	sadd.s32 s19, s18  }
0x9c: {  	s6 =	simm.s32 $0x0;
	s20 =	sshll.u32 s4, $0x1;
	s4 =	sadd.s32 s21, s2  }
0x9d: {  	[timem:s6], [sflag:s22] =	dma.local [hbm:s4], s20  }
0x9e: {  	_ =	swait.ge [sflag:s22], s20  }
0x9f: {  	s3 =	ssub.s32 $0x0, s20;
	[sflag:s22] =	ssyncset.done $0x0  }
0xa0: {  	[sflag:s22] =	ssyncadd.s32 s3;
	_ =	sdelay $0x1  }
0xa1: {  	s23 =	simm.s32 $0x1B8B  }
0xa2: {  	_ =	swait.ge [sflag:s23], $0x1  }
0xa3: {  	[sflag:s23] =	ssyncset.done $0x0  }
0xa4: {  	s25 =	simm.s32 $0x1B8E;
	s24 =	sld [smem:$0x3FFE];
	[sflag:s23] =	ssyncadd.s32 $0xFFFFFFFF  }
0xa5: {  	s26 =	simm.s32 $execute0_lowered;
	[smem:$0x3FD2] =	sst s25  }
0xa6: {  	s4 =	sshll.u32 s26, $0x1;
	_ =	strace $0x80000049;
	[dreg:$0x1] =	wrdreg $0xFFFFFFFF  }
0xa7: {  	s28 =	simm.s32 $_size_execute0_lowered;
	s2 =	sadd.s32 s2, s4;
	[dreg:$0x0] =	wrdreg $0x0  }
0xa8: {  	s4 =	sshll.u32 s28, $0x1;
	[dreg:$0x2] =	wrdreg s2  }
0xa9: {  	[dreg:$0x3] =	wrdreg s4  }
0xaa: {  	[dreg:$0x4] =	wrdreg $0xC0  }
0xab: {  	_ =	task [dreg:s6], $0x5FFFF  }
0xac: {  	[dreg:$0x1] =	wrdreg $0xFFFFFFFF  }
0xad: {  	[dreg:$0x0] =	wrdreg $0x60  }
0xae: {  	[dreg:$0x2] =	wrdreg s24  }
0xaf: {  	[dreg:$0x3] =	wrdreg $0x9  }
0xb0: {  	_ =	task.clear_ibuf [dreg:s6], $0x4FFFF;
	_ =	strace $0x90000049  }
0xb1: {  	s29 =	simm.s32 $0x9;
	_ =	strace $0x8000004B  }
0xb2: {  	_ =	swait.ge [sflag:s29], $0x1  }
0xb3: {  	[sflag:s29] =	ssyncadd.s32 $0xFFFFFFFF  }
0xb4: {  	_ =	strace $0x9000004B  }
0xb5: {  	_ =	sfence  }
0xb6: {  	s30 =	sld [smem:$0x0];
	_ =	sdelay $0x2  }
0xb7: {  	s31 =	sshll.u32 s1, $0xD;
	s1 =	sshrl.u32 s1, $0x2  }
0xb8: {  	s3 =	sand.u32 $0x4000, s31;
	s1 =	sadd.s32 s1, s30  }
0xb9: {  	s0 =	sor.u32 s3, s0;
	s1 =	sshll.u32 s1, $0x11  }
0xba: {  	s0 =	sor.u32 s1, s0  }
0xbb: {  	s0 =	sadd.s32 $0x8F2B, s0  }
0xbc: {  	[sflag:s0] =	ssyncadd.remote.s32 $0x1  }
0xbd: {  	_ =	sfence.sel $0xFFFF  }
0xbe: {  	[dreg:$0x0] =	wrdreg $0xFFFFFFFF;
	(pc) =	sbr.abs _section_cstart, $3  }
0xbf: {  	[dreg:$0x1] =	wrdreg $0xFFFFFFFF  }
0xc0: {  	_ =	task.clear_ibuf [dreg:s6], $0x2FFFF;
	_ =	strace $0x9FFFFFFF  }
0xc1: {  	(tm) =	ssettm $0x7FFFFFFF  }
tec
execute0_lowered:
.L_overlay_start_1:
0x0: {  	(tag) =	ssettag $0x1  }
0x1: {  	s0 =	srdreg.scid;
	s5 =	rddreg [dreg:$0x0]  }
0x2: {  	s1 =	stileid.u32;
	s6 =	simm.s32 $0x1;
	s9 =	simm.s32 $0x1  }
0x3: {  	s10 =	simm.s32 $0x3;
	s13 =	simm.s32 $0x0;
	s2 =	sshll.u32 s0, $0x6  }
0x4: {  	s12 =	simm.s32 $0x0;
	s3 =	sshll.u32 s1, $0x7;
	s2 =	sand.u32 $0x40, s2  }
0x5: {  	s0 =	rddreg [dreg:$0x1];
	_ =	strace $0x8000004A;
	s2 =	sor.u32 s3, s2  }
0x6: {  	s4 =	sadd.s32 $0x1C00, s5;
	[sflag:s6] =	ssyncpa.u1 $0x0;
	s8 =	ssub.s32 $0x1000, s2  }
.Ltmp0:
0x7: {  	s3 =	sadd.s32 $0x1400, s5;
	s7 =	sand.u32 $0x7C0, s8;
	(pc) =	sbr.rel .LBB2_1-.Ltmp0, $4  }
0x8: {  	s5 =	sadd.s32 $0x1800, s5;
	s11 =	smov.u32 s2;
	p0 =	sne.s32 s7, $0x0  }
0x9: {  	s8 =	sshrl.u32 s8, $0xB;
	s7 =	simm.s32 $0x2;
	s9 =	simm.s32 @!p0 $0x0  }
0xa: {  	[sflag:s7] =	ssyncpa.u1 $0x0;
	p0 =	por $0x0, $0x0;
	s8 =	sadd.s32 s9, s8  }
0xb: {  	vm0 =	vmmov $0xffff;
	[sflag:s10] =	ssyncpa.u1 $0x0;
	s10 =	simm.s32 $0x0;
	s9 =	sadd.s32 $0x1, s8  }
.LBB2_4:
0xc: {  	v2 =	vnsel vm1, $0x0, v2  }
0xd: {  	vm1 =	vgt.s32 v0, $0x0;
	v2 =	vmin.u32 v2, $0xFFF  }
0xe: {  	v0 =	vnsel vm1, $0x0, v0  }
0xf: {  	v0 =	vmin.u32 v0, $0xFFF  }
0x10: {  	[tilespmem:s15], [sflag:$0x1] =	stream.indirect_vreg.gather [hbm4b:s3+s10], $0x1, v1, vm0, $0x4038;
	[tilespmem:$0x100] =	vst v63  }
0x11: {  	(ifvalue) =	ssetifvalue $0x7FFFFFFF  }
0x12: {  	[tilespmem:s16], [sflag:$0x1] =	stream.indirect_vreg.gather [hbm4b:s3+s10], $0x1, v2, vm0, $0x4038;
	[tilespmem:$0x100] =	vst v63  }
0x13: {  	s29 =	sadd.s32 $0x10, s16;
	(ifvalue) =	ssetifvalue $0x7FFFFFFF  }
0x14: {  	[tilespmem:s29], [sflag:$0x1] =	stream.indirect_vreg.gather [hbm4b:s3+s10], $0x1, v0, vm0, $0x4038;
	[tilespmem:$0x100] =	vst v63  }
0x15: {  	_ =	swait.ge [sflag:s6], $0x40  }
0x16: {  	s30 =	sshrl.u32 s13, $0x3;
	[sflag:s6] =	ssyncset.done $0x0  }
0x17: {  	s31 =	sand.u32 $0x7, s13;
	s15 =	sadd.s32 s5, s30;
	[sflag:s6] =	ssyncadd.s32 $0xFFFFFFC0  }
0x18: {  	[hbm4b:s15+s31] =	stream.linear.scatter [tilespmem:s14], [sflag:$0x3], $0x40, $0x38;
	[tilespmem:$0x100] =	vst v63  }
.LBB2_5:
0x19: {  	s15 =	sadd.s32 $0x800, s11  }
0x1a: {  	p2 =	sgt.s32 s15, $0xFFF  }
0x1b: {  	s15 =	smov.u32 @p2 s2;
	p2 =	sne.s32 s12, s9  }
.Ltmp1:
0x1c: {  	p1 =	slt.u32 s12, $0x2;
	(pc) =	sbr.rel @!p2 .LBB2_6-.Ltmp1, $4  }
0x1d: {  	s14 =	simm.s32 @!p1 $0x3  }
0x1e: {  	s16 =	sadd.s32 $0x1, s12;
	_ =	swait.ge @!p1 [sflag:s14], $0x40  }
0x1f: {  	s13 =	smov.u32 s11;
	p0 =	por !p0, !p0;
	[sflag:s14] =	ssyncset.done @!p1 $0x0  }
0x20: {  	s12 =	smov.u32 s16;
	s11 =	smov.u32 s15;
	[sflag:s14] =	ssyncadd.s32 @!p1 $0xFFFFFFC0  }
.LBB2_1:
0x21: {  	p1 =	sge.u32 s12, s8  }
0x22: {  	s14 =	sxor.u32 @!p1 $0xFFFFFFFF, s12  }
0x23: {  	s31 =	sadd.s32 $0xFFFFFFFF, s12;
	s15 =	sshrl.u32 @!p1 s11, $0x3;
	s14 =	sshll.u32 @!p1 s14, $0x6  }
0x24: {  	s16 =	sand.u32 @!p1 $0x7, s11;
	s15 =	sadd.s32 @!p1 s4, s15;
	s14 =	sand.u32 @!p1 $0x40, s14  }
0x25: {  	[tilespmem:s14], [sflag:$0x2] =	stream.linear.gather @!p1 [hbm4b:s15+s16], $0x40, $0x38;
	[tilespmem:$0x100] =	vst v63  }
0x26: {  	p1 =	sge.u32 s31, s8  }
.Ltmp2:
0x27: {  	_ = 	snop;
	(pc) =	sbr.rel @p1 .LBB2_5-.Ltmp2, $1  }
0x28: {  	_ =	sdelay $0x3  }
0x29: {  	s14 =	simm.s32 $0x1  }
0x2a: {  	_ =	swait.ge [sflag:s7], $0x40;
	s14 =	simm.s32 @!p0 $0x0  }
0x2b: {  	[sflag:s7] =	ssyncset.done $0x0;
	s14 =	sshll.u32 s14, $0x6  }
0x2c: {  	[sflag:s7] =	ssyncadd.s32 $0xFFFFFFC0;
	(ifvalue) =	ssetifvalue $0x7FFFFFFF;
	v0 =	vld.msk [tilespmem:s14+$0x0 ss:$0x1], $0xffff;
	_ =	sdelay $0x4  }
0x2d: {  	s15 =	sadd.s32 $0x10, s14;
	vm1 =	vgt.s32 v0, $0x0  }
0x2e: {  	v2 =	vld.msk [tilespmem:s15+$0x0 ss:$0x1], $0xffff;
	v1 =	vnsel vm1, $0x0, v0  }
0x2f: {  	v1 =	vmin.u32 v1, $0xFFF;
	_ =	sdelay $0x1  }
0x30: {  	s16 =	sshll.u32 s12, $0x6;
	s18 =	simm.s32 $0x20  }
0x31: {  	s16 =	sand.u32 $0x40, s16;
	s17 =	sadd.s32 $0x10, s15;
	s15 =	sor.u32 $0x80, s14  }
0x32: {  	s14 =	sor.u32 $0x80, s16;
	s16 =	sadd.s32 $0x10, s15;
	v0 =	vld.msk [tilespmem:s17+$0x0 ss:$0x1], $0xffff;
	vm1 =	vgt.s32 v2, $0x0;
	(ifvalue) =	ssetifvalue $0x7FFFFFFF  }
.LBB2_3:
0x33: {  	[tilespmem:s15], [sflag:$0x1] =	stream.indirect_vreg.gather [hbm4b:s3+s10], $0x1, v1, vm0, $0x4038;
	[tilespmem:$0x100] =	vst v63  }
0x34: {  	s18 =	sadd.s32 $0x10, s18  }
0x35: {  	v2 =	vnsel vm1, $0x0, v2;
	p1 =	slt.u32 s18, $0x30  }
.Ltmp3:
0x36: {  	s15 =	smov.u32 s16;
	v1 =	vmin.u32 v2, $0xFFF;
	(pc) =	sbr.rel @p1 .LBB2_3-.Ltmp3, $3  }
0x37: {  	_ =	sdelay $0x1  }
0x38: {  	s17 =	sadd.s32 $0x10, s17  }
0x39: {  	vm1 =	vgt.s32 v0, $0x0;
	s16 =	sadd.s32 $0x10, s16;
	v2 =	vmov v0;
	(ifvalue) =	ssetifvalue $0x7FFFFFFF;
	v0 =	vld.msk [tilespmem:s17+$0x0 ss:$0x1], $0xffff  }
.Ltmp4:
0x3a: {  	_ = 	snop;
	(pc) =	sbr.rel .LBB2_4-.Ltmp4, $1  }
0x3b: {  	_ =	sdelay $0x3  }
.LBB2_6:
0x3c: {  	_ =	sfence.sel $0x180000  }
0x3d: {  	s2 =	simm.s32 $0x2;
	[bflag:$0x0] =	sbarrier.arrive $0xFFFF  }
0x3e: {  	s30 =	simm.s32 $0x3;
	[sflag:s2] =	ssyncpa.u1 $0x1  }
0x3f: {  	s31 =	simm.s32 $0x1;
	[sflag:s30] =	ssyncpa.u1 $0x1  }
0x40: {  	[sflag:s31] =	ssyncpa.u1 $0x1  }
0x41: {  	p0 =	sne.s32 s1, $0x0;
	_ =	strace $0x9000004A  }
0x42: {  	s0 =	sadd.s32 @!p0 $0x100000, s0;
	[bflag:$0x2] =	sbarrier.arrive $0xFFFF  }
0x43: {  	[sflag:s0] =	ssyncadd.tile.s32 @!p0 $0x1;
	_ =	shalt  }
.Lfunc_end2:
_tile_overlayer_lowered:
.L_overlay_start_2:
0x44: {  	(tag) =	ssettag $0x2  }
0x45: {  	s0 =	rddreg [dreg:$0x0];
	s2 =	stileid.u32  }
0x46: {  	s1 =	rddreg [dreg:$0x1];
	p0 =	sne.s32 s2, $0x0  }
0x47: {  	s3 =	rddreg [dreg:$0x2];
	[bflag:$0x3] =	sbarrier.arrive $0xFFFF;
	s2 =	simm.s32 @!p0 $0x1C01  }
0x48: {  	[timem:s3], [sflag:s2] =	dma.local @!p0 [hbm:s0], s1  }
0x49: {  	s0 =	simm.s32 @!p0 $0x1  }
0x4a: {  	_ =	swait.ge @!p0 [sflag:s0], s1  }
0x4b: {  	s1 =	ssub.s32 @!p0 $0x0, s1;
	[sflag:s0] =	ssyncset.done @!p0 $0x0  }
0x4c: {  	[sflag:s0] =	ssyncadd.s32 @!p0 s1  }
0x4d: {  	[bflag:$0x3] =	sbarrier.arrive $0xFFFF  }
0x4e: {  	_ =	shalt  }

// kernel: kernel.10.cloned.1.call-start
scs
__scs_entry_jumppad:
0x0: {  	(pc) =	sbr.rel $0x88, $3  }
0x1: {  	(tag) =	ssettag $0x0;
	lr =	simm.s32 $0x1  }
0x2: {  	[smem:$0x3F96] =	sst lr;
	_ =	strace $0xD0000000  }
0x3: {  	_ = 	snop  }
0x4: {  	_ = 	snop  }
0x5: {  	_ = 	snop  }
0x6: {  	_ = 	snop  }
0x7: {  	_ = 	snop  }
__scs_overlays_trampoline_lowered:
0x8: {  	[smem:$0x3FA5] =	sst s0  }
0x9: {  	[smem:$0x3FA6] =	sst s1  }
0xa: {  	[smem:$0x3FA7] =	sst s2  }
0xb: {  	[smem:$0x3FA8] =	sst s3  }
0xc: {  	[smem:$0x3FA9] =	sst s4  }
0xd: {  	[smem:$0x3FAA] =	sst s5  }
0xe: {  	[smem:$0x3FAB] =	sst s6  }
0xf: {  	[smem:$0x3FAC] =	sst s7  }
0x10: {  	[smem:$0x3FAD] =	sst s8  }
0x11: {  	[smem:$0x3FAE] =	sst s9;
	s0 =	simm.s32 @!p0 $0x0  }
0x12: {  	s1 =	sld [smem:$0x3F94];
	s0 =	simm.s32 @p0 $0x1  }
0x13: {  	[smem:$0x3FAF] =	sst s0;
	s0 =	simm.s32 @!p1 $0x0  }
0x14: {  	s2 =	sld [smem:$0x3F93];
	s0 =	simm.s32 @p1 $0x1  }
0x15: {  	[smem:$0x3FB0] =	sst s0;
	s0 =	simm.s32 @!p2 $0x0  }
0x16: {  	s3 =	sld [smem:$0x3FDB];
	s0 =	simm.s32 @p2 $0x1  }
0x17: {  	s4 =	simm.s32 $0x1BF5;
	[smem:$0x3FB2] =	sst s0  }
0x18: {  	s0 =	sld [smem:$0x3F95];
	_ =	swait.ge [sflag:s4], $0x0  }
0x19: {  	s7 =	sld [smem:$0x3F96]  }
0x1a: {  	s8 =	sadd.s32 $0xFFFFE003, lr  }
0x1b: {  	s9 =	sadd.s32 $0xFFFFFEF7, lr;
	s5 =	simm.s32 $0xFFFFFFFF;
	p2 =	slt.u32 s8, $0xFFFFF086  }
0x1c: {  	p1 =	slt.u32 s9, $0xF7A;
	s5 =	simm.s32 @!p2 $0x0  }
0x1d: {  	s5 =	simm.s32 @p1 $0x1;
	p0 =	seq.s32 s7, s2  }
0x1e: {  	s7 =	smul.u32 @!p0 $0xF7A, s2;
	p2 =	seq.s32 @!p0 s5, $0x0  }
0x1f: {  	s9 =	smul.u32 $0xF7A, s1;
	s8 =	simm.s32 @!p0 $0x1BF5;
	p2 =	por !p2, p0  }
0x20: {  	[sflag:s8] =	ssyncset.s32 @!p0 $0xFFFFF086;
	s6 =	sadd.s32 @!p0 s3, s7;
	s7 =	simm.s32 @!p0 $0x108  }
0x21: {  	s3 =	sadd.s32 s3, s9;
	s6 =	sadd.s32 @!p0 $0x88, s6;
	s7 =	simm.s32 @p2 $0x1082  }
0x22: {  	[simem:s7], [sflag:s8] =	dma.local @!p0 [hbm:s6], $0xF7A  }
0x23: {  	s9 =	sor.u32 $0xD0000000, s2;
	s6 =	simm.s32 $0x108;
	_ =	swait.ge @!p0 [sflag:s8], $0x0  }
0x24: {  	s3 =	sadd.s32 $0x88, s3;
	s6 =	simm.s32 @!p1 $0x1082;
	[sflag:s4] =	ssyncset.s32 $0xFFFFF086  }
0x25: {  	[simem:s6], [sflag:s4] =	dma.local [hbm:s3], $0xF7A  }
0x26: {  	[smem:$0x3F96] =	sst s1;
	(tag) =	ssettag s2;
	_ =	strace s9  }
0x27: {  	s1 =	sld [smem:$0x3FA6]  }
0x28: {  	s2 =	sld [smem:$0x3FA7]  }
0x29: {  	s4 =	sld [smem:$0x3FA9]  }
0x2a: {  	p0 =	seq.s32 s5, $0x0;
	s5 =	sld [smem:$0x3FAA]  }
0x2b: {  	s6 =	sld [smem:$0x3FAB]  }
0x2c: {  	s7 =	sld [smem:$0x3FAC]  }
0x2d: {  	s3 =	simm.s32 $0x108;
	s8 =	sld [smem:$0x3FAD]  }
0x2e: {  	s3 =	simm.s32 @!p0 $0x1082;
	s9 =	sld [smem:$0x3FAE]  }
0x2f: {  	lr =	sadd.s32 s0, s3;
	s0 =	sld [smem:$0x3FA5]  }
0x30: {  	s3 =	sld [smem:$0x3FA8]  }
0x31: {  	[smem:$0x3FB1] =	sst s10  }
0x32: {  	s10 =	sld [smem:$0x3FAF];
	_ =	sdelay $0x3  }
0x33: {  	p0 =	seq.s32 s10, $0x1;
	s10 =	sld [smem:$0x3FB1];
	_ =	sdelay $0x3  }
0x34: {  	[smem:$0x3FB1] =	sst s10  }
0x35: {  	s10 =	sld [smem:$0x3FB0];
	_ =	sdelay $0x3  }
0x36: {  	p1 =	seq.s32 s10, $0x1;
	s10 =	sld [smem:$0x3FB1];
	_ =	sdelay $0x3  }
0x37: {  	[smem:$0x3FB1] =	sst s10  }
0x38: {  	s10 =	sld [smem:$0x3FB2]  }
0x39: {  	_ = 	snop;
	(pc) =	sbr.ind lr, $3  }
0x3a: {  	_ = 	snop  }
0x3b: {  	_ = 	snop  }
0x3c: {  	p2 =	seq.s32 s10, $0x1;
	s10 =	sld [smem:$0x3FB1]  }
0x3d: {  	_ =	shalt  }
0x3e: {  	_ =	shalt  }
0x3f: {  	_ =	shalt  }
0x40: {  	_ =	shalt  }
0x41: {  	_ =	shalt  }
0x42: {  	_ =	shalt  }
0x43: {  	_ =	shalt  }
0x44: {  	_ =	shalt  }
0x45: {  	_ =	shalt  }
0x46: {  	_ =	shalt  }
0x47: {  	_ =	shalt  }
0x48: {  	_ =	shalt  }
0x49: {  	_ =	shalt  }
0x4a: {  	_ =	shalt  }
0x4b: {  	_ =	shalt  }
0x4c: {  	_ =	shalt  }
0x4d: {  	_ =	shalt  }
0x4e: {  	_ =	shalt  }
0x4f: {  	_ =	shalt  }
0x50: {  	_ =	shalt  }
0x51: {  	_ =	shalt  }
0x52: {  	_ =	shalt  }
0x53: {  	_ =	shalt  }
0x54: {  	_ =	shalt  }
0x55: {  	_ =	shalt  }
0x56: {  	_ =	shalt  }
0x57: {  	_ =	shalt  }
0x58: {  	_ =	shalt  }
0x59: {  	_ =	shalt  }
0x5a: {  	_ =	shalt  }
0x5b: {  	_ =	shalt  }
0x5c: {  	_ =	shalt  }
0x5d: {  	_ =	shalt  }
0x5e: {  	_ =	shalt  }
0x5f: {  	_ =	shalt  }
0x60: {  	_ =	shalt  }
0x61: {  	_ =	shalt  }
0x62: {  	_ =	shalt  }
0x63: {  	_ =	shalt  }
0x64: {  	_ =	shalt  }
0x65: {  	_ =	shalt  }
0x66: {  	_ =	shalt  }
0x67: {  	_ =	shalt  }
0x68: {  	_ =	shalt  }
0x69: {  	_ =	shalt  }
0x6a: {  	_ =	shalt  }
0x6b: {  	_ =	shalt  }
0x6c: {  	_ =	shalt  }
0x6d: {  	_ =	shalt  }
0x6e: {  	_ =	shalt  }
0x6f: {  	_ =	shalt  }
0x70: {  	_ =	shalt  }
0x71: {  	_ =	shalt  }
0x72: {  	_ =	shalt  }
0x73: {  	_ =	shalt  }
0x74: {  	_ =	shalt  }
0x75: {  	_ =	shalt  }
0x76: {  	_ =	shalt  }
0x77: {  	_ =	shalt  }
0x78: {  	_ =	shalt  }
0x79: {  	_ =	shalt  }
0x7a: {  	_ =	shalt  }
0x7b: {  	_ =	shalt  }
0x7c: {  	_ =	shalt  }
0x7d: {  	_ =	shalt  }
0x7e: {  	_ =	shalt  }
0x7f: {  	_ =	shalt  }
0x80: {  	_ =	shalt  }
0x81: {  	_ =	shalt  }
0x82: {  	_ =	shalt  }
0x83: {  	_ =	shalt  }
0x84: {  	_ =	shalt  }
0x85: {  	_ =	shalt  }
0x86: {  	_ =	shalt  }
0x87: {  	_ =	shalt  }
.Lfunc_end0:
.L_simem_size_0:
called_computation.3_lowered:
.L_overlay_start_0:
0x88: {  	s2 =	sld [smem:$0x3FD9]  }
0x89: {  	s3 =	sld [smem:$0x3FFE];
	_ =	sdelay $0x1  }
0x8a: {  	s1 =	srdreg.scid  }
0x8b: {  	s0 =	sand.u32 $0x1, s1  }
0x8c: {  	s17 =	sshll.u32 s0, $0xA;
	s2 =	sadd.s32 s3, s2  }
0x8d: {  	s2 =	sadd.s32 s2, s17  }
0x8e: {  	[smem:$0x3FBD] =	sst s2  }
0x8f: {  	_ = 	snop  }
0x90: {  	s2 =	sld [smem:$0x3FD0];
	(tm) =	ssettm $0x1  }
0x91: {  	s18 =	sld [smem:$0x3FFB];
	_ =	sdelay $0x3  }
0x92: {  	_ =	strace s18  }
0x93: {  	s3 =	sld [smem:$0x3FFC];
	_ =	sdelay $0x3  }
0x94: {  	_ =	strace s3  }
0x95: {  	s3 =	sld [smem:$0x3FFD];
	_ =	sdelay $0x3  }
0x96: {  	_ =	strace s3  }
0x97: {  	_ =	strace $0x8FFFFFFF  }
0x98: {  	s19 =	sld [smem:$0x3FDB];
	_ =	sdelay $0x1  }
0x99: {  	s4 =	simm.s32 $_scs_section_size  }
0x9a: {  	s5 =	simm.s32 $_size__tile_overlayer_lowered;
	s6 =	simm.s32 $_tile_overlayer_lowered  }
0x9b: {  	s22 =	simm.s32 $0x1BFF;
	s21 =	sshll.u32 s6, $0x1;
	s3 =	sadd.s32 s4, s19  }
0x9c: {  	s7 =	simm.s32 $0x0;
	s20 =	sshll.u32 s5, $0x1;
	s5 =	sadd.s32 s21, s3  }
0x9d: {  	[timem:s7], [sflag:s22] =	dma.local [hbm:s5], s20  }
0x9e: {  	_ =	swait.ge [sflag:s22], s20  }
0x9f: {  	s4 =	ssub.s32 $0x0, s20;
	[sflag:s22] =	ssyncset.done $0x0  }
0xa0: {  	[sflag:s22] =	ssyncadd.s32 s4;
	_ =	sdelay $0x1  }
0xa1: {  	s23 =	simm.s32 $0x1B8B  }
0xa2: {  	_ =	swait.ge [sflag:s23], $0x1  }
0xa3: {  	[sflag:s23] =	ssyncset.done $0x0  }
0xa4: {  	s25 =	simm.s32 $0x1B8E;
	s24 =	sld [smem:$0x3FFE];
	[sflag:s23] =	ssyncadd.s32 $0xFFFFFFFF  }
0xa5: {  	s26 =	simm.s32 $execute0_lowered;
	[smem:$0x3FD2] =	sst s25  }
0xa6: {  	s5 =	sshll.u32 s26, $0x1;
	_ =	strace $0x8000004F;
	[dreg:$0x1] =	wrdreg $0xFFFFFFFF  }
0xa7: {  	s28 =	simm.s32 $_size_execute0_lowered;
	s3 =	sadd.s32 s3, s5;
	[dreg:$0x0] =	wrdreg $0x0  }
0xa8: {  	s5 =	sshll.u32 s28, $0x1;
	[dreg:$0x2] =	wrdreg s3  }
0xa9: {  	[dreg:$0x3] =	wrdreg s5  }
0xaa: {  	[dreg:$0x4] =	wrdreg $0xC0  }
0xab: {  	_ =	task [dreg:s7], $0x5FFFF  }
0xac: {  	[dreg:$0x1] =	wrdreg $0xFFFFFFFF  }
0xad: {  	[dreg:$0x0] =	wrdreg $0x60  }
0xae: {  	[dreg:$0x2] =	wrdreg s24  }
0xaf: {  	[dreg:$0x3] =	wrdreg s2  }
0xb0: {  	[dreg:$0x4] =	wrdreg $0x9  }
0xb1: {  	_ =	task.clear_ibuf [dreg:s7], $0x5FFFF;
	_ =	strace $0x9000004F  }
0xb2: {  	s29 =	simm.s32 $0x9;
	_ =	strace $0x80000051  }
0xb3: {  	_ =	swait.ge [sflag:s29], $0x1  }
0xb4: {  	[sflag:s29] =	ssyncadd.s32 $0xFFFFFFFF  }
0xb5: {  	_ =	strace $0x90000051  }
0xb6: {  	_ =	sfence  }
0xb7: {  	s30 =	sld [smem:$0x0];
	_ =	sdelay $0x2  }
0xb8: {  	s31 =	sshll.u32 s1, $0xD;
	s1 =	sshrl.u32 s1, $0x2  }
0xb9: {  	s3 =	sand.u32 $0x4000, s31;
	s1 =	sadd.s32 s1, s30  }
0xba: {  	s0 =	sor.u32 s3, s0;
	s1 =	sshll.u32 s1, $0x11  }
0xbb: {  	s0 =	sor.u32 s1, s0  }
0xbc: {  	s0 =	sadd.s32 $0x8F2B, s0  }
0xbd: {  	[sflag:s0] =	ssyncadd.remote.s32 $0x1  }
0xbe: {  	_ =	sfence.sel $0xFFFF  }
0xbf: {  	[dreg:$0x0] =	wrdreg $0xFFFFFFFF;
	(pc) =	sbr.abs _section_cstart, $3  }
0xc0: {  	[dreg:$0x1] =	wrdreg $0xFFFFFFFF  }
0xc1: {  	_ =	task.clear_ibuf [dreg:s7], $0x2FFFF;
	_ =	strace $0x9FFFFFFF  }
0xc2: {  	(tm) =	ssettm $0x7FFFFFFF  }
0xc3: {  	_ =	shalt  }
tec
execute0_lowered:
.L_overlay_start_1:
0x0: {  	(tag) =	ssettag $0x1  }
0x1: {  	s0 =	rddreg [dreg:$0x0]  }
0x2: {  	s1 =	rddreg [dreg:$0x1];
	s3 =	srdreg.scid  }
0x3: {  	s5 =	stileid.u32;
	s2 =	simm.s32 $0x0;
	s8 =	simm.s32 $0x3  }
0x4: {  	s9 =	simm.s32 $0x1;
	s19 =	simm.s32 $0x2;
	s28 =	simm.s32 $0x3200  }
0x5: {  	s29 =	simm.s32 $0x3A00;
	s30 =	simm.s32 $0x4200;
	s31 =	simm.s32 $0x4A00  }
0x6: {  	s10 =	simm.s32 $0x6200;
	s11 =	simm.s32 $0x6A00;
	s12 =	simm.s32 $0x7200  }
0x7: {  	s13 =	simm.s32 $0x7A00;
	s18 =	simm.s32 $0x8200;
	s14 =	simm.s32 $0x8A00  }
0x8: {  	s15 =	simm.s32 $0x9200;
	s16 =	simm.s32 $0x9A00;
	s17 =	simm.s32 $0xA200  }
0x9: {  	s4 =	sand.u32 $0x1, s3;
	s20 =	sshll.u32 s5, $0x1;
	[smem:$0x7FF] =	sst s2  }
0xa: {  	s3 =	sor.u32 s4, s20;
	_ =	strace $0x80000050;
	s4 =	ssub.s32 $0x2, s4  }
0xb: {  	s21 =	sshll.u32 s3, $0xE;
	s6 =	sshll.u32 s3, $0x6;
	s3 =	sadd.s32 $0xC2A00, s0  }
0xc: {  	s23 =	sshrl.u32 s4, $0x1;
	s5 =	sadd.s32 s21, s0;
	s1 =	sadd.s32 s1, s6  }
0xd: {  	s7 =	ssub.s32 s4, s23;
	s4 =	sadd.s32 $0xC2B00, s0;
	s6 =	sadd.s32 $0xC2D00, s0  }
0xe: {  	s21 =	simm.s32 $0xA00;
	[dreg:$0x3] =	wrdreg s1;
	s22 =	sadd.s32 $0x1400, s5  }
0xf: {  	s23 =	simm.s32 $0x1A00;
	s24 =	sadd.s32 $0x2400, s5;
	[dreg:$0x4] =	wrdreg s22  }
0x10: {  	s25 =	sadd.s32 $0x3400, s5;
	s26 =	sadd.s32 $0x4400, s5;
	[dreg:$0x5] =	wrdreg s24  }
0x11: {  	v2 =	vlaneseq.u32;
	s5 =	sadd.s32 $0xC2C00, s0;
	s7 =	smax.u32 s7, $0x1;
	[dreg:$0x6] =	wrdreg s25  }
0x12: {  	vm0 =	vmmov $0xffff;
	v1 =	vshrl.u32 v2, $0x3;
	s1 =	simm.s32 $0x5A00;
	[dreg:$0x7] =	wrdreg s26;
	s25 =	simm.s32 $0x200  }
0x13: {  	v0 =	vand.u32 $0x7, v2;
	v2 =	vor.u32 $0x8, v2;
	v1 =	vmul.u32 $0x8, v1;
	s22 =	simm.s32 $0x1200;
	s24 =	simm.s32 $0x2200;
	s26 =	simm.s32 $0x2A00  }
.LBB2_1:
0x14: {  	s20 =	rddreg [dreg:$0x3]  }
0x15: {  	[tilespmem:s2], [sflag:$0x3] =	stream.linear.gather [hbm4b:s20+s2], $0x200, $0x38;
	[tilespmem:$0x10200] =	vst v63  }
0x16: {  	_ =	swait.ge [sflag:s8], $0x200  }
0x17: {  	[sflag:s8] =	ssyncset.done $0x0  }
0x18: {  	[sflag:s8] =	ssyncadd.s32 $0xFFFFFE00  }
0x19: {  	v3 =	vld [tilespmem:$0x0];
	_ =	sdelay $0x4  }
0x1a: {  	v4 =	vshll.u32 v3, $0x3  }
0x1b: {  	v3 =	vand.u32 $0x7, v3;
	v4 =	vand.u32 $0xFFFFFFC0, v4  }
0x1c: {  	v3 =	vor.u32 v3, v4  }
0x1d: {  	v4 =	vperm.xlane v3, v0;
	_ =	sdelay $0x1  }
0x1e: {  	v4 =	vadd.s32 v1, v4;
	_ =	sdelay $0x4  }
0x1f: {  	[tilespmem:s25], [sflag:$0x1] =	stream.indirect_vreg.gather [hbm4b:s3+s2], $0x80, v4, vm0, $0xb8;
	[tilespmem:$0x10200] =	vst v63  }
0x20: {  	v3 =	vperm.xlane v3, v2  }
0x21: {  	[tilespmem:s21], [sflag:$0x1] =	stream.indirect_vreg.gather [hbm4b:s4+s2], $0x80, v4, vm0, $0xb8;
	[tilespmem:$0x10200] =	vst v63  }
0x22: {  	v3 =	vadd.s32 v1, v3  }
0x23: {  	[tilespmem:s22], [sflag:$0x1] =	stream.indirect_vreg.gather [hbm4b:s5+s2], $0x80, v4, vm0, $0xb8;
	[tilespmem:$0x10200] =	vst v63  }
0x24: {  	_ = 	snop  }
0x25: {  	[tilespmem:s23], [sflag:$0x1] =	stream.indirect_vreg.gather [hbm4b:s6+s2], $0x80, v4, vm0, $0xb8;
	[tilespmem:$0x10200] =	vst v63  }
0x26: {  	_ = 	snop  }
0x27: {  	[tilespmem:s24], [sflag:$0x1] =	stream.indirect_vreg.gather [hbm4b:s3+s2], $0x80, v3, vm0, $0xb8;
	[tilespmem:$0x10200] =	vst v63  }
0x28: {  	_ = 	snop  }
0x29: {  	[tilespmem:s26], [sflag:$0x1] =	stream.indirect_vreg.gather [hbm4b:s4+s2], $0x80, v3, vm0, $0xb8;
	[tilespmem:$0x10200] =	vst v63  }
0x2a: {  	_ = 	snop  }
0x2b: {  	[tilespmem:s28], [sflag:$0x1] =	stream.indirect_vreg.gather [hbm4b:s5+s2], $0x80, v3, vm0, $0xb8;
	[tilespmem:$0x10200] =	vst v63  }
0x2c: {  	_ = 	snop  }
0x2d: {  	[tilespmem:s29], [sflag:$0x1] =	stream.indirect_vreg.gather [hbm4b:s6+s2], $0x80, v3, vm0, $0xb8;
	[tilespmem:$0x10200] =	vst v63  }
0x2e: {  	v3 =	vld [tilespmem:$0x10];
	_ =	sdelay $0x4  }
0x2f: {  	v57 =	vshll.u32 v3, $0x3  }
0x30: {  	v3 =	vand.u32 $0x7, v3;
	v4 =	vand.u32 $0xFFFFFFC0, v57  }
0x31: {  	v3 =	vor.u32 v3, v4  }
0x32: {  	v4 =	vperm.xlane v3, v0;
	_ =	sdelay $0x1  }
0x33: {  	v4 =	vadd.s32 v1, v4;
	_ =	sdelay $0x4  }
0x34: {  	[tilespmem:s30], [sflag:$0x1] =	stream.indirect_vreg.gather [hbm4b:s3+s2], $0x80, v4, vm0, $0xb8;
	[tilespmem:$0x10200] =	vst v63  }
0x35: {  	v3 =	vperm.xlane v3, v2  }
0x36: {  	[tilespmem:s31], [sflag:$0x1] =	stream.indirect_vreg.gather [hbm4b:s4+s2], $0x80, v4, vm0, $0xb8;
	[tilespmem:$0x10200] =	vst v63  }
0x37: {  	s0 =	simm.s32 $0x5200;
	v3 =	vadd.s32 v1, v3  }
0x38: {  	[tilespmem:s0], [sflag:$0x1] =	stream.indirect_vreg.gather [hbm4b:s5+s2], $0x80, v4, vm0, $0xb8;
	[tilespmem:$0x10200] =	vst v63  }
0x39: {  	_ = 	snop  }
0x3a: {  	[tilespmem:s1], [sflag:$0x1] =	stream.indirect_vreg.gather [hbm4b:s6+s2], $0x80, v4, vm0, $0xb8;
	[tilespmem:$0x10200] =	vst v63  }
0x3b: {  	_ = 	snop  }
0x3c: {  	[tilespmem:s10], [sflag:$0x1] =	stream.indirect_vreg.gather [hbm4b:s3+s2], $0x80, v3, vm0, $0xb8;
	[tilespmem:$0x10200] =	vst v63  }
0x3d: {  	_ = 	snop  }
0x3e: {  	[tilespmem:s11], [sflag:$0x1] =	stream.indirect_vreg.gather [hbm4b:s4+s2], $0x80, v3, vm0, $0xb8;
	[tilespmem:$0x10200] =	vst v63  }
0x3f: {  	_ = 	snop  }
0x40: {  	[tilespmem:s12], [sflag:$0x1] =	stream.indirect_vreg.gather [hbm4b:s5+s2], $0x80, v3, vm0, $0xb8;
	[tilespmem:$0x10200] =	vst v63  }
0x41: {  	_ = 	snop  }
0x42: {  	[tilespmem:s13], [sflag:$0x1] =	stream.indirect_vreg.gather [hbm4b:s6+s2], $0x80, v3, vm0, $0xb8;
	[tilespmem:$0x10200] =	vst v63  }
0x43: {  	v3 =	vld [tilespmem:$0x80];
	_ =	sdelay $0x4  }
0x44: {  	v58 =	vshll.u32 v3, $0x3  }
0x45: {  	v3 =	vand.u32 $0x7, v3;
	v4 =	vand.u32 $0xFFFFFFC0, v58  }
0x46: {  	v3 =	vor.u32 v3, v4  }
0x47: {  	v4 =	vperm.xlane v3, v0;
	_ =	sdelay $0x1  }
0x48: {  	v4 =	vadd.s32 v1, v4;
	_ =	sdelay $0x4  }
0x49: {  	[tilespmem:s18], [sflag:$0x2] =	stream.indirect_vreg.gather [hbm4b:s3+s2], $0x80, v4, vm0, $0xb8;
	[tilespmem:$0x10200] =	vst v63  }
0x4a: {  	v3 =	vperm.xlane v3, v2  }
0x4b: {  	[tilespmem:s14], [sflag:$0x2] =	stream.indirect_vreg.gather [hbm4b:s4+s2], $0x80, v4, vm0, $0xb8;
	[tilespmem:$0x10200] =	vst v63  }
0x4c: {  	v3 =	vadd.s32 v1, v3  }
0x4d: {  	[tilespmem:s15], [sflag:$0x2] =	stream.indirect_vreg.gather [hbm4b:s5+s2], $0x80, v4, vm0, $0xb8;
	[tilespmem:$0x10200] =	vst v63  }
0x4e: {  	_ = 	snop  }
0x4f: {  	[tilespmem:s16], [sflag:$0x2] =	stream.indirect_vreg.gather [hbm4b:s6+s2], $0x80, v4, vm0, $0xb8;
	[tilespmem:$0x10200] =	vst v63  }
0x50: {  	_ = 	snop  }
0x51: {  	[tilespmem:s17], [sflag:$0x2] =	stream.indirect_vreg.gather [hbm4b:s3+s2], $0x80, v3, vm0, $0xb8;
	[tilespmem:$0x10200] =	vst v63  }
0x52: {  	s20 =	simm.s32 $0xAA00  }
0x53: {  	[tilespmem:s20], [sflag:$0x2] =	stream.indirect_vreg.gather [hbm4b:s4+s2], $0x80, v3, vm0, $0xb8;
	[tilespmem:$0x10200] =	vst v63  }
0x54: {  	s20 =	simm.s32 $0xB200  }
0x55: {  	[tilespmem:s20], [sflag:$0x2] =	stream.indirect_vreg.gather [hbm4b:s5+s2], $0x80, v3, vm0, $0xb8;
	[tilespmem:$0x10200] =	vst v63  }
0x56: {  	s20 =	simm.s32 $0xBA00  }
0x57: {  	[tilespmem:s20], [sflag:$0x2] =	stream.indirect_vreg.gather [hbm4b:s6+s2], $0x80, v3, vm0, $0xb8;
	[tilespmem:$0x10200] =	vst v63  }
0x58: {  	v3 =	vld [tilespmem:$0x90];
	_ =	sdelay $0x4  }
0x59: {  	v59 =	vshll.u32 v3, $0x3  }
0x5a: {  	v3 =	vand.u32 $0x7, v3;
	v4 =	vand.u32 $0xFFFFFFC0, v59  }
0x5b: {  	v3 =	vor.u32 v3, v4  }
0x5c: {  	v4 =	vperm.xlane v3, v0;
	_ =	sdelay $0x1  }
0x5d: {  	v4 =	vadd.s32 v1, v4;
	_ =	sdelay $0x3  }
0x5e: {  	s20 =	simm.s32 $0xC200  }
0x5f: {  	[tilespmem:s20], [sflag:$0x2] =	stream.indirect_vreg.gather [hbm4b:s3+s2], $0x80, v4, vm0, $0xb8;
	[tilespmem:$0x10200] =	vst v63  }
0x60: {  	v3 =	vperm.xlane v3, v2;
	s20 =	simm.s32 $0xCA00  }
0x61: {  	[tilespmem:s20], [sflag:$0x2] =	stream.indirect_vreg.gather [hbm4b:s4+s2], $0x80, v4, vm0, $0xb8;
	[tilespmem:$0x10200] =	vst v63  }
0x62: {  	v3 =	vadd.s32 v1, v3;
	s20 =	simm.s32 $0xD200  }
0x63: {  	[tilespmem:s20], [sflag:$0x2] =	stream.indirect_vreg.gather [hbm4b:s5+s2], $0x80, v4, vm0, $0xb8;
	[tilespmem:$0x10200] =	vst v63  }
0x64: {  	s20 =	simm.s32 $0xDA00  }
0x65: {  	[tilespmem:s20], [sflag:$0x2] =	stream.indirect_vreg.gather [hbm4b:s6+s2], $0x80, v4, vm0, $0xb8;
	[tilespmem:$0x10200] =	vst v63  }
0x66: {  	s20 =	simm.s32 $0xE200  }
0x67: {  	[tilespmem:s20], [sflag:$0x2] =	stream.indirect_vreg.gather [hbm4b:s3+s2], $0x80, v3, vm0, $0xb8;
	[tilespmem:$0x10200] =	vst v63  }
0x68: {  	s20 =	simm.s32 $0xEA00  }
0x69: {  	[tilespmem:s20], [sflag:$0x2] =	stream.indirect_vreg.gather [hbm4b:s4+s2], $0x80, v3, vm0, $0xb8;
	[tilespmem:$0x10200] =	vst v63  }
0x6a: {  	s20 =	simm.s32 $0xF200  }
0x6b: {  	[tilespmem:s20], [sflag:$0x2] =	stream.indirect_vreg.gather [hbm4b:s5+s2], $0x80, v3, vm0, $0xb8;
	[tilespmem:$0x10200] =	vst v63  }
0x6c: {  	s20 =	simm.s32 $0xFA00  }
0x6d: {  	[tilespmem:s20], [sflag:$0x2] =	stream.indirect_vreg.gather [hbm4b:s6+s2], $0x80, v3, vm0, $0xb8;
	[tilespmem:$0x10200] =	vst v63  }
0x6e: {  	_ =	swait.ge [sflag:s9], $0x8000  }
0x6f: {  	[sflag:s9] =	ssyncset.done $0x0  }
0x70: {  	s20 =	rddreg [dreg:$0x4];
	[sflag:s9] =	ssyncadd.s32 $0xFFFF8000  }
0x71: {  	[hbm4b:s20+s2] =	stream.linear.scatter [tilespmem:s25], [sflag:$0x3], $0x8000, $0x38;
	[tilespmem:$0x10200] =	vst v63  }
0x72: {  	_ =	swait.ge [sflag:s8], $0x8000  }
0x73: {  	[sflag:s8] =	ssyncset.done $0x0  }
0x74: {  	[sflag:s8] =	ssyncadd.s32 $0xFFFF8000  }
0x75: {  	v3 =	vld [tilespmem:$0x100];
	_ =	sdelay $0x4  }
0x76: {  	v60 =	vshll.u32 v3, $0x3  }
0x77: {  	v3 =	vand.u32 $0x7, v3;
	v4 =	vand.u32 $0xFFFFFFC0, v60  }
0x78: {  	v3 =	vor.u32 v3, v4  }
0x79: {  	v4 =	vperm.xlane v3, v0;
	_ =	sdelay $0x1  }
0x7a: {  	v4 =	vadd.s32 v1, v4;
	_ =	sdelay $0x4  }
0x7b: {  	[tilespmem:s25], [sflag:$0x1] =	stream.indirect_vreg.gather [hbm4b:s3+s2], $0x80, v4, vm0, $0xb8;
	[tilespmem:$0x10200] =	vst v63  }
0x7c: {  	v3 =	vperm.xlane v3, v2  }
0x7d: {  	[tilespmem:s21], [sflag:$0x1] =	stream.indirect_vreg.gather [hbm4b:s4+s2], $0x80, v4, vm0, $0xb8;
	[tilespmem:$0x10200] =	vst v63  }
0x7e: {  	v3 =	vadd.s32 v1, v3  }
0x7f: {  	[tilespmem:s22], [sflag:$0x1] =	stream.indirect_vreg.gather [hbm4b:s5+s2], $0x80, v4, vm0, $0xb8;
	[tilespmem:$0x10200] =	vst v63  }
0x80: {  	_ = 	snop  }
0x81: {  	[tilespmem:s23], [sflag:$0x1] =	stream.indirect_vreg.gather [hbm4b:s6+s2], $0x80, v4, vm0, $0xb8;
	[tilespmem:$0x10200] =	vst v63  }
0x82: {  	_ = 	snop  }
0x83: {  	[tilespmem:s24], [sflag:$0x1] =	stream.indirect_vreg.gather [hbm4b:s3+s2], $0x80, v3, vm0, $0xb8;
	[tilespmem:$0x10200] =	vst v63  }
0x84: {  	_ = 	snop  }
0x85: {  	[tilespmem:s26], [sflag:$0x1] =	stream.indirect_vreg.gather [hbm4b:s4+s2], $0x80, v3, vm0, $0xb8;
	[tilespmem:$0x10200] =	vst v63  }
0x86: {  	_ = 	snop  }
0x87: {  	[tilespmem:s28], [sflag:$0x1] =	stream.indirect_vreg.gather [hbm4b:s5+s2], $0x80, v3, vm0, $0xb8;
	[tilespmem:$0x10200] =	vst v63  }
0x88: {  	_ = 	snop  }
0x89: {  	[tilespmem:s29], [sflag:$0x1] =	stream.indirect_vreg.gather [hbm4b:s6+s2], $0x80, v3, vm0, $0xb8;
	[tilespmem:$0x10200] =	vst v63  }
0x8a: {  	v3 =	vld [tilespmem:$0x110];
	_ =	sdelay $0x4  }
0x8b: {  	v61 =	vshll.u32 v3, $0x3  }
0x8c: {  	v3 =	vand.u32 $0x7, v3;
	v4 =	vand.u32 $0xFFFFFFC0, v61  }
0x8d: {  	v3 =	vor.u32 v3, v4  }
0x8e: {  	v4 =	vperm.xlane v3, v0;
	_ =	sdelay $0x1  }
0x8f: {  	v4 =	vadd.s32 v1, v4;
	_ =	sdelay $0x4  }
0x90: {  	[tilespmem:s30], [sflag:$0x1] =	stream.indirect_vreg.gather [hbm4b:s3+s2], $0x80, v4, vm0, $0xb8;
	[tilespmem:$0x10200] =	vst v63  }
0x91: {  	v3 =	vperm.xlane v3, v2  }
0x92: {  	[tilespmem:s31], [sflag:$0x1] =	stream.indirect_vreg.gather [hbm4b:s4+s2], $0x80, v4, vm0, $0xb8;
	[tilespmem:$0x10200] =	vst v63  }
0x93: {  	v3 =	vadd.s32 v1, v3  }
0x94: {  	[tilespmem:s0], [sflag:$0x1] =	stream.indirect_vreg.gather [hbm4b:s5+s2], $0x80, v4, vm0, $0xb8;
	[tilespmem:$0x10200] =	vst v63  }
0x95: {  	_ = 	snop  }
0x96: {  	[tilespmem:s1], [sflag:$0x1] =	stream.indirect_vreg.gather [hbm4b:s6+s2], $0x80, v4, vm0, $0xb8;
	[tilespmem:$0x10200] =	vst v63  }
0x97: {  	_ = 	snop  }
0x98: {  	[tilespmem:s10], [sflag:$0x1] =	stream.indirect_vreg.gather [hbm4b:s3+s2], $0x80, v3, vm0, $0xb8;
	[tilespmem:$0x10200] =	vst v63  }
0x99: {  	_ = 	snop  }
0x9a: {  	[tilespmem:s11], [sflag:$0x1] =	stream.indirect_vreg.gather [hbm4b:s4+s2], $0x80, v3, vm0, $0xb8;
	[tilespmem:$0x10200] =	vst v63  }
0x9b: {  	_ = 	snop  }
0x9c: {  	[tilespmem:s12], [sflag:$0x1] =	stream.indirect_vreg.gather [hbm4b:s5+s2], $0x80, v3, vm0, $0xb8;
	[tilespmem:$0x10200] =	vst v63  }
0x9d: {  	_ = 	snop  }
0x9e: {  	[tilespmem:s13], [sflag:$0x1] =	stream.indirect_vreg.gather [hbm4b:s6+s2], $0x80, v3, vm0, $0xb8;
	[tilespmem:$0x10200] =	vst v63  }
0x9f: {  	_ =	swait.ge [sflag:s19], $0x8000  }
0xa0: {  	[sflag:s19] =	ssyncset.done $0x0  }
0xa1: {  	s0 =	rddreg [dreg:$0x5];
	[sflag:s19] =	ssyncadd.s32 $0xFFFF8000  }
0xa2: {  	[hbm4b:s0+s2] =	stream.linear.scatter [tilespmem:s18], [sflag:$0x3], $0x8000, $0x38;
	[tilespmem:$0x10200] =	vst v63  }
0xa3: {  	_ =	swait.ge [sflag:s8], $0x8000  }
0xa4: {  	[sflag:s8] =	ssyncset.done $0x0  }
0xa5: {  	[sflag:s8] =	ssyncadd.s32 $0xFFFF8000  }
0xa6: {  	v3 =	vld [tilespmem:$0x180];
	_ =	sdelay $0x4  }
0xa7: {  	v62 =	vshll.u32 v3, $0x3  }
0xa8: {  	v3 =	vand.u32 $0x7, v3;
	v4 =	vand.u32 $0xFFFFFFC0, v62  }
0xa9: {  	v3 =	vor.u32 v3, v4  }
0xaa: {  	v4 =	vperm.xlane v3, v0;
	_ =	sdelay $0x1  }
0xab: {  	v4 =	vadd.s32 v1, v4;
	_ =	sdelay $0x4  }
0xac: {  	[tilespmem:s18], [sflag:$0x2] =	stream.indirect_vreg.gather [hbm4b:s3+s2], $0x80, v4, vm0, $0xb8;
	[tilespmem:$0x10200] =	vst v63  }
0xad: {  	v3 =	vperm.xlane v3, v2  }
0xae: {  	[tilespmem:s14], [sflag:$0x2] =	stream.indirect_vreg.gather [hbm4b:s4+s2], $0x80, v4, vm0, $0xb8;
	[tilespmem:$0x10200] =	vst v63  }
0xaf: {  	v3 =	vadd.s32 v1, v3  }
0xb0: {  	[tilespmem:s15], [sflag:$0x2] =	stream.indirect_vreg.gather [hbm4b:s5+s2], $0x80, v4, vm0, $0xb8;
	[tilespmem:$0x10200] =	vst v63  }
0xb1: {  	_ = 	snop  }
0xb2: {  	[tilespmem:s16], [sflag:$0x2] =	stream.indirect_vreg.gather [hbm4b:s6+s2], $0x80, v4, vm0, $0xb8;
	[tilespmem:$0x10200] =	vst v63  }
0xb3: {  	_ = 	snop  }
0xb4: {  	[tilespmem:s17], [sflag:$0x2] =	stream.indirect_vreg.gather [hbm4b:s3+s2], $0x80, v3, vm0, $0xb8;
	[tilespmem:$0x10200] =	vst v63  }
0xb5: {  	s20 =	simm.s32 $0xAA00  }
0xb6: {  	[tilespmem:s20], [sflag:$0x2] =	stream.indirect_vreg.gather [hbm4b:s4+s2], $0x80, v3, vm0, $0xb8;
	[tilespmem:$0x10200] =	vst v63  }
0xb7: {  	s20 =	simm.s32 $0xB200  }
0xb8: {  	[tilespmem:s20], [sflag:$0x2] =	stream.indirect_vreg.gather [hbm4b:s5+s2], $0x80, v3, vm0, $0xb8;
	[tilespmem:$0x10200] =	vst v63  }
0xb9: {  	s20 =	simm.s32 $0xBA00  }
0xba: {  	[tilespmem:s20], [sflag:$0x2] =	stream.indirect_vreg.gather [hbm4b:s6+s2], $0x80, v3, vm0, $0xb8;
	[tilespmem:$0x10200] =	vst v63  }
0xbb: {  	v3 =	vld [tilespmem:$0x190];
	_ =	sdelay $0x4  }
0xbc: {  	v63 =	vshll.u32 v3, $0x3  }
0xbd: {  	v3 =	vand.u32 $0x7, v3;
	v4 =	vand.u32 $0xFFFFFFC0, v63  }
0xbe: {  	v3 =	vor.u32 v3, v4  }
0xbf: {  	v4 =	vperm.xlane v3, v0;
	_ =	sdelay $0x1  }
0xc0: {  	v4 =	vadd.s32 v1, v4;
	_ =	sdelay $0x3  }
0xc1: {  	s20 =	simm.s32 $0xC200  }
0xc2: {  	[tilespmem:s20], [sflag:$0x2] =	stream.indirect_vreg.gather [hbm4b:s3+s2], $0x80, v4, vm0, $0xb8;
	[tilespmem:$0x10200] =	vst v63  }
0xc3: {  	v3 =	vperm.xlane v3, v2;
	s20 =	simm.s32 $0xCA00  }
0xc4: {  	[tilespmem:s20], [sflag:$0x2] =	stream.indirect_vreg.gather [hbm4b:s4+s2], $0x80, v4, vm0, $0xb8;
	[tilespmem:$0x10200] =	vst v63  }
0xc5: {  	v3 =	vadd.s32 v1, v3;
	s20 =	simm.s32 $0xD200  }
0xc6: {  	[tilespmem:s20], [sflag:$0x2] =	stream.indirect_vreg.gather [hbm4b:s5+s2], $0x80, v4, vm0, $0xb8;
	[tilespmem:$0x10200] =	vst v63  }
0xc7: {  	s20 =	simm.s32 $0xDA00  }
0xc8: {  	[tilespmem:s20], [sflag:$0x2] =	stream.indirect_vreg.gather [hbm4b:s6+s2], $0x80, v4, vm0, $0xb8;
	[tilespmem:$0x10200] =	vst v63  }
0xc9: {  	s20 =	simm.s32 $0xE200  }
0xca: {  	[tilespmem:s20], [sflag:$0x2] =	stream.indirect_vreg.gather [hbm4b:s3+s2], $0x80, v3, vm0, $0xb8;
	[tilespmem:$0x10200] =	vst v63  }
0xcb: {  	s20 =	simm.s32 $0xEA00  }
0xcc: {  	[tilespmem:s20], [sflag:$0x2] =	stream.indirect_vreg.gather [hbm4b:s4+s2], $0x80, v3, vm0, $0xb8;
	[tilespmem:$0x10200] =	vst v63  }
0xcd: {  	s20 =	simm.s32 $0xF200  }
0xce: {  	[tilespmem:s20], [sflag:$0x2] =	stream.indirect_vreg.gather [hbm4b:s5+s2], $0x80, v3, vm0, $0xb8;
	[tilespmem:$0x10200] =	vst v63  }
0xcf: {  	s20 =	simm.s32 $0xFA00  }
0xd0: {  	[tilespmem:s20], [sflag:$0x2] =	stream.indirect_vreg.gather [hbm4b:s6+s2], $0x80, v3, vm0, $0xb8;
	[tilespmem:$0x10200] =	vst v63  }
0xd1: {  	_ =	swait.ge [sflag:s9], $0x8000  }
0xd2: {  	[sflag:s9] =	ssyncset.done $0x0  }
0xd3: {  	s0 =	rddreg [dreg:$0x6];
	[sflag:s9] =	ssyncadd.s32 $0xFFFF8000  }
0xd4: {  	[hbm4b:s0+s2] =	stream.linear.scatter [tilespmem:s25], [sflag:$0x3], $0x8000, $0x38;
	[tilespmem:$0x10200] =	vst v63  }
0xd5: {  	_ =	swait.ge [sflag:s8], $0x8000  }
0xd6: {  	[sflag:s8] =	ssyncset.done $0x0  }
0xd7: {  	[sflag:s8] =	ssyncadd.s32 $0xFFFF8000  }
0xd8: {  	_ =	swait.ge [sflag:s19], $0x8000  }
0xd9: {  	p0 =	sne.s32 s7, $0x1;
	[sflag:s19] =	ssyncset.done $0x0  }
.Ltmp0:
0xda: {  	s0 =	rddreg [dreg:$0x7];
	[sflag:s19] =	ssyncadd.s32 $0xFFFF8000;
	(pc) =	sbr.rel @p0 .LBB2_1-.Ltmp0, $4  }
0xdb: {  	[hbm4b:s0+s2] =	stream.linear.scatter [tilespmem:s18], [sflag:$0x3], $0x8000, $0x38;
	[tilespmem:$0x10200] =	vst v63  }
0xdc: {  	_ =	swait.ge [sflag:s8], $0x8000  }
0xdd: {  	[sflag:s8] =	ssyncset.done $0x0  }
0xde: {  	s7 =	sadd.s32 $0xFFFFFFFF, s7;
	[sflag:s8] =	ssyncadd.s32 $0xFFFF8000  }
0xdf: {  	_ =	sfence.sel $0x180000  }
0xe0: {  	[bflag:$0x0] =	sbarrier.arrive $0xFFFF  }
0xe1: {  	_ =	strace $0x90000050  }
0xe2: {  	s0 =	stileid.u32;
	[bflag:$0x2] =	sbarrier.arrive $0xFFFF  }
0xe3: {  	p0 =	sne.s32 s0, $0x0;
	s0 =	rddreg [dreg:$0x2]  }
0xe4: {  	s0 =	sadd.s32 @!p0 $0x100000, s0  }
0xe5: {  	[sflag:s0] =	ssyncadd.tile.s32 @!p0 $0x1;
	_ =	shalt  }
.Lfunc_end2:
_tile_overlayer_lowered:
.L_overlay_start_2:
0xe6: {  	(tag) =	ssettag $0x2  }
0xe7: {  	s0 =	rddreg [dreg:$0x0];
	s2 =	stileid.u32  }
0xe8: {  	s1 =	rddreg [dreg:$0x1];
	p0 =	sne.s32 s2, $0x0  }
0xe9: {  	s3 =	rddreg [dreg:$0x2];
	[bflag:$0x3] =	sbarrier.arrive $0xFFFF;
	s2 =	simm.s32 @!p0 $0x1C03  }
0xea: {  	[timem:s3], [sflag:s2] =	dma.local @!p0 [hbm:s0], s1  }
0xeb: {  	s0 =	simm.s32 @!p0 $0x3  }
0xec: {  	_ =	swait.ge @!p0 [sflag:s0], s1  }
0xed: {  	s1 =	ssub.s32 @!p0 $0x0, s1;
	[sflag:s0] =	ssyncset.done @!p0 $0x0  }
0xee: {  	[sflag:s0] =	ssyncadd.s32 @!p0 s1  }
0xef: {  	[bflag:$0x3] =	sbarrier.arrive $0xFFFF  }
0xf0: {  	_ =	shalt  }

// kernel: kernel.7.cloned.1.call-start
scs
__scs_entry_jumppad:
0x0: {  	(pc) =	sbr.rel $0x88, $3  }
0x1: {  	(tag) =	ssettag $0x0;
	lr =	simm.s32 $0x1  }
0x2: {  	[smem:$0x3F96] =	sst lr;
	_ =	strace $0xD0000000  }
0x3: {  	_ = 	snop  }
0x4: {  	_ = 	snop  }
0x5: {  	_ = 	snop  }
0x6: {  	_ = 	snop  }
0x7: {  	_ = 	snop  }
__scs_overlays_trampoline_lowered:
0x8: {  	[smem:$0x3FA5] =	sst s0  }
0x9: {  	[smem:$0x3FA6] =	sst s1  }
0xa: {  	[smem:$0x3FA7] =	sst s2  }
0xb: {  	[smem:$0x3FA8] =	sst s3  }
0xc: {  	[smem:$0x3FA9] =	sst s4  }
0xd: {  	[smem:$0x3FAA] =	sst s5  }
0xe: {  	[smem:$0x3FAB] =	sst s6  }
0xf: {  	[smem:$0x3FAC] =	sst s7  }
0x10: {  	[smem:$0x3FAD] =	sst s8  }
0x11: {  	[smem:$0x3FAE] =	sst s9;
	s0 =	simm.s32 @!p0 $0x0  }
0x12: {  	s1 =	sld [smem:$0x3F94];
	s0 =	simm.s32 @p0 $0x1  }
0x13: {  	[smem:$0x3FAF] =	sst s0;
	s0 =	simm.s32 @!p1 $0x0  }
0x14: {  	s2 =	sld [smem:$0x3F93];
	s0 =	simm.s32 @p1 $0x1  }
0x15: {  	[smem:$0x3FB0] =	sst s0;
	s0 =	simm.s32 @!p2 $0x0  }
0x16: {  	s3 =	sld [smem:$0x3FDB];
	s0 =	simm.s32 @p2 $0x1  }
0x17: {  	s4 =	simm.s32 $0x1BF5;
	[smem:$0x3FB2] =	sst s0  }
0x18: {  	s0 =	sld [smem:$0x3F95];
	_ =	swait.ge [sflag:s4], $0x0  }
0x19: {  	s7 =	sld [smem:$0x3F96]  }
0x1a: {  	s8 =	sadd.s32 $0xFFFFE003, lr  }
0x1b: {  	s9 =	sadd.s32 $0xFFFFFEF7, lr;
	s5 =	simm.s32 $0xFFFFFFFF;
	p2 =	slt.u32 s8, $0xFFFFF086  }
0x1c: {  	p1 =	slt.u32 s9, $0xF7A;
	s5 =	simm.s32 @!p2 $0x0  }
0x1d: {  	s5 =	simm.s32 @p1 $0x1;
	p0 =	seq.s32 s7, s2  }
0x1e: {  	s7 =	smul.u32 @!p0 $0xF7A, s2;
	p2 =	seq.s32 @!p0 s5, $0x0  }
0x1f: {  	s9 =	smul.u32 $0xF7A, s1;
	s8 =	simm.s32 @!p0 $0x1BF5;
	p2 =	por !p2, p0  }
0x20: {  	[sflag:s8] =	ssyncset.s32 @!p0 $0xFFFFF086;
	s6 =	sadd.s32 @!p0 s3, s7;
	s7 =	simm.s32 @!p0 $0x108  }
0x21: {  	s3 =	sadd.s32 s3, s9;
	s6 =	sadd.s32 @!p0 $0x88, s6;
	s7 =	simm.s32 @p2 $0x1082  }
0x22: {  	[simem:s7], [sflag:s8] =	dma.local @!p0 [hbm:s6], $0xF7A  }
0x23: {  	s9 =	sor.u32 $0xD0000000, s2;
	s6 =	simm.s32 $0x108;
	_ =	swait.ge @!p0 [sflag:s8], $0x0  }
0x24: {  	s3 =	sadd.s32 $0x88, s3;
	s6 =	simm.s32 @!p1 $0x1082;
	[sflag:s4] =	ssyncset.s32 $0xFFFFF086  }
0x25: {  	[simem:s6], [sflag:s4] =	dma.local [hbm:s3], $0xF7A  }
0x26: {  	[smem:$0x3F96] =	sst s1;
	(tag) =	ssettag s2;
	_ =	strace s9  }
0x27: {  	s1 =	sld [smem:$0x3FA6]  }
0x28: {  	s2 =	sld [smem:$0x3FA7]  }
0x29: {  	s4 =	sld [smem:$0x3FA9]  }
0x2a: {  	p0 =	seq.s32 s5, $0x0;
	s5 =	sld [smem:$0x3FAA]  }
0x2b: {  	s6 =	sld [smem:$0x3FAB]  }
0x2c: {  	s7 =	sld [smem:$0x3FAC]  }
0x2d: {  	s3 =	simm.s32 $0x108;
	s8 =	sld [smem:$0x3FAD]  }
0x2e: {  	s3 =	simm.s32 @!p0 $0x1082;
	s9 =	sld [smem:$0x3FAE]  }
0x2f: {  	lr =	sadd.s32 s0, s3;
	s0 =	sld [smem:$0x3FA5]  }
0x30: {  	s3 =	sld [smem:$0x3FA8]  }
0x31: {  	[smem:$0x3FB1] =	sst s10  }
0x32: {  	s10 =	sld [smem:$0x3FAF];
	_ =	sdelay $0x3  }
0x33: {  	p0 =	seq.s32 s10, $0x1;
	s10 =	sld [smem:$0x3FB1];
	_ =	sdelay $0x3  }
0x34: {  	[smem:$0x3FB1] =	sst s10  }
0x35: {  	s10 =	sld [smem:$0x3FB0];
	_ =	sdelay $0x3  }
0x36: {  	p1 =	seq.s32 s10, $0x1;
	s10 =	sld [smem:$0x3FB1];
	_ =	sdelay $0x3  }
0x37: {  	[smem:$0x3FB1] =	sst s10  }
0x38: {  	s10 =	sld [smem:$0x3FB2]  }
0x39: {  	_ = 	snop;
	(pc) =	sbr.ind lr, $3  }
0x3a: {  	_ = 	snop  }
0x3b: {  	_ = 	snop  }
0x3c: {  	p2 =	seq.s32 s10, $0x1;
	s10 =	sld [smem:$0x3FB1]  }
0x3d: {  	_ =	shalt  }
0x3e: {  	_ =	shalt  }
0x3f: {  	_ =	shalt  }
0x40: {  	_ =	shalt  }
0x41: {  	_ =	shalt  }
0x42: {  	_ =	shalt  }
0x43: {  	_ =	shalt  }
0x44: {  	_ =	shalt  }
0x45: {  	_ =	shalt  }
0x46: {  	_ =	shalt  }
0x47: {  	_ =	shalt  }
0x48: {  	_ =	shalt  }
0x49: {  	_ =	shalt  }
0x4a: {  	_ =	shalt  }
0x4b: {  	_ =	shalt  }
0x4c: {  	_ =	shalt  }
0x4d: {  	_ =	shalt  }
0x4e: {  	_ =	shalt  }
0x4f: {  	_ =	shalt  }
0x50: {  	_ =	shalt  }
0x51: {  	_ =	shalt  }
0x52: {  	_ =	shalt  }
0x53: {  	_ =	shalt  }
0x54: {  	_ =	shalt  }
0x55: {  	_ =	shalt  }
0x56: {  	_ =	shalt  }
0x57: {  	_ =	shalt  }
0x58: {  	_ =	shalt  }
0x59: {  	_ =	shalt  }
0x5a: {  	_ =	shalt  }
0x5b: {  	_ =	shalt  }
0x5c: {  	_ =	shalt  }
0x5d: {  	_ =	shalt  }
0x5e: {  	_ =	shalt  }
0x5f: {  	_ =	shalt  }
0x60: {  	_ =	shalt  }
0x61: {  	_ =	shalt  }
0x62: {  	_ =	shalt  }
0x63: {  	_ =	shalt  }
0x64: {  	_ =	shalt  }
0x65: {  	_ =	shalt  }
0x66: {  	_ =	shalt  }
0x67: {  	_ =	shalt  }
0x68: {  	_ =	shalt  }
0x69: {  	_ =	shalt  }
0x6a: {  	_ =	shalt  }
0x6b: {  	_ =	shalt  }
0x6c: {  	_ =	shalt  }
0x6d: {  	_ =	shalt  }
0x6e: {  	_ =	shalt  }
0x6f: {  	_ =	shalt  }
0x70: {  	_ =	shalt  }
0x71: {  	_ =	shalt  }
0x72: {  	_ =	shalt  }
0x73: {  	_ =	shalt  }
0x74: {  	_ =	shalt  }
0x75: {  	_ =	shalt  }
0x76: {  	_ =	shalt  }
0x77: {  	_ =	shalt  }
0x78: {  	_ =	shalt  }
0x79: {  	_ =	shalt  }
0x7a: {  	_ =	shalt  }
0x7b: {  	_ =	shalt  }
0x7c: {  	_ =	shalt  }
0x7d: {  	_ =	shalt  }
0x7e: {  	_ =	shalt  }
0x7f: {  	_ =	shalt  }
0x80: {  	_ =	shalt  }
0x81: {  	_ =	shalt  }
0x82: {  	_ =	shalt  }
0x83: {  	_ =	shalt  }
0x84: {  	_ =	shalt  }
0x85: {  	_ =	shalt  }
0x86: {  	_ =	shalt  }
0x87: {  	_ =	shalt  }
.Lfunc_end0:
.L_simem_size_0:
called_computation.2_lowered:
.L_overlay_start_0:
0x88: {  	s2 =	sld [smem:$0x3FD9]  }
0x89: {  	s3 =	sld [smem:$0x3FFE];
	_ =	sdelay $0x1  }
0x8a: {  	s1 =	srdreg.scid  }
0x8b: {  	s0 =	sand.u32 $0x1, s1  }
0x8c: {  	s17 =	sshll.u32 s0, $0xA;
	s2 =	sadd.s32 s3, s2  }
0x8d: {  	s2 =	sadd.s32 s2, s17  }
0x8e: {  	[smem:$0x3FBD] =	sst s2  }
0x8f: {  	_ = 	snop  }
0x90: {  	s2 =	sld [smem:$0x3FC9];
	(tm) =	ssettm $0x1  }
0x91: {  	s18 =	sld [smem:$0x3FFB];
	_ =	sdelay $0x3  }
0x92: {  	_ =	strace s18  }
0x93: {  	s3 =	sld [smem:$0x3FFC];
	_ =	sdelay $0x3  }
0x94: {  	_ =	strace s3  }
0x95: {  	s3 =	sld [smem:$0x3FFD];
	_ =	sdelay $0x3  }
0x96: {  	_ =	strace s3  }
0x97: {  	_ =	strace $0x8FFFFFFF  }
0x98: {  	s19 =	sld [smem:$0x3FDB];
	_ =	sdelay $0x1  }
0x99: {  	s4 =	simm.s32 $_scs_section_size  }
0x9a: {  	s5 =	simm.s32 $_size__tile_overlayer_lowered;
	s6 =	simm.s32 $_tile_overlayer_lowered  }
0x9b: {  	s22 =	simm.s32 $0x1BFF;
	s21 =	sshll.u32 s6, $0x1;
	s3 =	sadd.s32 s4, s19  }
0x9c: {  	s7 =	simm.s32 $0x0;
	s20 =	sshll.u32 s5, $0x1;
	s5 =	sadd.s32 s21, s3  }
0x9d: {  	[timem:s7], [sflag:s22] =	dma.local [hbm:s5], s20  }
0x9e: {  	_ =	swait.ge [sflag:s22], s20  }
0x9f: {  	s4 =	ssub.s32 $0x0, s20;
	[sflag:s22] =	ssyncset.done $0x0  }
0xa0: {  	[sflag:s22] =	ssyncadd.s32 s4;
	_ =	sdelay $0x1  }
0xa1: {  	s23 =	simm.s32 $0x1B8B  }
0xa2: {  	_ =	swait.ge [sflag:s23], $0x1  }
0xa3: {  	[sflag:s23] =	ssyncset.done $0x0  }
0xa4: {  	s25 =	simm.s32 $0x1B8E;
	s24 =	sld [smem:$0x3FFE];
	[sflag:s23] =	ssyncadd.s32 $0xFFFFFFFF  }
0xa5: {  	s26 =	simm.s32 $execute0_lowered;
	[smem:$0x3FD2] =	sst s25  }
0xa6: {  	s5 =	sshll.u32 s26, $0x1;
	_ =	strace $0x8000004C;
	[dreg:$0x1] =	wrdreg $0xFFFFFFFF  }
0xa7: {  	s28 =	simm.s32 $_size_execute0_lowered;
	s3 =	sadd.s32 s3, s5;
	[dreg:$0x0] =	wrdreg $0x0  }
0xa8: {  	s5 =	sshll.u32 s28, $0x1;
	[dreg:$0x2] =	wrdreg s3  }
0xa9: {  	[dreg:$0x3] =	wrdreg s5  }
0xaa: {  	[dreg:$0x4] =	wrdreg $0xC0  }
0xab: {  	_ =	task [dreg:s7], $0x5FFFF  }
0xac: {  	[dreg:$0x1] =	wrdreg $0xFFFFFFFF  }
0xad: {  	[dreg:$0x0] =	wrdreg $0x60  }
0xae: {  	[dreg:$0x2] =	wrdreg s2  }
0xaf: {  	[dreg:$0x3] =	wrdreg s24  }
0xb0: {  	[dreg:$0x4] =	wrdreg $0x9  }
0xb1: {  	_ =	task.clear_ibuf [dreg:s7], $0x5FFFF;
	_ =	strace $0x9000004C  }
0xb2: {  	s29 =	simm.s32 $0x9;
	_ =	strace $0x8000004E  }
0xb3: {  	_ =	swait.ge [sflag:s29], $0x1  }
0xb4: {  	[sflag:s29] =	ssyncadd.s32 $0xFFFFFFFF  }
0xb5: {  	_ =	strace $0x9000004E  }
0xb6: {  	_ =	sfence  }
0xb7: {  	s30 =	sld [smem:$0x0];
	_ =	sdelay $0x2  }
0xb8: {  	s31 =	sshll.u32 s1, $0xD;
	s1 =	sshrl.u32 s1, $0x2  }
0xb9: {  	s3 =	sand.u32 $0x4000, s31;
	s1 =	sadd.s32 s1, s30  }
0xba: {  	s0 =	sor.u32 s3, s0;
	s1 =	sshll.u32 s1, $0x11  }
0xbb: {  	s0 =	sor.u32 s1, s0  }
0xbc: {  	s0 =	sadd.s32 $0x8F2B, s0  }
0xbd: {  	[sflag:s0] =	ssyncadd.remote.s32 $0x1  }
0xbe: {  	_ =	sfence.sel $0xFFFF  }
0xbf: {  	[dreg:$0x0] =	wrdreg $0xFFFFFFFF;
	(pc) =	sbr.abs _section_cstart, $3  }
0xc0: {  	[dreg:$0x1] =	wrdreg $0xFFFFFFFF  }
0xc1: {  	_ =	task.clear_ibuf [dreg:s7], $0x2FFFF;
	_ =	strace $0x9FFFFFFF  }
0xc2: {  	(tm) =	ssettm $0x7FFFFFFF  }
0xc3: {  	_ =	shalt  }
tec
execute0_lowered:
.L_overlay_start_1:
0x0: {  	(tag) =	ssettag $0x1  }
0x1: {  	s0 =	srdreg.scid;
	s2 =	rddreg [dreg:$0x0]  }
0x2: {  	s1 =	stileid.u32;
	s4 =	rddreg [dreg:$0x1]  }
0x3: {  	s3 =	simm.s32 $0x0;
	s9 =	simm.s32 $0x3;
	s19 =	simm.s32 $0x1  }
0x4: {  	s20 =	simm.s32 $0x2;
	s22 =	simm.s32 $0xC00;
	s23 =	simm.s32 $0x1400  }
0x5: {  	s28 =	simm.s32 $0x2C00;
	s29 =	simm.s32 $0x3400;
	s30 =	simm.s32 $0x3C00  }
0x6: {  	s31 =	simm.s32 $0x4400;
	s10 =	simm.s32 $0x5400;
	s11 =	simm.s32 $0x6400  }
0x7: {  	s12 =	simm.s32 $0x6C00;
	s13 =	simm.s32 $0x7400;
	s14 =	simm.s32 $0x7C00  }
0x8: {  	s15 =	simm.s32 $0x8C00;
	s16 =	simm.s32 $0x9400;
	s17 =	simm.s32 $0x9C00  }
0x9: {  	s18 =	simm.s32 $0xA400;
	s0 =	sand.u32 $0x1, s0;
	s1 =	sshll.u32 s1, $0x1  }
0xa: {  	[smem:$0x7FF] =	sst s3;
	s7 =	sadd.s32 $0x300, s2;
	s1 =	sor.u32 s0, s1  }
0xb: {  	_ =	strace $0x8000004D;
	s5 =	smul.u32 $0x6000, s1;
	s6 =	sshll.u32 s1, $0x7  }
0xc: {  	s0 =	ssub.s32 $0x2, s0;
	s1 =	smul.u32 $0x30000, s1;
	s6 =	sadd.s32 s6, s4  }
0xd: {  	s24 =	sshrl.u32 s0, $0x1;
	s4 =	sadd.s32 $0x2A00, s4;
	s6 =	sadd.s32 $0x1A00, s6  }
0xe: {  	s5 =	sadd.s32 s4, s5;
	s1 =	sshrl.u32 s1, $0x3;
	[dreg:$0x3] =	wrdreg s6  }
0xf: {  	[dreg:$0x9] =	wrdreg s5;
	s5 =	sadd.s32 $0x1000, s5;
	s1 =	sadd.s32 s4, s1  }
0x10: {  	s0 =	ssub.s32 s0, s24;
	[dreg:$0x4] =	wrdreg s5;
	s4 =	sadd.s32 $0x2000, s1  }
0x11: {  	s24 =	simm.s32 $0x1C00;
	s25 =	sadd.s32 $0x3000, s1;
	[dreg:$0x5] =	wrdreg s4  }
0x12: {  	s8 =	smax.u32 s0, $0x1;
	s26 =	sadd.s32 $0x4000, s1;
	[dreg:$0x6] =	wrdreg s25  }
0x13: {  	v2 =	vlaneseq.u32;
	s0 =	simm.s32 $0x8400;
	s1 =	sadd.s32 $0x5000, s1;
	[dreg:$0x7] =	wrdreg s26  }
0x14: {  	vm0 =	vmmov $0xffff;
	v1 =	vshrl.u32 v2, $0x3;
	s6 =	sadd.s32 $0x200, s2;
	s5 =	sadd.s32 $0x100, s2;
	[dreg:$0x8] =	wrdreg s1  }
0x15: {  	v0 =	vand.u32 $0x7, v2;
	v2 =	vor.u32 $0x8, v2;
	v1 =	vmul.u32 $0x8, v1;
	s26 =	simm.s32 $0x400;
	s25 =	simm.s32 $0x2400;
	s4 =	simm.s32 $0x5C00  }
.LBB2_1:
0x16: {  	s21 =	rddreg [dreg:$0x3]  }
0x17: {  	[tilespmem:s3], [sflag:$0x3] =	stream.linear.gather [hbm4b:s21+s3], $0x300, $0x38;
	[tilespmem:$0x10400] =	vst v63  }
0x18: {  	_ =	swait.ge [sflag:s9], $0x300  }
0x19: {  	[sflag:s9] =	ssyncset.done $0x0  }
0x1a: {  	[sflag:s9] =	ssyncadd.s32 $0xFFFFFD00  }
0x1b: {  	v3 =	vld [tilespmem:$0x0];
	_ =	sdelay $0x4  }
0x1c: {  	v4 =	vshll.u32 v3, $0x3  }
0x1d: {  	v3 =	vand.u32 $0x7, v3;
	v4 =	vand.u32 $0xFFFFFFC0, v4  }
0x1e: {  	v3 =	vor.u32 v3, v4  }
0x1f: {  	v4 =	vperm.xlane v3, v0;
	_ =	sdelay $0x1  }
0x20: {  	v4 =	vadd.s32 v1, v4;
	_ =	sdelay $0x4  }
0x21: {  	[tilespmem:s26], [sflag:$0x1] =	stream.indirect_vreg.gather [hbm4b:s2+s3], $0x80, v4, vm0, $0xb8;
	[tilespmem:$0x10400] =	vst v63  }
0x22: {  	v3 =	vperm.xlane v3, v2  }
0x23: {  	[tilespmem:s22], [sflag:$0x1] =	stream.indirect_vreg.gather [hbm4b:s5+s3], $0x80, v4, vm0, $0xb8;
	[tilespmem:$0x10400] =	vst v63  }
0x24: {  	v3 =	vadd.s32 v1, v3  }
0x25: {  	[tilespmem:s23], [sflag:$0x1] =	stream.indirect_vreg.gather [hbm4b:s6+s3], $0x80, v4, vm0, $0xb8;
	[tilespmem:$0x10400] =	vst v63  }
0x26: {  	_ = 	snop  }
0x27: {  	[tilespmem:s24], [sflag:$0x1] =	stream.indirect_vreg.gather [hbm4b:s7+s3], $0x80, v4, vm0, $0xb8;
	[tilespmem:$0x10400] =	vst v63  }
0x28: {  	_ = 	snop  }
0x29: {  	[tilespmem:s25], [sflag:$0x1] =	stream.indirect_vreg.gather [hbm4b:s2+s3], $0x80, v3, vm0, $0xb8;
	[tilespmem:$0x10400] =	vst v63  }
0x2a: {  	_ = 	snop  }
0x2b: {  	[tilespmem:s28], [sflag:$0x1] =	stream.indirect_vreg.gather [hbm4b:s5+s3], $0x80, v3, vm0, $0xb8;
	[tilespmem:$0x10400] =	vst v63  }
0x2c: {  	_ = 	snop  }
0x2d: {  	[tilespmem:s29], [sflag:$0x1] =	stream.indirect_vreg.gather [hbm4b:s6+s3], $0x80, v3, vm0, $0xb8;
	[tilespmem:$0x10400] =	vst v63  }
0x2e: {  	_ = 	snop  }
0x2f: {  	[tilespmem:s30], [sflag:$0x1] =	stream.indirect_vreg.gather [hbm4b:s7+s3], $0x80, v3, vm0, $0xb8;
	[tilespmem:$0x10400] =	vst v63  }
0x30: {  	v3 =	vld [tilespmem:$0x10];
	_ =	sdelay $0x4  }
0x31: {  	v53 =	vshll.u32 v3, $0x3  }
0x32: {  	v3 =	vand.u32 $0x7, v3;
	v4 =	vand.u32 $0xFFFFFFC0, v53  }
0x33: {  	v3 =	vor.u32 v3, v4  }
0x34: {  	v4 =	vperm.xlane v3, v0;
	_ =	sdelay $0x1  }
0x35: {  	v4 =	vadd.s32 v1, v4;
	_ =	sdelay $0x4  }
0x36: {  	[tilespmem:s31], [sflag:$0x1] =	stream.indirect_vreg.gather [hbm4b:s2+s3], $0x80, v4, vm0, $0xb8;
	[tilespmem:$0x10400] =	vst v63  }
0x37: {  	s1 =	simm.s32 $0x4C00;
	v3 =	vperm.xlane v3, v2  }
0x38: {  	[tilespmem:s1], [sflag:$0x1] =	stream.indirect_vreg.gather [hbm4b:s5+s3], $0x80, v4, vm0, $0xb8;
	[tilespmem:$0x10400] =	vst v63  }
0x39: {  	v3 =	vadd.s32 v1, v3  }
0x3a: {  	[tilespmem:s10], [sflag:$0x1] =	stream.indirect_vreg.gather [hbm4b:s6+s3], $0x80, v4, vm0, $0xb8;
	[tilespmem:$0x10400] =	vst v63  }
0x3b: {  	_ = 	snop  }
0x3c: {  	[tilespmem:s4], [sflag:$0x1] =	stream.indirect_vreg.gather [hbm4b:s7+s3], $0x80, v4, vm0, $0xb8;
	[tilespmem:$0x10400] =	vst v63  }
0x3d: {  	_ = 	snop  }
0x3e: {  	[tilespmem:s11], [sflag:$0x1] =	stream.indirect_vreg.gather [hbm4b:s2+s3], $0x80, v3, vm0, $0xb8;
	[tilespmem:$0x10400] =	vst v63  }
0x3f: {  	_ = 	snop  }
0x40: {  	[tilespmem:s12], [sflag:$0x1] =	stream.indirect_vreg.gather [hbm4b:s5+s3], $0x80, v3, vm0, $0xb8;
	[tilespmem:$0x10400] =	vst v63  }
0x41: {  	_ = 	snop  }
0x42: {  	[tilespmem:s13], [sflag:$0x1] =	stream.indirect_vreg.gather [hbm4b:s6+s3], $0x80, v3, vm0, $0xb8;
	[tilespmem:$0x10400] =	vst v63  }
0x43: {  	_ = 	snop  }
0x44: {  	[tilespmem:s14], [sflag:$0x1] =	stream.indirect_vreg.gather [hbm4b:s7+s3], $0x80, v3, vm0, $0xb8;
	[tilespmem:$0x10400] =	vst v63  }
0x45: {  	v3 =	vld [tilespmem:$0x80];
	_ =	sdelay $0x4  }
0x46: {  	v54 =	vshll.u32 v3, $0x3  }
0x47: {  	v3 =	vand.u32 $0x7, v3;
	v4 =	vand.u32 $0xFFFFFFC0, v54  }
0x48: {  	v3 =	vor.u32 v3, v4  }
0x49: {  	v4 =	vperm.xlane v3, v0;
	_ =	sdelay $0x1  }
0x4a: {  	v4 =	vadd.s32 v1, v4;
	_ =	sdelay $0x4  }
0x4b: {  	[tilespmem:s0], [sflag:$0x2] =	stream.indirect_vreg.gather [hbm4b:s2+s3], $0x80, v4, vm0, $0xb8;
	[tilespmem:$0x10400] =	vst v63  }
0x4c: {  	v3 =	vperm.xlane v3, v2  }
0x4d: {  	[tilespmem:s15], [sflag:$0x2] =	stream.indirect_vreg.gather [hbm4b:s5+s3], $0x80, v4, vm0, $0xb8;
	[tilespmem:$0x10400] =	vst v63  }
0x4e: {  	v3 =	vadd.s32 v1, v3  }
0x4f: {  	[tilespmem:s16], [sflag:$0x2] =	stream.indirect_vreg.gather [hbm4b:s6+s3], $0x80, v4, vm0, $0xb8;
	[tilespmem:$0x10400] =	vst v63  }
0x50: {  	_ = 	snop  }
0x51: {  	[tilespmem:s17], [sflag:$0x2] =	stream.indirect_vreg.gather [hbm4b:s7+s3], $0x80, v4, vm0, $0xb8;
	[tilespmem:$0x10400] =	vst v63  }
0x52: {  	_ = 	snop  }
0x53: {  	[tilespmem:s18], [sflag:$0x2] =	stream.indirect_vreg.gather [hbm4b:s2+s3], $0x80, v3, vm0, $0xb8;
	[tilespmem:$0x10400] =	vst v63  }
0x54: {  	s21 =	simm.s32 $0xAC00  }
0x55: {  	[tilespmem:s21], [sflag:$0x2] =	stream.indirect_vreg.gather [hbm4b:s5+s3], $0x80, v3, vm0, $0xb8;
	[tilespmem:$0x10400] =	vst v63  }
0x56: {  	s21 =	simm.s32 $0xB400  }
0x57: {  	[tilespmem:s21], [sflag:$0x2] =	stream.indirect_vreg.gather [hbm4b:s6+s3], $0x80, v3, vm0, $0xb8;
	[tilespmem:$0x10400] =	vst v63  }
0x58: {  	s21 =	simm.s32 $0xBC00  }
0x59: {  	[tilespmem:s21], [sflag:$0x2] =	stream.indirect_vreg.gather [hbm4b:s7+s3], $0x80, v3, vm0, $0xb8;
	[tilespmem:$0x10400] =	vst v63  }
0x5a: {  	v3 =	vld [tilespmem:$0x90];
	_ =	sdelay $0x4  }
0x5b: {  	v55 =	vshll.u32 v3, $0x3  }
0x5c: {  	v3 =	vand.u32 $0x7, v3;
	v4 =	vand.u32 $0xFFFFFFC0, v55  }
0x5d: {  	v3 =	vor.u32 v3, v4  }
0x5e: {  	v4 =	vperm.xlane v3, v0;
	_ =	sdelay $0x1  }
0x5f: {  	v4 =	vadd.s32 v1, v4;
	_ =	sdelay $0x3  }
0x60: {  	s21 =	simm.s32 $0xC400  }
0x61: {  	[tilespmem:s21], [sflag:$0x2] =	stream.indirect_vreg.gather [hbm4b:s2+s3], $0x80, v4, vm0, $0xb8;
	[tilespmem:$0x10400] =	vst v63  }
0x62: {  	v3 =	vperm.xlane v3, v2;
	s21 =	simm.s32 $0xCC00  }
0x63: {  	[tilespmem:s21], [sflag:$0x2] =	stream.indirect_vreg.gather [hbm4b:s5+s3], $0x80, v4, vm0, $0xb8;
	[tilespmem:$0x10400] =	vst v63  }
0x64: {  	v3 =	vadd.s32 v1, v3;
	s21 =	simm.s32 $0xD400  }
0x65: {  	[tilespmem:s21], [sflag:$0x2] =	stream.indirect_vreg.gather [hbm4b:s6+s3], $0x80, v4, vm0, $0xb8;
	[tilespmem:$0x10400] =	vst v63  }
0x66: {  	s21 =	simm.s32 $0xDC00  }
0x67: {  	[tilespmem:s21], [sflag:$0x2] =	stream.indirect_vreg.gather [hbm4b:s7+s3], $0x80, v4, vm0, $0xb8;
	[tilespmem:$0x10400] =	vst v63  }
0x68: {  	s21 =	simm.s32 $0xE400  }
0x69: {  	[tilespmem:s21], [sflag:$0x2] =	stream.indirect_vreg.gather [hbm4b:s2+s3], $0x80, v3, vm0, $0xb8;
	[tilespmem:$0x10400] =	vst v63  }
0x6a: {  	s21 =	simm.s32 $0xEC00  }
0x6b: {  	[tilespmem:s21], [sflag:$0x2] =	stream.indirect_vreg.gather [hbm4b:s5+s3], $0x80, v3, vm0, $0xb8;
	[tilespmem:$0x10400] =	vst v63  }
0x6c: {  	s21 =	simm.s32 $0xF400  }
0x6d: {  	[tilespmem:s21], [sflag:$0x2] =	stream.indirect_vreg.gather [hbm4b:s6+s3], $0x80, v3, vm0, $0xb8;
	[tilespmem:$0x10400] =	vst v63  }
0x6e: {  	s21 =	simm.s32 $0xFC00  }
0x6f: {  	[tilespmem:s21], [sflag:$0x2] =	stream.indirect_vreg.gather [hbm4b:s7+s3], $0x80, v3, vm0, $0xb8;
	[tilespmem:$0x10400] =	vst v63  }
0x70: {  	_ =	swait.ge [sflag:s19], $0x8000  }
0x71: {  	[sflag:s19] =	ssyncset.done $0x0  }
0x72: {  	s21 =	rddreg [dreg:$0x9];
	[sflag:s19] =	ssyncadd.s32 $0xFFFF8000  }
0x73: {  	[hbm4b:s21+s3] =	stream.linear.scatter [tilespmem:s26], [sflag:$0x3], $0x8000, $0x38;
	[tilespmem:$0x10400] =	vst v63  }
0x74: {  	_ =	swait.ge [sflag:s9], $0x8000  }
0x75: {  	[sflag:s9] =	ssyncset.done $0x0  }
0x76: {  	[sflag:s9] =	ssyncadd.s32 $0xFFFF8000  }
0x77: {  	v3 =	vld [tilespmem:$0x100];
	_ =	sdelay $0x4  }
0x78: {  	v56 =	vshll.u32 v3, $0x3  }
0x79: {  	v3 =	vand.u32 $0x7, v3;
	v4 =	vand.u32 $0xFFFFFFC0, v56  }
0x7a: {  	v3 =	vor.u32 v3, v4  }
0x7b: {  	v4 =	vperm.xlane v3, v0;
	_ =	sdelay $0x1  }
0x7c: {  	v4 =	vadd.s32 v1, v4;
	_ =	sdelay $0x4  }
0x7d: {  	[tilespmem:s26], [sflag:$0x1] =	stream.indirect_vreg.gather [hbm4b:s2+s3], $0x80, v4, vm0, $0xb8;
	[tilespmem:$0x10400] =	vst v63  }
0x7e: {  	v3 =	vperm.xlane v3, v2  }
0x7f: {  	[tilespmem:s22], [sflag:$0x1] =	stream.indirect_vreg.gather [hbm4b:s5+s3], $0x80, v4, vm0, $0xb8;
	[tilespmem:$0x10400] =	vst v63  }
0x80: {  	v3 =	vadd.s32 v1, v3  }
0x81: {  	[tilespmem:s23], [sflag:$0x1] =	stream.indirect_vreg.gather [hbm4b:s6+s3], $0x80, v4, vm0, $0xb8;
	[tilespmem:$0x10400] =	vst v63  }
0x82: {  	_ = 	snop  }
0x83: {  	[tilespmem:s24], [sflag:$0x1] =	stream.indirect_vreg.gather [hbm4b:s7+s3], $0x80, v4, vm0, $0xb8;
	[tilespmem:$0x10400] =	vst v63  }
0x84: {  	_ = 	snop  }
0x85: {  	[tilespmem:s25], [sflag:$0x1] =	stream.indirect_vreg.gather [hbm4b:s2+s3], $0x80, v3, vm0, $0xb8;
	[tilespmem:$0x10400] =	vst v63  }
0x86: {  	_ = 	snop  }
0x87: {  	[tilespmem:s28], [sflag:$0x1] =	stream.indirect_vreg.gather [hbm4b:s5+s3], $0x80, v3, vm0, $0xb8;
	[tilespmem:$0x10400] =	vst v63  }
0x88: {  	_ = 	snop  }
0x89: {  	[tilespmem:s29], [sflag:$0x1] =	stream.indirect_vreg.gather [hbm4b:s6+s3], $0x80, v3, vm0, $0xb8;
	[tilespmem:$0x10400] =	vst v63  }
0x8a: {  	_ = 	snop  }
0x8b: {  	[tilespmem:s30], [sflag:$0x1] =	stream.indirect_vreg.gather [hbm4b:s7+s3], $0x80, v3, vm0, $0xb8;
	[tilespmem:$0x10400] =	vst v63  }
0x8c: {  	v3 =	vld [tilespmem:$0x110];
	_ =	sdelay $0x4  }
0x8d: {  	v57 =	vshll.u32 v3, $0x3  }
0x8e: {  	v3 =	vand.u32 $0x7, v3;
	v4 =	vand.u32 $0xFFFFFFC0, v57  }
0x8f: {  	v3 =	vor.u32 v3, v4  }
0x90: {  	v4 =	vperm.xlane v3, v0;
	_ =	sdelay $0x1  }
0x91: {  	v4 =	vadd.s32 v1, v4;
	_ =	sdelay $0x4  }
0x92: {  	[tilespmem:s31], [sflag:$0x1] =	stream.indirect_vreg.gather [hbm4b:s2+s3], $0x80, v4, vm0, $0xb8;
	[tilespmem:$0x10400] =	vst v63  }
0x93: {  	v3 =	vperm.xlane v3, v2  }
0x94: {  	[tilespmem:s1], [sflag:$0x1] =	stream.indirect_vreg.gather [hbm4b:s5+s3], $0x80, v4, vm0, $0xb8;
	[tilespmem:$0x10400] =	vst v63  }
0x95: {  	v3 =	vadd.s32 v1, v3  }
0x96: {  	[tilespmem:s10], [sflag:$0x1] =	stream.indirect_vreg.gather [hbm4b:s6+s3], $0x80, v4, vm0, $0xb8;
	[tilespmem:$0x10400] =	vst v63  }
0x97: {  	_ = 	snop  }
0x98: {  	[tilespmem:s4], [sflag:$0x1] =	stream.indirect_vreg.gather [hbm4b:s7+s3], $0x80, v4, vm0, $0xb8;
	[tilespmem:$0x10400] =	vst v63  }
0x99: {  	_ = 	snop  }
0x9a: {  	[tilespmem:s11], [sflag:$0x1] =	stream.indirect_vreg.gather [hbm4b:s2+s3], $0x80, v3, vm0, $0xb8;
	[tilespmem:$0x10400] =	vst v63  }
0x9b: {  	_ = 	snop  }
0x9c: {  	[tilespmem:s12], [sflag:$0x1] =	stream.indirect_vreg.gather [hbm4b:s5+s3], $0x80, v3, vm0, $0xb8;
	[tilespmem:$0x10400] =	vst v63  }
0x9d: {  	_ = 	snop  }
0x9e: {  	[tilespmem:s13], [sflag:$0x1] =	stream.indirect_vreg.gather [hbm4b:s6+s3], $0x80, v3, vm0, $0xb8;
	[tilespmem:$0x10400] =	vst v63  }
0x9f: {  	_ = 	snop  }
0xa0: {  	[tilespmem:s14], [sflag:$0x1] =	stream.indirect_vreg.gather [hbm4b:s7+s3], $0x80, v3, vm0, $0xb8;
	[tilespmem:$0x10400] =	vst v63  }
0xa1: {  	_ =	swait.ge [sflag:s20], $0x8000  }
0xa2: {  	[sflag:s20] =	ssyncset.done $0x0  }
0xa3: {  	s21 =	rddreg [dreg:$0x4];
	[sflag:s20] =	ssyncadd.s32 $0xFFFF8000  }
0xa4: {  	[hbm4b:s21+s3] =	stream.linear.scatter [tilespmem:s0], [sflag:$0x3], $0x8000, $0x38;
	[tilespmem:$0x10400] =	vst v63  }
0xa5: {  	_ =	swait.ge [sflag:s9], $0x8000  }
0xa6: {  	[sflag:s9] =	ssyncset.done $0x0  }
0xa7: {  	[sflag:s9] =	ssyncadd.s32 $0xFFFF8000  }
0xa8: {  	v3 =	vld [tilespmem:$0x180];
	_ =	sdelay $0x4  }
0xa9: {  	v58 =	vshll.u32 v3, $0x3  }
0xaa: {  	v3 =	vand.u32 $0x7, v3;
	v4 =	vand.u32 $0xFFFFFFC0, v58  }
0xab: {  	v3 =	vor.u32 v3, v4  }
0xac: {  	v4 =	vperm.xlane v3, v0;
	_ =	sdelay $0x1  }
0xad: {  	v4 =	vadd.s32 v1, v4;
	_ =	sdelay $0x4  }
0xae: {  	[tilespmem:s0], [sflag:$0x2] =	stream.indirect_vreg.gather [hbm4b:s2+s3], $0x80, v4, vm0, $0xb8;
	[tilespmem:$0x10400] =	vst v63  }
0xaf: {  	v3 =	vperm.xlane v3, v2  }
0xb0: {  	[tilespmem:s15], [sflag:$0x2] =	stream.indirect_vreg.gather [hbm4b:s5+s3], $0x80, v4, vm0, $0xb8;
	[tilespmem:$0x10400] =	vst v63  }
0xb1: {  	v3 =	vadd.s32 v1, v3  }
0xb2: {  	[tilespmem:s16], [sflag:$0x2] =	stream.indirect_vreg.gather [hbm4b:s6+s3], $0x80, v4, vm0, $0xb8;
	[tilespmem:$0x10400] =	vst v63  }
0xb3: {  	_ = 	snop  }
0xb4: {  	[tilespmem:s17], [sflag:$0x2] =	stream.indirect_vreg.gather [hbm4b:s7+s3], $0x80, v4, vm0, $0xb8;
	[tilespmem:$0x10400] =	vst v63  }
0xb5: {  	_ = 	snop  }
0xb6: {  	[tilespmem:s18], [sflag:$0x2] =	stream.indirect_vreg.gather [hbm4b:s2+s3], $0x80, v3, vm0, $0xb8;
	[tilespmem:$0x10400] =	vst v63  }
0xb7: {  	s21 =	simm.s32 $0xAC00  }
0xb8: {  	[tilespmem:s21], [sflag:$0x2] =	stream.indirect_vreg.gather [hbm4b:s5+s3], $0x80, v3, vm0, $0xb8;
	[tilespmem:$0x10400] =	vst v63  }
0xb9: {  	s21 =	simm.s32 $0xB400  }
0xba: {  	[tilespmem:s21], [sflag:$0x2] =	stream.indirect_vreg.gather [hbm4b:s6+s3], $0x80, v3, vm0, $0xb8;
	[tilespmem:$0x10400] =	vst v63  }
0xbb: {  	s21 =	simm.s32 $0xBC00  }
0xbc: {  	[tilespmem:s21], [sflag:$0x2] =	stream.indirect_vreg.gather [hbm4b:s7+s3], $0x80, v3, vm0, $0xb8;
	[tilespmem:$0x10400] =	vst v63  }
0xbd: {  	v3 =	vld [tilespmem:$0x190];
	_ =	sdelay $0x4  }
0xbe: {  	v59 =	vshll.u32 v3, $0x3  }
0xbf: {  	v3 =	vand.u32 $0x7, v3;
	v4 =	vand.u32 $0xFFFFFFC0, v59  }
0xc0: {  	v3 =	vor.u32 v3, v4  }
0xc1: {  	v4 =	vperm.xlane v3, v0;
	_ =	sdelay $0x1  }
0xc2: {  	v4 =	vadd.s32 v1, v4;
	_ =	sdelay $0x3  }
0xc3: {  	s21 =	simm.s32 $0xC400  }
0xc4: {  	[tilespmem:s21], [sflag:$0x2] =	stream.indirect_vreg.gather [hbm4b:s2+s3], $0x80, v4, vm0, $0xb8;
	[tilespmem:$0x10400] =	vst v63  }
0xc5: {  	v3 =	vperm.xlane v3, v2;
	s21 =	simm.s32 $0xCC00  }
0xc6: {  	[tilespmem:s21], [sflag:$0x2] =	stream.indirect_vreg.gather [hbm4b:s5+s3], $0x80, v4, vm0, $0xb8;
	[tilespmem:$0x10400] =	vst v63  }
0xc7: {  	v3 =	vadd.s32 v1, v3;
	s21 =	simm.s32 $0xD400  }
0xc8: {  	[tilespmem:s21], [sflag:$0x2] =	stream.indirect_vreg.gather [hbm4b:s6+s3], $0x80, v4, vm0, $0xb8;
	[tilespmem:$0x10400] =	vst v63  }
0xc9: {  	s21 =	simm.s32 $0xDC00  }
0xca: {  	[tilespmem:s21], [sflag:$0x2] =	stream.indirect_vreg.gather [hbm4b:s7+s3], $0x80, v4, vm0, $0xb8;
	[tilespmem:$0x10400] =	vst v63  }
0xcb: {  	s21 =	simm.s32 $0xE400  }
0xcc: {  	[tilespmem:s21], [sflag:$0x2] =	stream.indirect_vreg.gather [hbm4b:s2+s3], $0x80, v3, vm0, $0xb8;
	[tilespmem:$0x10400] =	vst v63  }
0xcd: {  	s21 =	simm.s32 $0xEC00  }
0xce: {  	[tilespmem:s21], [sflag:$0x2] =	stream.indirect_vreg.gather [hbm4b:s5+s3], $0x80, v3, vm0, $0xb8;
	[tilespmem:$0x10400] =	vst v63  }
0xcf: {  	s21 =	simm.s32 $0xF400  }
0xd0: {  	[tilespmem:s21], [sflag:$0x2] =	stream.indirect_vreg.gather [hbm4b:s6+s3], $0x80, v3, vm0, $0xb8;
	[tilespmem:$0x10400] =	vst v63  }
0xd1: {  	s21 =	simm.s32 $0xFC00  }
0xd2: {  	[tilespmem:s21], [sflag:$0x2] =	stream.indirect_vreg.gather [hbm4b:s7+s3], $0x80, v3, vm0, $0xb8;
	[tilespmem:$0x10400] =	vst v63  }
0xd3: {  	_ =	swait.ge [sflag:s19], $0x8000  }
0xd4: {  	[sflag:s19] =	ssyncset.done $0x0  }
0xd5: {  	s21 =	rddreg [dreg:$0x5];
	[sflag:s19] =	ssyncadd.s32 $0xFFFF8000  }
0xd6: {  	[hbm4b:s21+s3] =	stream.linear.scatter [tilespmem:s26], [sflag:$0x3], $0x8000, $0x38;
	[tilespmem:$0x10400] =	vst v63  }
0xd7: {  	_ =	swait.ge [sflag:s9], $0x8000  }
0xd8: {  	[sflag:s9] =	ssyncset.done $0x0  }
0xd9: {  	[sflag:s9] =	ssyncadd.s32 $0xFFFF8000  }
0xda: {  	v3 =	vld [tilespmem:$0x200];
	_ =	sdelay $0x4  }
0xdb: {  	v60 =	vshll.u32 v3, $0x3  }
0xdc: {  	v3 =	vand.u32 $0x7, v3;
	v4 =	vand.u32 $0xFFFFFFC0, v60  }
0xdd: {  	v3 =	vor.u32 v3, v4  }
0xde: {  	v4 =	vperm.xlane v3, v0;
	_ =	sdelay $0x1  }
0xdf: {  	v4 =	vadd.s32 v1, v4;
	_ =	sdelay $0x4  }
0xe0: {  	[tilespmem:s26], [sflag:$0x1] =	stream.indirect_vreg.gather [hbm4b:s2+s3], $0x80, v4, vm0, $0xb8;
	[tilespmem:$0x10400] =	vst v63  }
0xe1: {  	v3 =	vperm.xlane v3, v2  }
0xe2: {  	[tilespmem:s22], [sflag:$0x1] =	stream.indirect_vreg.gather [hbm4b:s5+s3], $0x80, v4, vm0, $0xb8;
	[tilespmem:$0x10400] =	vst v63  }
0xe3: {  	v3 =	vadd.s32 v1, v3  }
0xe4: {  	[tilespmem:s23], [sflag:$0x1] =	stream.indirect_vreg.gather [hbm4b:s6+s3], $0x80, v4, vm0, $0xb8;
	[tilespmem:$0x10400] =	vst v63  }
0xe5: {  	_ = 	snop  }
0xe6: {  	[tilespmem:s24], [sflag:$0x1] =	stream.indirect_vreg.gather [hbm4b:s7+s3], $0x80, v4, vm0, $0xb8;
	[tilespmem:$0x10400] =	vst v63  }
0xe7: {  	_ = 	snop  }
0xe8: {  	[tilespmem:s25], [sflag:$0x1] =	stream.indirect_vreg.gather [hbm4b:s2+s3], $0x80, v3, vm0, $0xb8;
	[tilespmem:$0x10400] =	vst v63  }
0xe9: {  	_ = 	snop  }
0xea: {  	[tilespmem:s28], [sflag:$0x1] =	stream.indirect_vreg.gather [hbm4b:s5+s3], $0x80, v3, vm0, $0xb8;
	[tilespmem:$0x10400] =	vst v63  }
0xeb: {  	_ = 	snop  }
0xec: {  	[tilespmem:s29], [sflag:$0x1] =	stream.indirect_vreg.gather [hbm4b:s6+s3], $0x80, v3, vm0, $0xb8;
	[tilespmem:$0x10400] =	vst v63  }
0xed: {  	_ = 	snop  }
0xee: {  	[tilespmem:s30], [sflag:$0x1] =	stream.indirect_vreg.gather [hbm4b:s7+s3], $0x80, v3, vm0, $0xb8;
	[tilespmem:$0x10400] =	vst v63  }
0xef: {  	v3 =	vld [tilespmem:$0x210];
	_ =	sdelay $0x4  }
0xf0: {  	v61 =	vshll.u32 v3, $0x3  }
0xf1: {  	v3 =	vand.u32 $0x7, v3;
	v4 =	vand.u32 $0xFFFFFFC0, v61  }
0xf2: {  	v3 =	vor.u32 v3, v4  }
0xf3: {  	v4 =	vperm.xlane v3, v0;
	_ =	sdelay $0x1  }
0xf4: {  	v4 =	vadd.s32 v1, v4;
	_ =	sdelay $0x4  }
0xf5: {  	[tilespmem:s31], [sflag:$0x1] =	stream.indirect_vreg.gather [hbm4b:s2+s3], $0x80, v4, vm0, $0xb8;
	[tilespmem:$0x10400] =	vst v63  }
0xf6: {  	v3 =	vperm.xlane v3, v2  }
0xf7: {  	[tilespmem:s1], [sflag:$0x1] =	stream.indirect_vreg.gather [hbm4b:s5+s3], $0x80, v4, vm0, $0xb8;
	[tilespmem:$0x10400] =	vst v63  }
0xf8: {  	v3 =	vadd.s32 v1, v3  }
0xf9: {  	[tilespmem:s10], [sflag:$0x1] =	stream.indirect_vreg.gather [hbm4b:s6+s3], $0x80, v4, vm0, $0xb8;
	[tilespmem:$0x10400] =	vst v63  }
0xfa: {  	_ = 	snop  }
0xfb: {  	[tilespmem:s4], [sflag:$0x1] =	stream.indirect_vreg.gather [hbm4b:s7+s3], $0x80, v4, vm0, $0xb8;
	[tilespmem:$0x10400] =	vst v63  }
0xfc: {  	_ = 	snop  }
0xfd: {  	[tilespmem:s11], [sflag:$0x1] =	stream.indirect_vreg.gather [hbm4b:s2+s3], $0x80, v3, vm0, $0xb8;
	[tilespmem:$0x10400] =	vst v63  }
0xfe: {  	_ = 	snop  }
0xff: {  	[tilespmem:s12], [sflag:$0x1] =	stream.indirect_vreg.gather [hbm4b:s5+s3], $0x80, v3, vm0, $0xb8;
	[tilespmem:$0x10400] =	vst v63  }
0x100: {  	_ = 	snop  }
0x101: {  	[tilespmem:s13], [sflag:$0x1] =	stream.indirect_vreg.gather [hbm4b:s6+s3], $0x80, v3, vm0, $0xb8;
	[tilespmem:$0x10400] =	vst v63  }
0x102: {  	_ = 	snop  }
0x103: {  	[tilespmem:s14], [sflag:$0x1] =	stream.indirect_vreg.gather [hbm4b:s7+s3], $0x80, v3, vm0, $0xb8;
	[tilespmem:$0x10400] =	vst v63  }
0x104: {  	_ =	swait.ge [sflag:s20], $0x8000  }
0x105: {  	[sflag:s20] =	ssyncset.done $0x0  }
0x106: {  	s1 =	rddreg [dreg:$0x6];
	[sflag:s20] =	ssyncadd.s32 $0xFFFF8000  }
0x107: {  	[hbm4b:s1+s3] =	stream.linear.scatter [tilespmem:s0], [sflag:$0x3], $0x8000, $0x38;
	[tilespmem:$0x10400] =	vst v63  }
0x108: {  	_ =	swait.ge [sflag:s9], $0x8000  }
0x109: {  	[sflag:s9] =	ssyncset.done $0x0  }
0x10a: {  	[sflag:s9] =	ssyncadd.s32 $0xFFFF8000  }
0x10b: {  	v3 =	vld [tilespmem:$0x280];
	_ =	sdelay $0x4  }
0x10c: {  	v62 =	vshll.u32 v3, $0x3  }
0x10d: {  	v3 =	vand.u32 $0x7, v3;
	v4 =	vand.u32 $0xFFFFFFC0, v62  }
0x10e: {  	v3 =	vor.u32 v3, v4  }
0x10f: {  	v4 =	vperm.xlane v3, v0;
	_ =	sdelay $0x1  }
0x110: {  	v4 =	vadd.s32 v1, v4;
	_ =	sdelay $0x4  }
0x111: {  	[tilespmem:s0], [sflag:$0x2] =	stream.indirect_vreg.gather [hbm4b:s2+s3], $0x80, v4, vm0, $0xb8;
	[tilespmem:$0x10400] =	vst v63  }
0x112: {  	v3 =	vperm.xlane v3, v2  }
0x113: {  	[tilespmem:s15], [sflag:$0x2] =	stream.indirect_vreg.gather [hbm4b:s5+s3], $0x80, v4, vm0, $0xb8;
	[tilespmem:$0x10400] =	vst v63  }
0x114: {  	v3 =	vadd.s32 v1, v3  }
0x115: {  	[tilespmem:s16], [sflag:$0x2] =	stream.indirect_vreg.gather [hbm4b:s6+s3], $0x80, v4, vm0, $0xb8;
	[tilespmem:$0x10400] =	vst v63  }
0x116: {  	_ = 	snop  }
0x117: {  	[tilespmem:s17], [sflag:$0x2] =	stream.indirect_vreg.gather [hbm4b:s7+s3], $0x80, v4, vm0, $0xb8;
	[tilespmem:$0x10400] =	vst v63  }
0x118: {  	_ = 	snop  }
0x119: {  	[tilespmem:s18], [sflag:$0x2] =	stream.indirect_vreg.gather [hbm4b:s2+s3], $0x80, v3, vm0, $0xb8;
	[tilespmem:$0x10400] =	vst v63  }
0x11a: {  	s21 =	simm.s32 $0xAC00  }
0x11b: {  	[tilespmem:s21], [sflag:$0x2] =	stream.indirect_vreg.gather [hbm4b:s5+s3], $0x80, v3, vm0, $0xb8;
	[tilespmem:$0x10400] =	vst v63  }
0x11c: {  	s21 =	simm.s32 $0xB400  }
0x11d: {  	[tilespmem:s21], [sflag:$0x2] =	stream.indirect_vreg.gather [hbm4b:s6+s3], $0x80, v3, vm0, $0xb8;
	[tilespmem:$0x10400] =	vst v63  }
0x11e: {  	s21 =	simm.s32 $0xBC00  }
0x11f: {  	[tilespmem:s21], [sflag:$0x2] =	stream.indirect_vreg.gather [hbm4b:s7+s3], $0x80, v3, vm0, $0xb8;
	[tilespmem:$0x10400] =	vst v63  }
0x120: {  	v3 =	vld [tilespmem:$0x290];
	_ =	sdelay $0x4  }
0x121: {  	v63 =	vshll.u32 v3, $0x3  }
0x122: {  	v3 =	vand.u32 $0x7, v3;
	v4 =	vand.u32 $0xFFFFFFC0, v63  }
0x123: {  	v3 =	vor.u32 v3, v4  }
0x124: {  	v4 =	vperm.xlane v3, v0;
	_ =	sdelay $0x1  }
0x125: {  	v4 =	vadd.s32 v1, v4;
	_ =	sdelay $0x3  }
0x126: {  	s21 =	simm.s32 $0xC400  }
0x127: {  	[tilespmem:s21], [sflag:$0x2] =	stream.indirect_vreg.gather [hbm4b:s2+s3], $0x80, v4, vm0, $0xb8;
	[tilespmem:$0x10400] =	vst v63  }
0x128: {  	v3 =	vperm.xlane v3, v2;
	s21 =	simm.s32 $0xCC00  }
0x129: {  	[tilespmem:s21], [sflag:$0x2] =	stream.indirect_vreg.gather [hbm4b:s5+s3], $0x80, v4, vm0, $0xb8;
	[tilespmem:$0x10400] =	vst v63  }
0x12a: {  	v3 =	vadd.s32 v1, v3;
	s21 =	simm.s32 $0xD400  }
0x12b: {  	[tilespmem:s21], [sflag:$0x2] =	stream.indirect_vreg.gather [hbm4b:s6+s3], $0x80, v4, vm0, $0xb8;
	[tilespmem:$0x10400] =	vst v63  }
0x12c: {  	s21 =	simm.s32 $0xDC00  }
0x12d: {  	[tilespmem:s21], [sflag:$0x2] =	stream.indirect_vreg.gather [hbm4b:s7+s3], $0x80, v4, vm0, $0xb8;
	[tilespmem:$0x10400] =	vst v63  }
0x12e: {  	s21 =	simm.s32 $0xE400  }
0x12f: {  	[tilespmem:s21], [sflag:$0x2] =	stream.indirect_vreg.gather [hbm4b:s2+s3], $0x80, v3, vm0, $0xb8;
	[tilespmem:$0x10400] =	vst v63  }
0x130: {  	s21 =	simm.s32 $0xEC00  }
0x131: {  	[tilespmem:s21], [sflag:$0x2] =	stream.indirect_vreg.gather [hbm4b:s5+s3], $0x80, v3, vm0, $0xb8;
	[tilespmem:$0x10400] =	vst v63  }
0x132: {  	s21 =	simm.s32 $0xF400  }
0x133: {  	[tilespmem:s21], [sflag:$0x2] =	stream.indirect_vreg.gather [hbm4b:s6+s3], $0x80, v3, vm0, $0xb8;
	[tilespmem:$0x10400] =	vst v63  }
0x134: {  	s21 =	simm.s32 $0xFC00  }
0x135: {  	[tilespmem:s21], [sflag:$0x2] =	stream.indirect_vreg.gather [hbm4b:s7+s3], $0x80, v3, vm0, $0xb8;
	[tilespmem:$0x10400] =	vst v63  }
0x136: {  	_ =	swait.ge [sflag:s19], $0x8000  }
0x137: {  	[sflag:s19] =	ssyncset.done $0x0  }
0x138: {  	s1 =	rddreg [dreg:$0x7];
	[sflag:s19] =	ssyncadd.s32 $0xFFFF8000  }
0x139: {  	[hbm4b:s1+s3] =	stream.linear.scatter [tilespmem:s26], [sflag:$0x3], $0x8000, $0x38;
	[tilespmem:$0x10400] =	vst v63  }
0x13a: {  	_ =	swait.ge [sflag:s9], $0x8000  }
0x13b: {  	[sflag:s9] =	ssyncset.done $0x0  }
0x13c: {  	[sflag:s9] =	ssyncadd.s32 $0xFFFF8000  }
0x13d: {  	_ =	swait.ge [sflag:s20], $0x8000  }
0x13e: {  	p0 =	sne.s32 s8, $0x1;
	[sflag:s20] =	ssyncset.done $0x0  }
.Ltmp0:
0x13f: {  	s1 =	rddreg [dreg:$0x8];
	[sflag:s20] =	ssyncadd.s32 $0xFFFF8000;
	(pc) =	sbr.rel @p0 .LBB2_1-.Ltmp0, $4  }
0x140: {  	[hbm4b:s1+s3] =	stream.linear.scatter [tilespmem:s0], [sflag:$0x3], $0x8000, $0x38;
	[tilespmem:$0x10400] =	vst v63  }
0x141: {  	_ =	swait.ge [sflag:s9], $0x8000  }
0x142: {  	[sflag:s9] =	ssyncset.done $0x0  }
0x143: {  	s8 =	sadd.s32 $0xFFFFFFFF, s8;
	[sflag:s9] =	ssyncadd.s32 $0xFFFF8000  }
0x144: {  	_ =	sfence.sel $0x180000  }
0x145: {  	[bflag:$0x0] =	sbarrier.arrive $0xFFFF  }
0x146: {  	_ =	strace $0x9000004D  }
0x147: {  	s0 =	stileid.u32;
	[bflag:$0x2] =	sbarrier.arrive $0xFFFF  }
0x148: {  	p0 =	sne.s32 s0, $0x0;
	s0 =	rddreg [dreg:$0x2]  }
0x149: {  	s0 =	sadd.s32 @!p0 $0x100000, s0  }
0x14a: {  	[sflag:s0] =	ssyncadd.tile.s32 @!p0 $0x1;
	_ =	shalt  }
.Lfunc_end2:
_tile_overlayer_lowered:
.L_overlay_start_2:
0x14b: {  	(tag) =	ssettag $0x2  }
0x14c: {  	s0 =	rddreg [dreg:$0x0];
	s2 =	stileid.u32  }
0x14d: {  	s1 =	rddreg [dreg:$0x1];
	p0 =	sne.s32 s2, $0x0  }
0x14e: {  	s3 =	rddreg [dreg:$0x2];
	[bflag:$0x3] =	sbarrier.arrive $0xFFFF;
	s2 =	simm.s32 @!p0 $0x1C03  }
0x14f: {  	[timem:s3], [sflag:s2] =	dma.local @!p0 [hbm:s0], s1  }
0x150: {  	s0 =	simm.s32 @!p0 $0x3  }
0x151: {  	_ =	swait.ge @!p0 [sflag:s0], s1  }
0x152: {  	s1 =	ssub.s32 @!p0 $0x0, s1;
	[sflag:s0] =	ssyncset.done @!p0 $0x0  }
0x153: {  	[sflag:s0] =	ssyncadd.s32 @!p0 s1  }
0x154: {  	[bflag:$0x3] =	sbarrier.arrive $0xFFFF  }
0x155: {  	_ =	shalt  }

// kernel: scatter_offload_async_start
scs
__scs_entry_jumppad:
0x0: {  	(pc) =	sbr.rel $0x88, $3  }
0x1: {  	(tag) =	ssettag $0x0;
	lr =	simm.s32 $0x1  }
0x2: {  	[smem:$0x3F96] =	sst lr;
	_ =	strace $0xD0000000  }
0x3: {  	_ = 	snop  }
0x4: {  	_ = 	snop  }
0x5: {  	_ = 	snop  }
0x6: {  	_ = 	snop  }
0x7: {  	_ = 	snop  }
__scs_overlays_trampoline_lowered:
0x8: {  	[smem:$0x3FA5] =	sst s0  }
0x9: {  	[smem:$0x3FA6] =	sst s1  }
0xa: {  	[smem:$0x3FA7] =	sst s2  }
0xb: {  	[smem:$0x3FA8] =	sst s3  }
0xc: {  	[smem:$0x3FA9] =	sst s4  }
0xd: {  	[smem:$0x3FAA] =	sst s5  }
0xe: {  	[smem:$0x3FAB] =	sst s6  }
0xf: {  	[smem:$0x3FAC] =	sst s7  }
0x10: {  	[smem:$0x3FAD] =	sst s8  }
0x11: {  	[smem:$0x3FAE] =	sst s9;
	s0 =	simm.s32 @!p0 $0x0  }
0x12: {  	s1 =	sld [smem:$0x3F94];
	s0 =	simm.s32 @p0 $0x1  }
0x13: {  	[smem:$0x3FAF] =	sst s0;
	s0 =	simm.s32 @!p1 $0x0  }
0x14: {  	s2 =	sld [smem:$0x3F93];
	s0 =	simm.s32 @p1 $0x1  }
0x15: {  	[smem:$0x3FB0] =	sst s0;
	s0 =	simm.s32 @!p2 $0x0  }
0x16: {  	s3 =	sld [smem:$0x3FDB];
	s0 =	simm.s32 @p2 $0x1  }
0x17: {  	s4 =	simm.s32 $0x1BF5;
	[smem:$0x3FB2] =	sst s0  }
0x18: {  	s0 =	sld [smem:$0x3F95];
	_ =	swait.ge [sflag:s4], $0x0  }
0x19: {  	s7 =	sld [smem:$0x3F96]  }
0x1a: {  	s8 =	sadd.s32 $0xFFFFE003, lr  }
0x1b: {  	s9 =	sadd.s32 $0xFFFFFEF7, lr;
	s5 =	simm.s32 $0xFFFFFFFF;
	p2 =	slt.u32 s8, $0xFFFFF086  }
0x1c: {  	p1 =	slt.u32 s9, $0xF7A;
	s5 =	simm.s32 @!p2 $0x0  }
0x1d: {  	s5 =	simm.s32 @p1 $0x1;
	p0 =	seq.s32 s7, s2  }
0x1e: {  	s7 =	smul.u32 @!p0 $0xF7A, s2;
	p2 =	seq.s32 @!p0 s5, $0x0  }
0x1f: {  	s9 =	smul.u32 $0xF7A, s1;
	s8 =	simm.s32 @!p0 $0x1BF5;
	p2 =	por !p2, p0  }
0x20: {  	[sflag:s8] =	ssyncset.s32 @!p0 $0xFFFFF086;
	s6 =	sadd.s32 @!p0 s3, s7;
	s7 =	simm.s32 @!p0 $0x108  }
0x21: {  	s3 =	sadd.s32 s3, s9;
	s6 =	sadd.s32 @!p0 $0x88, s6;
	s7 =	simm.s32 @p2 $0x1082  }
0x22: {  	[simem:s7], [sflag:s8] =	dma.local @!p0 [hbm:s6], $0xF7A  }
0x23: {  	s9 =	sor.u32 $0xD0000000, s2;
	s6 =	simm.s32 $0x108;
	_ =	swait.ge @!p0 [sflag:s8], $0x0  }
0x24: {  	s3 =	sadd.s32 $0x88, s3;
	s6 =	simm.s32 @!p1 $0x1082;
	[sflag:s4] =	ssyncset.s32 $0xFFFFF086  }
0x25: {  	[simem:s6], [sflag:s4] =	dma.local [hbm:s3], $0xF7A  }
0x26: {  	[smem:$0x3F96] =	sst s1;
	(tag) =	ssettag s2;
	_ =	strace s9  }
0x27: {  	s1 =	sld [smem:$0x3FA6]  }
0x28: {  	s2 =	sld [smem:$0x3FA7]  }
0x29: {  	s4 =	sld [smem:$0x3FA9]  }
0x2a: {  	p0 =	seq.s32 s5, $0x0;
	s5 =	sld [smem:$0x3FAA]  }
0x2b: {  	s6 =	sld [smem:$0x3FAB]  }
0x2c: {  	s7 =	sld [smem:$0x3FAC]  }
0x2d: {  	s3 =	simm.s32 $0x108;
	s8 =	sld [smem:$0x3FAD]  }
0x2e: {  	s3 =	simm.s32 @!p0 $0x1082;
	s9 =	sld [smem:$0x3FAE]  }
0x2f: {  	lr =	sadd.s32 s0, s3;
	s0 =	sld [smem:$0x3FA5]  }
0x30: {  	s3 =	sld [smem:$0x3FA8]  }
0x31: {  	[smem:$0x3FB1] =	sst s10  }
0x32: {  	s10 =	sld [smem:$0x3FAF];
	_ =	sdelay $0x3  }
0x33: {  	p0 =	seq.s32 s10, $0x1;
	s10 =	sld [smem:$0x3FB1];
	_ =	sdelay $0x3  }
0x34: {  	[smem:$0x3FB1] =	sst s10  }
0x35: {  	s10 =	sld [smem:$0x3FB0];
	_ =	sdelay $0x3  }
0x36: {  	p1 =	seq.s32 s10, $0x1;
	s10 =	sld [smem:$0x3FB1];
	_ =	sdelay $0x3  }
0x37: {  	[smem:$0x3FB1] =	sst s10  }
0x38: {  	s10 =	sld [smem:$0x3FB2]  }
0x39: {  	_ = 	snop;
	(pc) =	sbr.ind lr, $3  }
0x3a: {  	_ = 	snop  }
0x3b: {  	_ = 	snop  }
0x3c: {  	p2 =	seq.s32 s10, $0x1;
	s10 =	sld [smem:$0x3FB1]  }
0x3d: {  	_ =	shalt  }
0x3e: {  	_ =	shalt  }
0x3f: {  	_ =	shalt  }
0x40: {  	_ =	shalt  }
0x41: {  	_ =	shalt  }
0x42: {  	_ =	shalt  }
0x43: {  	_ =	shalt  }
0x44: {  	_ =	shalt  }
0x45: {  	_ =	shalt  }
0x46: {  	_ =	shalt  }
0x47: {  	_ =	shalt  }
0x48: {  	_ =	shalt  }
0x49: {  	_ =	shalt  }
0x4a: {  	_ =	shalt  }
0x4b: {  	_ =	shalt  }
0x4c: {  	_ =	shalt  }
0x4d: {  	_ =	shalt  }
0x4e: {  	_ =	shalt  }
0x4f: {  	_ =	shalt  }
0x50: {  	_ =	shalt  }
0x51: {  	_ =	shalt  }
0x52: {  	_ =	shalt  }
0x53: {  	_ =	shalt  }
0x54: {  	_ =	shalt  }
0x55: {  	_ =	shalt  }
0x56: {  	_ =	shalt  }
0x57: {  	_ =	shalt  }
0x58: {  	_ =	shalt  }
0x59: {  	_ =	shalt  }
0x5a: {  	_ =	shalt  }
0x5b: {  	_ =	shalt  }
0x5c: {  	_ =	shalt  }
0x5d: {  	_ =	shalt  }
0x5e: {  	_ =	shalt  }
0x5f: {  	_ =	shalt  }
0x60: {  	_ =	shalt  }
0x61: {  	_ =	shalt  }
0x62: {  	_ =	shalt  }
0x63: {  	_ =	shalt  }
0x64: {  	_ =	shalt  }
0x65: {  	_ =	shalt  }
0x66: {  	_ =	shalt  }
0x67: {  	_ =	shalt  }
0x68: {  	_ =	shalt  }
0x69: {  	_ =	shalt  }
0x6a: {  	_ =	shalt  }
0x6b: {  	_ =	shalt  }
0x6c: {  	_ =	shalt  }
0x6d: {  	_ =	shalt  }
0x6e: {  	_ =	shalt  }
0x6f: {  	_ =	shalt  }
0x70: {  	_ =	shalt  }
0x71: {  	_ =	shalt  }
0x72: {  	_ =	shalt  }
0x73: {  	_ =	shalt  }
0x74: {  	_ =	shalt  }
0x75: {  	_ =	shalt  }
0x76: {  	_ =	shalt  }
0x77: {  	_ =	shalt  }
0x78: {  	_ =	shalt  }
0x79: {  	_ =	shalt  }
0x7a: {  	_ =	shalt  }
0x7b: {  	_ =	shalt  }
0x7c: {  	_ =	shalt  }
0x7d: {  	_ =	shalt  }
0x7e: {  	_ =	shalt  }
0x7f: {  	_ =	shalt  }
0x80: {  	_ =	shalt  }
0x81: {  	_ =	shalt  }
0x82: {  	_ =	shalt  }
0x83: {  	_ =	shalt  }
0x84: {  	_ =	shalt  }
0x85: {  	_ =	shalt  }
0x86: {  	_ =	shalt  }
0x87: {  	_ =	shalt  }
.Lfunc_end0:
.L_simem_size_0:
called_computation_lowered:
.L_overlay_start_0:
0x88: {  	s0 =	sld [smem:$0x3FD9]  }
0x89: {  	s1 =	sld [smem:$0x3FFE];
	_ =	sdelay $0x3  }
0x8a: {  	s0 =	sadd.s32 s1, s0  }
0x8b: {  	[smem:$0x3FBD] =	sst s0  }
0x8c: {  	_ = 	snop  }
0x8d: {  	(tm) =	ssettm $0x1  }
0x8e: {  	s15 =	sld [smem:$0x3FFB];
	_ =	sdelay $0x3  }
0x8f: {  	_ =	strace s15  }
0x90: {  	s0 =	sld [smem:$0x3FFC];
	_ =	sdelay $0x3  }
0x91: {  	_ =	strace s0  }
0x92: {  	s0 =	sld [smem:$0x3FFD];
	_ =	sdelay $0x3  }
0x93: {  	_ =	strace s0  }
0x94: {  	_ =	strace $0x8FFFFFFF  }
0x95: {  	s16 =	sld [smem:$0x3FDB];
	_ =	sdelay $0x1  }
0x96: {  	s17 =	simm.s32 $_scs_section_size  }
0x97: {  	s2 =	simm.s32 $_size__tile_overlayer_lowered;
	s3 =	simm.s32 $_tile_overlayer_lowered  }
0x98: {  	s20 =	simm.s32 $0x1BFF;
	s19 =	sshll.u32 s3, $0x1;
	s0 =	sadd.s32 s17, s16  }
0x99: {  	s4 =	simm.s32 $0x0;
	s18 =	sshll.u32 s2, $0x1;
	s2 =	sadd.s32 s19, s0  }
0x9a: {  	[timem:s4], [sflag:s20] =	dma.local [hbm:s2], s18  }
0x9b: {  	_ =	swait.ge [sflag:s20], s18  }
0x9c: {  	s1 =	ssub.s32 $0x0, s18;
	[sflag:s20] =	ssyncset.done $0x0  }
0x9d: {  	[sflag:s20] =	ssyncadd.s32 s1;
	_ =	sdelay $0x1  }
0x9e: {  	s21 =	simm.s32 $0x1B8B  }
0x9f: {  	_ =	swait.ge [sflag:s21], $0x1  }
0xa0: {  	[sflag:s21] =	ssyncset.done $0x0  }
0xa1: {  	s23 =	simm.s32 $0x1B8E;
	s22 =	sld [smem:$0x3FFE];
	[sflag:s21] =	ssyncadd.s32 $0xFFFFFFFF  }
0xa2: {  	s24 =	simm.s32 $execute0_lowered;
	[smem:$0x3FD2] =	sst s23  }
0xa3: {  	s2 =	sshll.u32 s24, $0x1;
	_ =	strace $0x80000046;
	[dreg:$0x1] =	wrdreg $0xFFFFFFFF  }
0xa4: {  	s25 =	simm.s32 $_size_execute0_lowered;
	s0 =	sadd.s32 s0, s2;
	[dreg:$0x0] =	wrdreg $0x0  }
0xa5: {  	s2 =	sshll.u32 s25, $0x1;
	[dreg:$0x2] =	wrdreg s0  }
0xa6: {  	[dreg:$0x3] =	wrdreg s2  }
0xa7: {  	[dreg:$0x4] =	wrdreg $0xC0  }
0xa8: {  	_ =	task [dreg:s4], $0x5FFFF  }
0xa9: {  	[dreg:$0x1] =	wrdreg $0xFFFFFFFF  }
0xaa: {  	[dreg:$0x0] =	wrdreg $0x60  }
0xab: {  	[dreg:$0x2] =	wrdreg s22  }
0xac: {  	[dreg:$0x3] =	wrdreg $0x9  }
0xad: {  	_ =	task.clear_ibuf [dreg:s4], $0x4FFFF;
	_ =	strace $0x90000046  }
0xae: {  	s26 =	simm.s32 $0x9;
	_ =	strace $0x80000048  }
0xaf: {  	_ =	swait.ge [sflag:s26], $0x1  }
0xb0: {  	[sflag:s26] =	ssyncadd.s32 $0xFFFFFFFF  }
0xb1: {  	_ =	strace $0x90000048  }
0xb2: {  	_ =	sfence  }
0xb3: {  	s28 =	sld [smem:$0x0];
	_ =	sdelay $0x1  }
0xb4: {  	s29 =	srdreg.scid  }
0xb5: {  	s30 =	sshll.u32 s29, $0xD;
	s31 =	sshrl.u32 s29, $0x2  }
0xb6: {  	s1 =	sand.u32 $0x1, s29;
	s2 =	sand.u32 $0x4000, s30;
	s0 =	sadd.s32 s31, s28  }
0xb7: {  	s1 =	sor.u32 s2, s1;
	s0 =	sshll.u32 s0, $0x11  }
0xb8: {  	s0 =	sor.u32 s0, s1  }
0xb9: {  	s0 =	sadd.s32 $0x8F2B, s0  }
0xba: {  	[sflag:s0] =	ssyncadd.remote.s32 $0x1  }
0xbb: {  	_ =	sfence.sel $0xFFFF  }
0xbc: {  	[dreg:$0x0] =	wrdreg $0xFFFFFFFF;
	(pc) =	sbr.abs _section_cstart, $3  }
0xbd: {  	[dreg:$0x1] =	wrdreg $0xFFFFFFFF  }
0xbe: {  	_ =	task.clear_ibuf [dreg:s4], $0x2FFFF;
	_ =	strace $0x9FFFFFFF  }
0xbf: {  	(tm) =	ssettm $0x7FFFFFFF  }
tec
execute0_lowered:
.L_overlay_start_1:
0x0: {  	(tag) =	ssettag $0x1  }
0x1: {  	s5 =	rddreg [dreg:$0x0]  }
0x2: {  	s0 =	rddreg [dreg:$0x1];
	_ =	strace $0x80000047;
	s6 =	stileid.u32  }
0x3: {  	s3 =	simm.s32 $0x3E;
	s1 =	sadd.s32 $0x1800, s5;
	p0 =	sne.s32 s6, $0x0  }
0x4: {  	[sflag:s3] =	ssyncpa.u1 $0x0;
	s4 =	simm.s32 @!p0 $0x1C3E;
	s2 =	simm.s32 @!p0 $0x0  }
0x5: {  	[spmem:s2], [sflag:s4] =	dma.local @!p0 [hbm:s1], $0x10  }
0x6: {  	s4 =	simm.s32 @!p0 $0x3E  }
0x7: {  	_ =	swait.ge @!p0 [sflag:s4], $0x10  }
0x8: {  	[sflag:s4] =	ssyncset.done @!p0 $0x0  }
0x9: {  	s9 =	simm.s32 $0x108;
	[sflag:s4] =	ssyncadd.s32 @!p0 $0xFFFFFFF0  }
0xa: {  	s7 =	sadd.s32 $0x1600, s5;
	s8 =	sadd.s32 $0x1A00, s5;
	[bflag:$0x0] =	sbarrier.arrive $0xFFFF  }
0xb: {  	s6 =	sshll.u32 s6, $0x5;
	[sflag:s3] =	ssyncpa.u1 $0x1;
	s3 =	simm.s32 $0x1  }
0xc: {  	s5 =	simm.s32 $0x0;
	s4 =	simm.s32 $0x2;
	[sflag:s3] =	ssyncpa.u1 $0x0  }
0xd: {  	s7 =	sadd.s32 s7, s6;
	(ifvalue) =	ssetifvalue $0x80;
	[sflag:s4] =	ssyncpa.u1 $0x0  }
0xe: {  	[tilespmem:s9], [sflag:$0x2] =	stream.linear.gather [hbm4b:s7+s5], $0x100, $0x38;
	[tilespmem:$0x408] =	vst v63  }
0xf: {  	s23 =	simm.s32 $0x308;
	s6 =	sadd.s32 s8, s6  }
0x10: {  	[tilespmem:s23], [sflag:$0x2] =	stream.linear.gather [hbm4b:s6+s5], $0x100, $0x38;
	[tilespmem:$0x408] =	vst v63  }
0x11: {  	_ =	swait.ge [sflag:s4], $0x200  }
0x12: {  	[sflag:s4] =	ssyncset.done $0x0  }
0x13: {  	[sflag:s4] =	ssyncadd.s32 $0xFFFFFE00  }
0x14: {  	v0 =	vld.msk [tilespmem:s9+$0x0 ss:$0x1], $0xffff;
	_ =	sdelay $0x4  }
0x15: {  	v0 =	vmin.u32 v0, $0x80;
	_ =	sdelay $0x3  }
0x16: {  	vm0 =	vmmov $0xffff;
	s24 =	simm.s32 $0x118  }
0x17: {  	[spmem:s5] =	stream.indirect_vreg.scatter.add.s32 [tilespmem:s23], [sflag:$0x1], $0x1, v0, vm0, $0x4038;
	[tilespmem:$0x408] =	vst v63  }
0x18: {  	v0 =	vld.msk [tilespmem:s24+$0x0 ss:$0x1], $0xffff;
	_ =	sdelay $0x4  }
0x19: {  	v0 =	vmin.u32 v0, $0x80;
	_ =	sdelay $0x3  }
0x1a: {  	s25 =	simm.s32 $0x318;
	s26 =	simm.s32 $0x128  }
0x1b: {  	[spmem:s5] =	stream.indirect_vreg.scatter.add.s32 [tilespmem:s25], [sflag:$0x1], $0x1, v0, vm0, $0x4038;
	[tilespmem:$0x408] =	vst v63  }
0x1c: {  	v0 =	vld.msk [tilespmem:s26+$0x0 ss:$0x1], $0xffff;
	_ =	sdelay $0x4  }
0x1d: {  	v0 =	vmin.u32 v0, $0x80;
	_ =	sdelay $0x3  }
0x1e: {  	s28 =	simm.s32 $0x328;
	s29 =	simm.s32 $0x138  }
0x1f: {  	[spmem:s5] =	stream.indirect_vreg.scatter.add.s32 [tilespmem:s28], [sflag:$0x1], $0x1, v0, vm0, $0x4038;
	[tilespmem:$0x408] =	vst v63  }
0x20: {  	v0 =	vld.msk [tilespmem:s29+$0x0 ss:$0x1], $0xffff;
	_ =	sdelay $0x4  }
0x21: {  	v0 =	vmin.u32 v0, $0x80;
	_ =	sdelay $0x3  }
0x22: {  	s30 =	simm.s32 $0x338;
	s31 =	simm.s32 $0x148  }
0x23: {  	[spmem:s5] =	stream.indirect_vreg.scatter.add.s32 [tilespmem:s30], [sflag:$0x1], $0x1, v0, vm0, $0x4038;
	[tilespmem:$0x408] =	vst v63  }
0x24: {  	v0 =	vld.msk [tilespmem:s31+$0x0 ss:$0x1], $0xffff;
	_ =	sdelay $0x4  }
0x25: {  	v0 =	vmin.u32 v0, $0x80;
	_ =	sdelay $0x3  }
0x26: {  	s8 =	simm.s32 $0x158;
	s7 =	simm.s32 $0x348  }
0x27: {  	[spmem:s5] =	stream.indirect_vreg.scatter.add.s32 [tilespmem:s7], [sflag:$0x1], $0x1, v0, vm0, $0x4038;
	[tilespmem:$0x408] =	vst v63  }
0x28: {  	v0 =	vld.msk [tilespmem:s8+$0x0 ss:$0x1], $0xffff;
	_ =	sdelay $0x4  }
0x29: {  	v0 =	vmin.u32 v0, $0x80;
	_ =	sdelay $0x3  }
0x2a: {  	s10 =	simm.s32 $0x168;
	s9 =	simm.s32 $0x358  }
0x2b: {  	[spmem:s5] =	stream.indirect_vreg.scatter.add.s32 [tilespmem:s9], [sflag:$0x1], $0x1, v0, vm0, $0x4038;
	[tilespmem:$0x408] =	vst v63  }
0x2c: {  	v0 =	vld.msk [tilespmem:s10+$0x0 ss:$0x1], $0xffff;
	_ =	sdelay $0x4  }
0x2d: {  	v0 =	vmin.u32 v0, $0x80;
	_ =	sdelay $0x3  }
0x2e: {  	s11 =	simm.s32 $0x368;
	s12 =	simm.s32 $0x178  }
0x2f: {  	[spmem:s5] =	stream.indirect_vreg.scatter.add.s32 [tilespmem:s11], [sflag:$0x1], $0x1, v0, vm0, $0x4038;
	[tilespmem:$0x408] =	vst v63  }
0x30: {  	v0 =	vld.msk [tilespmem:s12+$0x0 ss:$0x1], $0xffff;
	_ =	sdelay $0x4  }
0x31: {  	v0 =	vmin.u32 v0, $0x80;
	_ =	sdelay $0x3  }
0x32: {  	s13 =	simm.s32 $0x378;
	s14 =	simm.s32 $0x188  }
0x33: {  	[spmem:s5] =	stream.indirect_vreg.scatter.add.s32 [tilespmem:s13], [sflag:$0x1], $0x1, v0, vm0, $0x4038;
	[tilespmem:$0x408] =	vst v63  }
0x34: {  	v0 =	vld.msk [tilespmem:s14+$0x0 ss:$0x1], $0xffff;
	_ =	sdelay $0x4  }
0x35: {  	v0 =	vmin.u32 v0, $0x80;
	_ =	sdelay $0x3  }
0x36: {  	s15 =	simm.s32 $0x388;
	s16 =	simm.s32 $0x198  }
0x37: {  	[spmem:s5] =	stream.indirect_vreg.scatter.add.s32 [tilespmem:s15], [sflag:$0x1], $0x1, v0, vm0, $0x4038;
	[tilespmem:$0x408] =	vst v63  }
0x38: {  	v0 =	vld.msk [tilespmem:s16+$0x0 ss:$0x1], $0xffff;
	_ =	sdelay $0x4  }
0x39: {  	v0 =	vmin.u32 v0, $0x80;
	_ =	sdelay $0x3  }
0x3a: {  	s17 =	simm.s32 $0x398;
	s18 =	simm.s32 $0x1A8  }
0x3b: {  	[spmem:s5] =	stream.indirect_vreg.scatter.add.s32 [tilespmem:s17], [sflag:$0x1], $0x1, v0, vm0, $0x4038;
	[tilespmem:$0x408] =	vst v63  }
0x3c: {  	v0 =	vld.msk [tilespmem:s18+$0x0 ss:$0x1], $0xffff;
	_ =	sdelay $0x4  }
0x3d: {  	v0 =	vmin.u32 v0, $0x80;
	_ =	sdelay $0x3  }
0x3e: {  	s19 =	simm.s32 $0x3A8;
	s20 =	simm.s32 $0x1B8  }
0x3f: {  	[spmem:s5] =	stream.indirect_vreg.scatter.add.s32 [tilespmem:s19], [sflag:$0x1], $0x1, v0, vm0, $0x4038;
	[tilespmem:$0x408] =	vst v63  }
0x40: {  	v0 =	vld.msk [tilespmem:s20+$0x0 ss:$0x1], $0xffff;
	_ =	sdelay $0x4  }
0x41: {  	v0 =	vmin.u32 v0, $0x80;
	_ =	sdelay $0x3  }
0x42: {  	s21 =	simm.s32 $0x3B8;
	s22 =	simm.s32 $0x1C8  }
0x43: {  	[spmem:s5] =	stream.indirect_vreg.scatter.add.s32 [tilespmem:s21], [sflag:$0x1], $0x1, v0, vm0, $0x4038;
	[tilespmem:$0x408] =	vst v63  }
0x44: {  	v0 =	vld.msk [tilespmem:s22+$0x0 ss:$0x1], $0xffff;
	_ =	sdelay $0x4  }
0x45: {  	v0 =	vmin.u32 v0, $0x80;
	_ =	sdelay $0x3  }
0x46: {  	s23 =	simm.s32 $0x3C8;
	s24 =	simm.s32 $0x1D8  }
0x47: {  	[spmem:s5] =	stream.indirect_vreg.scatter.add.s32 [tilespmem:s23], [sflag:$0x1], $0x1, v0, vm0, $0x4038;
	[tilespmem:$0x408] =	vst v63  }
0x48: {  	v0 =	vld.msk [tilespmem:s24+$0x0 ss:$0x1], $0xffff;
	_ =	sdelay $0x4  }
0x49: {  	v0 =	vmin.u32 v0, $0x80;
	_ =	sdelay $0x3  }
0x4a: {  	s25 =	simm.s32 $0x3D8;
	s26 =	simm.s32 $0x1E8  }
0x4b: {  	[spmem:s5] =	stream.indirect_vreg.scatter.add.s32 [tilespmem:s25], [sflag:$0x1], $0x1, v0, vm0, $0x4038;
	[tilespmem:$0x408] =	vst v63  }
0x4c: {  	v0 =	vld.msk [tilespmem:s26+$0x0 ss:$0x1], $0xffff;
	_ =	sdelay $0x4  }
0x4d: {  	v0 =	vmin.u32 v0, $0x80;
	_ =	sdelay $0x3  }
0x4e: {  	s28 =	simm.s32 $0x3E8;
	s29 =	simm.s32 $0x1F8  }
0x4f: {  	[spmem:s5] =	stream.indirect_vreg.scatter.add.s32 [tilespmem:s28], [sflag:$0x1], $0x1, v0, vm0, $0x4038;
	[tilespmem:$0x408] =	vst v63  }
0x50: {  	v0 =	vld.msk [tilespmem:s29+$0x0 ss:$0x1], $0xffff;
	_ =	sdelay $0x4  }
0x51: {  	v0 =	vmin.u32 v0, $0x80;
	_ =	sdelay $0x3  }
0x52: {  	s30 =	simm.s32 $0x3F8  }
0x53: {  	[spmem:s5] =	stream.indirect_vreg.scatter.add.s32 [tilespmem:s30], [sflag:$0x1], $0x1, v0, vm0, $0x4038;
	[tilespmem:$0x408] =	vst v63  }
0x54: {  	_ =	swait.ge [sflag:s3], $0x100  }
0x55: {  	[sflag:s3] =	ssyncset.done $0x0  }
0x56: {  	[sflag:s3] =	ssyncadd.s32 $0xFFFFFF00  }
0x57: {  	_ =	sfence.sel $0x180000  }
0x58: {  	[bflag:$0x0] =	sbarrier.arrive $0xFFFF  }
0x59: {  	[sflag:s4] =	ssyncpa.u1 $0x1  }
0x5a: {  	[sflag:s3] =	ssyncpa.u1 $0x1  }
0x5b: {  	_ =	sfence.stream.spmem  }
0x5c: {  	s31 =	simm.s32 $0x3D;
	[bflag:$0x0] =	sbarrier.arrive $0xFFFF  }
0x5d: {  	s3 =	simm.s32 @p0 $0x3D;
	[sflag:s31] =	ssyncpa.u1 $0x0  }
0x5e: {  	[sflag:s3] =	ssyncpa.u1 @p0 $0x1  }
0x5f: {  	[bflag:$0x0] =	sbarrier.arrive @p0 $0xFFFF  }
0x60: {  	_ =	strace @p0 $0x90000047  }
0x61: {  	s3 =	simm.s32 @!p0 $0x1C3D;
	[bflag:$0x2] =	sbarrier.arrive @p0 $0xFFFF  }
0x62: {  	[hbm:s1], [sflag:s3] =	dma.local @!p0 [spmem:s2], $0x10  }
0x63: {  	s1 =	simm.s32 @!p0 $0x3D  }
0x64: {  	_ =	swait.ge @!p0 [sflag:s1], $0x10  }
0x65: {  	[sflag:s1] =	ssyncset.done @!p0 $0x0  }
0x66: {  	[sflag:s1] =	ssyncadd.s32 @!p0 $0xFFFFFFF0  }
0x67: {  	[sflag:s1] =	ssyncpa.u1 @!p0 $0x1  }
0x68: {  	[bflag:$0x0] =	sbarrier.arrive @!p0 $0xFFFF  }
0x69: {  	_ =	strace @!p0 $0x90000047  }
0x6a: {  	s0 =	sadd.s32 @!p0 $0x100000, s0;
	[bflag:$0x2] =	sbarrier.arrive @!p0 $0xFFFF  }
0x6b: {  	[sflag:s0] =	ssyncadd.tile.s32 @!p0 $0x1;
	_ =	shalt  }
.Lfunc_end2:
_tile_overlayer_lowered:
.L_overlay_start_2:
0x6c: {  	(tag) =	ssettag $0x2  }
0x6d: {  	s0 =	rddreg [dreg:$0x0];
	s2 =	stileid.u32  }
0x6e: {  	s1 =	rddreg [dreg:$0x1];
	p0 =	sne.s32 s2, $0x0  }
0x6f: {  	s3 =	rddreg [dreg:$0x2];
	[bflag:$0x3] =	sbarrier.arrive $0xFFFF;
	s2 =	simm.s32 @!p0 $0x1C01  }
0x70: {  	[timem:s3], [sflag:s2] =	dma.local @!p0 [hbm:s0], s1  }
0x71: {  	s0 =	simm.s32 @!p0 $0x1  }
0x72: {  	_ =	swait.ge @!p0 [sflag:s0], s1  }
0x73: {  	s1 =	ssub.s32 @!p0 $0x0, s1;
	[sflag:s0] =	ssyncset.done @!p0 $0x0  }
0x74: {  	[sflag:s0] =	ssyncadd.s32 @!p0 s1  }
0x75: {  	[bflag:$0x3] =	sbarrier.arrive $0xFFFF  }
0x76: {  	_ =	shalt  }

</sc_bundles>
